<compile_context>
chip_gen: v7x
topology: tpu7x:2x2x1
jax: 0.10.2.dev20260603
libtpu: 0.0.44.dev20260713+nightly
codegen_flags: <defaults>
</compile_context>

<pallas_src>
import jax
import jax.numpy as jnp
from jax import lax
from jax.experimental import pallas as pl
from jax.experimental.pallas import tpu as pltpu
from jax.experimental.pallas import tpu_sc as plsc

NUM_REGIMES = 100000
LATENT_DIM = 64
BATCH = 16384

NC = 2
NS = 16
NW = NC * NS
FPW = LATENT_DIM // NW
CHUNKB = 4096
N_CB = BATCH // CHUNKB
UNK_BIT = 1 << 17


def _body(pk_hbm, mu_t, lv_t, mu_unk, lv_unk,
          mu_out_t, lv_out_t,
          stage_v, pk_v, out_c, unk_v, rsem, wsem):
    wid = lax.axis_index("s") * NC + lax.axis_index("c")
    f0 = wid * FPW

    pltpu.async_copy(mu_t.at[f0], stage_v, rsem)
    pltpu.sync_copy(pk_hbm, pk_v)
    pltpu.sync_copy(mu_unk, unk_v.at[pl.ds(0, LATENT_DIM)])
    pltpu.sync_copy(lv_unk, unk_v.at[pl.ds(LATENT_DIM, LATENT_DIM)])

    jobs = []
    for j in range(FPW):
        jobs.append((mu_t, mu_out_t, 0, j))
    for j in range(FPW):
        jobs.append((lv_t, lv_out_t, LATENT_DIM, j))

    for n, (tab, out_t, ubase, j) in enumerate(jobs):
        f = f0 + j
        pltpu.make_async_copy(tab.at[f], stage_v, rsem).wait()

        uv = unk_v[pl.ds(ubase + f0 + j, 16)]
        us = lax.broadcast(uv[0], (16,))

        for cb in range(N_CB):
            b = cb % 2

            @pl.when(cb >= 2)
            def _(b=b, out_t=out_t, f=f):
                pltpu.make_async_copy(
                    out_c.at[b], out_t.at[pl.ds(f, 1), pl.ds(0, CHUNKB)],
                    wsem).wait()

            @plsc.parallel_loop(0, CHUNKB // 16, unroll=16)
            def grp(g, cb=cb, b=b, us=us):
                iv = pk_v[pl.ds(cb * CHUNKB + 16 * g, 16)]
                idx = lax.bitwise_and(iv, UNK_BIT - 1)
                fl = lax.shift_right_logical(iv, 17)
                gat = plsc.load_gather(stage_v, (idx,))
                out_c[b, 0, pl.ds(16 * g, 16)] = jnp.where(fl != 0, us, gat)
            pltpu.async_copy(
                out_c.at[b], out_t.at[pl.ds(f, 1), pl.ds(cb * CHUNKB, CHUNKB)],
                wsem)

        if n + 1 < len(jobs):
            ntab, _, _, nj = jobs[n + 1]
            pltpu.async_copy(ntab.at[f0 + nj], stage_v, rsem)

        pltpu.make_async_copy(
            out_c.at[0], out_t.at[pl.ds(f, 1), pl.ds(0, CHUNKB)], wsem).wait()
        pltpu.make_async_copy(
            out_c.at[1], out_t.at[pl.ds(f, 1), pl.ds(0, CHUNKB)], wsem).wait()


_sc_call = pl.kernel(
    _body,
    out_type=(
        jax.ShapeDtypeStruct((LATENT_DIM, BATCH), jnp.float32),
        jax.ShapeDtypeStruct((LATENT_DIM, BATCH), jnp.float32),
    ),
    mesh=plsc.VectorSubcoreMesh(
        core_axis_name="c", subcore_axis_name="s",
        num_cores=NC, num_subcores=NS),
    compiler_params=pltpu.CompilerParams(
        use_tc_tiling_on_sc=True, needs_layout_passes=False),
    scratch_types=[
        pltpu.VMEM((NUM_REGIMES,), jnp.float32),
        pltpu.VMEM((BATCH,), jnp.int32),
        pltpu.VMEM((2, 1, CHUNKB), jnp.float32),
        pltpu.VMEM((2 * LATENT_DIM + 16,), jnp.float32),
        pltpu.SemaphoreType.DMA,
        pltpu.SemaphoreType.DMA,
    ],
)


def kernel(regime_id, regime_seen_mask, mu_embedding, logvar_embedding,
           mu_unknown, logvar_unknown):
    ids = regime_id.astype(jnp.int32)
    pk = jnp.where(regime_seen_mask, ids, ids + UNK_BIT)
    mu_o, lv_o = _sc_call(pk, mu_embedding.T, logvar_embedding.T,
                          mu_unknown, logvar_unknown)
    return (mu_o.T, lv_o.T)

# --- scband reference (transcript-rebuilt; emitter-appended) ---
"""Pipeline reference for scband-sexogenous-prior-6932077216013 (READ-ONLY COPY).

The authoritative reference and input builder live on the scoring server;
editing this copy changes nothing except your own understanding.
"""

import jax, jax.numpy as jnp
import numpy as np

NUM_REGIMES = 100000
LATENT_DIM = 64
BATCH = 16384


def setup_inputs(seed: int = 0) -> dict:
    key = jax.random.key(seed)
    k1, k2, k3, k4, k5, k6 = jax.random.split(key, 6)
    regime_id = jax.random.randint(k1, (BATCH,), 0, NUM_REGIMES)
    regime_seen_mask = jax.random.randint(k2, (BATCH,), 0, 2).astype(jnp.bool_)
    mu_embedding = jax.random.normal(k3, (NUM_REGIMES, LATENT_DIM), dtype=jnp.float32) * 0.02
    logvar_embedding = jax.random.normal(k4, (NUM_REGIMES, LATENT_DIM), dtype=jnp.float32) * 0.02
    mu_unknown = jax.random.normal(k5, (LATENT_DIM,), dtype=jnp.float32) * 0.02
    logvar_unknown = jax.random.normal(k6, (LATENT_DIM,), dtype=jnp.float32) * 0.02
    return {
        "regime_id": regime_id,
        "regime_seen_mask": regime_seen_mask,
        "mu_embedding": mu_embedding,
        "logvar_embedding": logvar_embedding,
        "mu_unknown": mu_unknown,
        "logvar_unknown": logvar_unknown,
    }


def reference(regime_id, regime_seen_mask, mu_embedding, logvar_embedding, mu_unknown, logvar_unknown):
    # gaussian prior branch of SExogenousPrior.forward (seq_len=None)
    regime_id_safe = jnp.clip(regime_id, 0, NUM_REGIMES - 1)
    mu_seen = jnp.take(mu_embedding, regime_id_safe, axis=0)
    logvar_seen = jnp.take(logvar_embedding, regime_id_safe, axis=0)
    mask = regime_seen_mask[:, None]
    mu = jnp.where(mask, mu_seen, mu_unknown[None, :])
    logvar = jnp.where(mask, logvar_seen, logvar_unknown[None, :])
    return (mu, logvar)

if __name__ == "__main__":
    import jax
    _d = setup_inputs()
    print(jax.jit(kernel)(*tuple(_d.values())))

</pallas_src>

<mosaic_0001>
#map = affine_map<(d0, d1) -> (0)>
#map1 = affine_map<(d0, d1) -> (0, 0)>
module attributes {stable_mosaic.version = 14 : i64} {
  func.func @_body(%arg0: i32, %arg1: i32, %arg2: memref<16384xi32, #tpu.memory_space<hbm>>, %arg3: memref<64x100000xf32, #tpu.memory_space<hbm>>, %arg4: memref<64x100000xf32, #tpu.memory_space<hbm>>, %arg5: memref<64xf32, #tpu.memory_space<hbm>>, %arg6: memref<64xf32, #tpu.memory_space<hbm>>, %arg7: memref<64x16384xf32, #tpu.memory_space<hbm>>, %arg8: memref<64x16384xf32, #tpu.memory_space<hbm>>, %arg9: memref<100000xf32, #tpu.memory_space<vmem>>, %arg10: memref<16384xi32, #tpu.memory_space<vmem>>, %arg11: memref<2x1x4096xf32, #tpu.memory_space<vmem>>, %arg12: memref<144xf32, #tpu.memory_space<vmem>>, %arg13: memref<!tpu.dma_semaphore, #tpu.memory_space<semaphore_mem>>, %arg14: memref<!tpu.dma_semaphore, #tpu.memory_space<semaphore_mem>>) attributes {dimension_semantics = [#tpu.dimension_semantics<core_parallel>, #tpu.dimension_semantics<subcore_parallel>], iteration_bounds = array<i64: 2, 16>, scalar_prefetch = 0 : i64, scratch_operands = 6 : i64, tpu.core_type = #tpu.core_type<sc_vector_subcore>, window_params = [{transform_indices = #map}, {transform_indices = #map1}, {transform_indices = #map1}, {transform_indices = #map}, {transform_indices = #map}, {transform_indices = #map1}, {transform_indices = #map1}]} {
    %mul3A = arith.constant 2 : i32
    %mul3A_0 = arith.muli %arg1, %mul3A : i32
    %add3A = arith.addi %mul3A_0, %arg0 : i32
    %mul3A_1 = arith.constant 2 : i32
    %mul3A_2 = arith.muli %add3A, %mul3A_1 : i32
    %dma_start3A = arith.constant 0 : i32
    %dma_start3A_3 = tpu.memref_slice %arg3[%mul3A_2, %dma_start3A] : memref<64x100000xf32, #tpu.memory_space<hbm>> -> memref<1x100000xf32, #tpu.memory_space<hbm>>
    %dma_start3A_4 = tpu.memref_squeeze %dma_start3A_3 : memref<1x100000xf32, #tpu.memory_space<hbm>> -> memref<100000xf32, #tpu.memory_space<hbm>>
    %dma_start3A_5 = arith.constant 0 : i32
    %dma_start3A_6 = tpu.memref_slice %arg3[%mul3A_2, %dma_start3A_5] : memref<64x100000xf32, #tpu.memory_space<hbm>> -> memref<1x100000xf32, #tpu.memory_space<hbm>>
    %dma_start3A_7 = tpu.memref_squeeze %dma_start3A_6 : memref<1x100000xf32, #tpu.memory_space<hbm>> -> memref<100000xf32, #tpu.memory_space<hbm>>
    tpu.enqueue_dma source(%dma_start3A_7 : memref<100000xf32, #tpu.memory_space<hbm>>) target(%arg9 : memref<100000xf32, #tpu.memory_space<vmem>>) target_semaphore(%arg13 : memref<!tpu.dma_semaphore, #tpu.memory_space<semaphore_mem>>)
    "tpu.region"() ({
      %run_scoped3A = tpu.sem_alloc : memref<!tpu.dma_semaphore, #tpu.memory_space<semaphore_mem>>
      tpu.enqueue_dma source(%arg2 : memref<16384xi32, #tpu.memory_space<hbm>>) target(%arg10 : memref<16384xi32, #tpu.memory_space<vmem>>) target_semaphore(%run_scoped3A : memref<!tpu.dma_semaphore, #tpu.memory_space<semaphore_mem>>)
      tpu.wait_dma2 semaphore(%run_scoped3A : memref<!tpu.dma_semaphore, #tpu.memory_space<semaphore_mem>>) src(%arg2 : memref<16384xi32, #tpu.memory_space<hbm>>) dst(%arg10 : memref<16384xi32, #tpu.memory_space<vmem>>)
      tpu.yield
    }) : () -> ()
    "tpu.region"() ({
      %run_scoped3A = tpu.sem_alloc : memref<!tpu.dma_semaphore, #tpu.memory_space<semaphore_mem>>
      %dma_start3A_558 = arith.constant 0 : i32
      %dma_start3A_559 = tpu.memref_slice %arg12[%dma_start3A_558] : memref<144xf32, #tpu.memory_space<vmem>> -> memref<64xf32, #tpu.memory_space<vmem>>
      %dma_start3A_560 = arith.constant 0 : i32
      %dma_start3A_561 = tpu.memref_slice %arg12[%dma_start3A_560] : memref<144xf32, #tpu.memory_space<vmem>> -> memref<64xf32, #tpu.memory_space<vmem>>
      tpu.enqueue_dma source(%arg5 : memref<64xf32, #tpu.memory_space<hbm>>) target(%dma_start3A_561 : memref<64xf32, #tpu.memory_space<vmem>>) target_semaphore(%run_scoped3A : memref<!tpu.dma_semaphore, #tpu.memory_space<semaphore_mem>>)
      %dma_wait3A_562 = arith.constant 0 : i32
      %dma_wait3A_563 = tpu.memref_slice %arg12[%dma_wait3A_562] : memref<144xf32, #tpu.memory_space<vmem>> -> memref<64xf32, #tpu.memory_space<vmem>>
      %dma_wait3A_564 = arith.constant 0 : i32
      %dma_wait3A_565 = tpu.memref_slice %arg12[%dma_wait3A_564] : memref<144xf32, #tpu.memory_space<vmem>> -> memref<64xf32, #tpu.memory_space<vmem>>
      tpu.wait_dma2 semaphore(%run_scoped3A : memref<!tpu.dma_semaphore, #tpu.memory_space<semaphore_mem>>) src(%arg5 : memref<64xf32, #tpu.memory_space<hbm>>) dst(%dma_wait3A_565 : memref<64xf32, #tpu.memory_space<vmem>>)
      tpu.yield
    }) : () -> ()
    "tpu.region"() ({
      %run_scoped3A = tpu.sem_alloc : memref<!tpu.dma_semaphore, #tpu.memory_space<semaphore_mem>>
      %dma_start3A_558 = arith.constant 64 : i32
      %dma_start3A_559 = tpu.memref_slice %arg12[%dma_start3A_558] : memref<144xf32, #tpu.memory_space<vmem>> -> memref<64xf32, #tpu.memory_space<vmem>>
      %dma_start3A_560 = arith.constant 64 : i32
      %dma_start3A_561 = tpu.memref_slice %arg12[%dma_start3A_560] : memref<144xf32, #tpu.memory_space<vmem>> -> memref<64xf32, #tpu.memory_space<vmem>>
      tpu.enqueue_dma source(%arg6 : memref<64xf32, #tpu.memory_space<hbm>>) target(%dma_start3A_561 : memref<64xf32, #tpu.memory_space<vmem>>) target_semaphore(%run_scoped3A : memref<!tpu.dma_semaphore, #tpu.memory_space<semaphore_mem>>)
      %dma_wait3A_562 = arith.constant 64 : i32
      %dma_wait3A_563 = tpu.memref_slice %arg12[%dma_wait3A_562] : memref<144xf32, #tpu.memory_space<vmem>> -> memref<64xf32, #tpu.memory_space<vmem>>
      %dma_wait3A_564 = arith.constant 64 : i32
      %dma_wait3A_565 = tpu.memref_slice %arg12[%dma_wait3A_564] : memref<144xf32, #tpu.memory_space<vmem>> -> memref<64xf32, #tpu.memory_space<vmem>>
      tpu.wait_dma2 semaphore(%run_scoped3A : memref<!tpu.dma_semaphore, #tpu.memory_space<semaphore_mem>>) src(%arg6 : memref<64xf32, #tpu.memory_space<hbm>>) dst(%dma_wait3A_565 : memref<64xf32, #tpu.memory_space<vmem>>)
      tpu.yield
    }) : () -> ()
    %add3A_8 = arith.constant 0 : i32
    %add3A_9 = arith.addi %mul3A_2, %add3A_8 : i32
    %dma_wait3A = arith.constant 0 : i32
    %dma_wait3A_10 = tpu.memref_slice %arg3[%add3A_9, %dma_wait3A] : memref<64x100000xf32, #tpu.memory_space<hbm>> -> memref<1x100000xf32, #tpu.memory_space<hbm>>
    %dma_wait3A_11 = tpu.memref_squeeze %dma_wait3A_10 : memref<1x100000xf32, #tpu.memory_space<hbm>> -> memref<100000xf32, #tpu.memory_space<hbm>>
    %dma_wait3A_12 = arith.constant 0 : i32
    %dma_wait3A_13 = tpu.memref_slice %arg3[%add3A_9, %dma_wait3A_12] : memref<64x100000xf32, #tpu.memory_space<hbm>> -> memref<1x100000xf32, #tpu.memory_space<hbm>>
    %dma_wait3A_14 = tpu.memref_squeeze %dma_wait3A_13 : memref<1x100000xf32, #tpu.memory_space<hbm>> -> memref<100000xf32, #tpu.memory_space<hbm>>
    tpu.wait_dma2 semaphore(%arg13 : memref<!tpu.dma_semaphore, #tpu.memory_space<semaphore_mem>>) src(%dma_wait3A_14 : memref<100000xf32, #tpu.memory_space<hbm>>) dst(%arg9 : memref<100000xf32, #tpu.memory_space<vmem>>)
    %add3A_15 = arith.constant 0 : i32
    %add3A_16 = arith.addi %add3A_15, %mul3A_2 : i32
    %add3A_17 = arith.constant 0 : i32
    %add3A_18 = arith.addi %add3A_16, %add3A_17 : i32
    %get3A = arith.index_cast %add3A_18 : i32 to index
    %get3A_19 = tpu.vector_load %arg12[%get3A] {strides = array<i32>} : memref<144xf32, #tpu.memory_space<vmem>>, vector<16xf32>,
    %slice3A = vector.extract_strided_slice %get3A_19 {offsets = [0], sizes = [1], strides = [1]} : vector<16xf32> to vector<1xf32>
    %squeeze3A = vector.extract %slice3A[0] : f32 from vector<1xf32>
    %broadcast_in_dim3A = vector.broadcast %squeeze3A : f32 to vector<16xf32>
    %parallel_loop3A = arith.constant 0 : i32
    %parallel_loop3A_20 = arith.constant 256 : i32
    %parallel_loop3A_21 = arith.constant 1 : i32
    scf.for %parallel_loop3A_558 = %parallel_loop3A to %parallel_loop3A_20 step %parallel_loop3A_21  : i32 {
      %parallel_loop3A_559 = arith.constant 16 : i32
      %parallel_loop3A_560 = arith.muli %parallel_loop3A_559, %parallel_loop3A_558 : i32
      %parallel_loop3A_561 = arith.constant 0 : i32
      %parallel_loop3A_562 = arith.addi %parallel_loop3A_561, %parallel_loop3A_560 : i32
      %parallel_loop3A_563 = arith.index_cast %parallel_loop3A_562 : i32 to index
      %parallel_loop3A_564 = tpu.vector_load %arg10[%parallel_loop3A_563] {strides = array<i32>} : memref<16384xi32, #tpu.memory_space<vmem>>, vector<16xi32>,
      %parallel_loop3A_565 = arith.constant 131071 : i32
      %parallel_loop3A_566 = vector.broadcast %parallel_loop3A_565 : i32 to vector<16xi32>
      %parallel_loop3A_567 = arith.andi %parallel_loop3A_564, %parallel_loop3A_566 : vector<16xi32>
      %parallel_loop3A_568 = arith.constant 17 : i32
      %parallel_loop3A_569 = vector.broadcast %parallel_loop3A_568 : i32 to vector<16xi32>
      %parallel_loop3A_570 = arith.shrui %parallel_loop3A_564, %parallel_loop3A_569 : vector<16xi32>
      %parallel_loop3A_571 = tpu.vector_load_idx %arg9[%parallel_loop3A_567] : memref<100000xf32, #tpu.memory_space<vmem>>[vector<16xi32>], vector<16xf32>,
      %parallel_loop3A_572 = arith.constant 0 : i32
      %parallel_loop3A_573 = vector.broadcast %parallel_loop3A_572 : i32 to vector<16xi32>
      %parallel_loop3A_574 = arith.cmpi ne, %parallel_loop3A_570, %parallel_loop3A_573 : vector<16xi32>
      %parallel_loop3A_575 = arith.select %parallel_loop3A_574, %broadcast_in_dim3A, %parallel_loop3A_571 : vector<16xi1>, vector<16xf32>
      %parallel_loop3A_576 = arith.constant 16 : i32
      %parallel_loop3A_577 = arith.muli %parallel_loop3A_576, %parallel_loop3A_558 : i32
      %parallel_loop3A_578 = arith.constant 0 : i32
      %parallel_loop3A_579 = arith.constant 0 : i32
      %parallel_loop3A_580 = arith.index_cast %parallel_loop3A_578 : i32 to index
      %parallel_loop3A_581 = arith.index_cast %parallel_loop3A_579 : i32 to index
      %parallel_loop3A_582 = arith.index_cast %parallel_loop3A_577 : i32 to index
      %parallel_loop3A_583 = tpu.vector_load %arg11[%parallel_loop3A_580, %parallel_loop3A_581, %parallel_loop3A_582] {strides = array<i32>} : memref<2x1x4096xf32, #tpu.memory_space<vmem>>, vector<16xf32>,
      tpu.vector_store %arg11[%parallel_loop3A_580, %parallel_loop3A_581, %parallel_loop3A_582], %parallel_loop3A_575 {strides = array<i32>} : memref<2x1x4096xf32, #tpu.memory_space<vmem>>, vector<16xf32>,
    } {sc.loop_unroll_factor = 16 : i64, sc.parallel_access}
    %dma_start3A_22 = arith.constant 0 : i32
    %dma_start3A_23 = arith.constant 0 : i32
    %dma_start3A_24 = arith.constant 0 : i32
    %dma_start3A_25 = tpu.memref_slice %arg11[%dma_start3A_22, %dma_start3A_23, %dma_start3A_24] : memref<2x1x4096xf32, #tpu.memory_space<vmem>> -> memref<1x1x4096xf32, #tpu.memory_space<vmem>>
    %dma_start3A_26 = tpu.memref_squeeze %dma_start3A_25 : memref<1x1x4096xf32, #tpu.memory_space<vmem>> -> memref<1x4096xf32, #tpu.memory_space<vmem>>
    %dma_start3A_27 = arith.constant 0 : i32
    %dma_start3A_28 = tpu.memref_slice %arg7[%add3A_9, %dma_start3A_27] : memref<64x16384xf32, #tpu.memory_space<hbm>> -> memref<1x4096xf32, #tpu.memory_space<hbm>>
    %dma_start3A_29 = arith.constant 0 : i32
    %dma_start3A_30 = tpu.memref_slice %arg7[%add3A_9, %dma_start3A_29] : memref<64x16384xf32, #tpu.memory_space<hbm>> -> memref<1x4096xf32, #tpu.memory_space<hbm>>
    %dma_start3A_31 = arith.constant 0 : i32
    %dma_start3A_32 = arith.constant 0 : i32
    %dma_start3A_33 = tpu.memref_slice %arg11[%dma_start3A_22, %dma_start3A_31, %dma_start3A_32] : memref<2x1x4096xf32, #tpu.memory_space<vmem>> -> memref<1x1x4096xf32, #tpu.memory_space<vmem>>
    %dma_start3A_34 = tpu.memref_squeeze %dma_start3A_33 : memref<1x1x4096xf32, #tpu.memory_space<vmem>> -> memref<1x4096xf32, #tpu.memory_space<vmem>>
    tpu.enqueue_dma source(%dma_start3A_34 : memref<1x4096xf32, #tpu.memory_space<vmem>>) target(%dma_start3A_30 : memref<1x4096xf32, #tpu.memory_space<hbm>>) target_semaphore(%arg14 : memref<!tpu.dma_semaphore, #tpu.memory_space<semaphore_mem>>)
    %parallel_loop3A_35 = arith.constant 0 : i32
    %parallel_loop3A_36 = arith.constant 256 : i32
    %parallel_loop3A_37 = arith.constant 1 : i32
    scf.for %parallel_loop3A_558 = %parallel_loop3A_35 to %parallel_loop3A_36 step %parallel_loop3A_37  : i32 {
      %parallel_loop3A_559 = arith.constant 16 : i32
      %parallel_loop3A_560 = arith.muli %parallel_loop3A_559, %parallel_loop3A_558 : i32
      %parallel_loop3A_561 = arith.constant 4096 : i32
      %parallel_loop3A_562 = arith.addi %parallel_loop3A_561, %parallel_loop3A_560 : i32
      %parallel_loop3A_563 = arith.index_cast %parallel_loop3A_562 : i32 to index
      %parallel_loop3A_564 = tpu.vector_load %arg10[%parallel_loop3A_563] {strides = array<i32>} : memref<16384xi32, #tpu.memory_space<vmem>>, vector<16xi32>,
      %parallel_loop3A_565 = arith.constant 131071 : i32
      %parallel_loop3A_566 = vector.broadcast %parallel_loop3A_565 : i32 to vector<16xi32>
      %parallel_loop3A_567 = arith.andi %parallel_loop3A_564, %parallel_loop3A_566 : vector<16xi32>
      %parallel_loop3A_568 = arith.constant 17 : i32
      %parallel_loop3A_569 = vector.broadcast %parallel_loop3A_568 : i32 to vector<16xi32>
      %parallel_loop3A_570 = arith.shrui %parallel_loop3A_564, %parallel_loop3A_569 : vector<16xi32>
      %parallel_loop3A_571 = tpu.vector_load_idx %arg9[%parallel_loop3A_567] : memref<100000xf32, #tpu.memory_space<vmem>>[vector<16xi32>], vector<16xf32>,
      %parallel_loop3A_572 = arith.constant 0 : i32
      %parallel_loop3A_573 = vector.broadcast %parallel_loop3A_572 : i32 to vector<16xi32>
      %parallel_loop3A_574 = arith.cmpi ne, %parallel_loop3A_570, %parallel_loop3A_573 : vector<16xi32>
      %parallel_loop3A_575 = arith.select %parallel_loop3A_574, %broadcast_in_dim3A, %parallel_loop3A_571 : vector<16xi1>, vector<16xf32>
      %parallel_loop3A_576 = arith.constant 16 : i32
      %parallel_loop3A_577 = arith.muli %parallel_loop3A_576, %parallel_loop3A_558 : i32
      %parallel_loop3A_578 = arith.constant 1 : i32
      %parallel_loop3A_579 = arith.constant 0 : i32
      %parallel_loop3A_580 = arith.index_cast %parallel_loop3A_578 : i32 to index
      %parallel_loop3A_581 = arith.index_cast %parallel_loop3A_579 : i32 to index
      %parallel_loop3A_582 = arith.index_cast %parallel_loop3A_577 : i32 to index
      %parallel_loop3A_583 = tpu.vector_load %arg11[%parallel_loop3A_580, %parallel_loop3A_581, %parallel_loop3A_582] {strides = array<i32>} : memref<2x1x4096xf32, #tpu.memory_space<vmem>>, vector<16xf32>,
      tpu.vector_store %arg11[%parallel_loop3A_580, %parallel_loop3A_581, %parallel_loop3A_582], %parallel_loop3A_575 {strides = array<i32>} : memref<2x1x4096xf32, #tpu.memory_space<vmem>>, vector<16xf32>,
    } {sc.loop_unroll_factor = 16 : i64, sc.parallel_access}
    %dma_start3A_38 = arith.constant 1 : i32
    %dma_start3A_39 = arith.constant 0 : i32
    %dma_start3A_40 = arith.constant 0 : i32
    %dma_start3A_41 = tpu.memref_slice %arg11[%dma_start3A_38, %dma_start3A_39, %dma_start3A_40] : memref<2x1x4096xf32, #tpu.memory_space<vmem>> -> memref<1x1x4096xf32, #tpu.memory_space<vmem>>
    %dma_start3A_42 = tpu.memref_squeeze %dma_start3A_41 : memref<1x1x4096xf32, #tpu.memory_space<vmem>> -> memref<1x4096xf32, #tpu.memory_space<vmem>>
    %dma_start3A_43 = arith.constant 4096 : i32
    %dma_start3A_44 = tpu.memref_slice %arg7[%add3A_9, %dma_start3A_43] : memref<64x16384xf32, #tpu.memory_space<hbm>> -> memref<1x4096xf32, #tpu.memory_space<hbm>>
    %dma_start3A_45 = arith.constant 4096 : i32
    %dma_start3A_46 = tpu.memref_slice %arg7[%add3A_9, %dma_start3A_45] : memref<64x16384xf32, #tpu.memory_space<hbm>> -> memref<1x4096xf32, #tpu.memory_space<hbm>>
    %dma_start3A_47 = arith.constant 0 : i32
    %dma_start3A_48 = arith.constant 0 : i32
    %dma_start3A_49 = tpu.memref_slice %arg11[%dma_start3A_38, %dma_start3A_47, %dma_start3A_48] : memref<2x1x4096xf32, #tpu.memory_space<vmem>> -> memref<1x1x4096xf32, #tpu.memory_space<vmem>>
    %dma_start3A_50 = tpu.memref_squeeze %dma_start3A_49 : memref<1x1x4096xf32, #tpu.memory_space<vmem>> -> memref<1x4096xf32, #tpu.memory_space<vmem>>
    tpu.enqueue_dma source(%dma_start3A_50 : memref<1x4096xf32, #tpu.memory_space<vmem>>) target(%dma_start3A_46 : memref<1x4096xf32, #tpu.memory_space<hbm>>) target_semaphore(%arg14 : memref<!tpu.dma_semaphore, #tpu.memory_space<semaphore_mem>>)
    %dma_wait3A_51 = arith.constant 0 : i32
    %dma_wait3A_52 = arith.constant 0 : i32
    %dma_wait3A_53 = arith.constant 0 : i32
    %dma_wait3A_54 = tpu.memref_slice %arg11[%dma_wait3A_51, %dma_wait3A_52, %dma_wait3A_53] : memref<2x1x4096xf32, #tpu.memory_space<vmem>> -> memref<1x1x4096xf32, #tpu.memory_space<vmem>>
    %dma_wait3A_55 = tpu.memref_squeeze %dma_wait3A_54 : memref<1x1x4096xf32, #tpu.memory_space<vmem>> -> memref<1x4096xf32, #tpu.memory_space<vmem>>
    %dma_wait3A_56 = arith.constant 0 : i32
    %dma_wait3A_57 = tpu.memref_slice %arg7[%add3A_9, %dma_wait3A_56] : memref<64x16384xf32, #tpu.memory_space<hbm>> -> memref<1x4096xf32, #tpu.memory_space<hbm>>
    %dma_wait3A_58 = arith.constant 0 : i32
    %dma_wait3A_59 = tpu.memref_slice %arg7[%add3A_9, %dma_wait3A_58] : memref<64x16384xf32, #tpu.memory_space<hbm>> -> memref<1x4096xf32, #tpu.memory_space<hbm>>
    %dma_wait3A_60 = arith.constant 0 : i32
    %dma_wait3A_61 = arith.constant 0 : i32
    %dma_wait3A_62 = tpu.memref_slice %arg11[%dma_wait3A_51, %dma_wait3A_60, %dma_wait3A_61] : memref<2x1x4096xf32, #tpu.memory_space<vmem>> -> memref<1x1x4096xf32, #tpu.memory_space<vmem>>
    %dma_wait3A_63 = tpu.memref_squeeze %dma_wait3A_62 : memref<1x1x4096xf32, #tpu.memory_space<vmem>> -> memref<1x4096xf32, #tpu.memory_space<vmem>>
    tpu.wait_dma2 semaphore(%arg14 : memref<!tpu.dma_semaphore, #tpu.memory_space<semaphore_mem>>) src(%dma_wait3A_63 : memref<1x4096xf32, #tpu.memory_space<vmem>>) dst(%dma_wait3A_59 : memref<1x4096xf32, #tpu.memory_space<hbm>>)
    %parallel_loop3A_64 = arith.constant 0 : i32
    %parallel_loop3A_65 = arith.constant 256 : i32
    %parallel_loop3A_66 = arith.constant 1 : i32
    scf.for %parallel_loop3A_558 = %parallel_loop3A_64 to %parallel_loop3A_65 step %parallel_loop3A_66  : i32 {
      %parallel_loop3A_559 = arith.constant 16 : i32
      %parallel_loop3A_560 = arith.muli %parallel_loop3A_559, %parallel_loop3A_558 : i32
      %parallel_loop3A_561 = arith.constant 8192 : i32
      %parallel_loop3A_562 = arith.addi %parallel_loop3A_561, %parallel_loop3A_560 : i32
      %parallel_loop3A_563 = arith.index_cast %parallel_loop3A_562 : i32 to index
      %parallel_loop3A_564 = tpu.vector_load %arg10[%parallel_loop3A_563] {strides = array<i32>} : memref<16384xi32, #tpu.memory_space<vmem>>, vector<16xi32>,
      %parallel_loop3A_565 = arith.constant 131071 : i32
      %parallel_loop3A_566 = vector.broadcast %parallel_loop3A_565 : i32 to vector<16xi32>
      %parallel_loop3A_567 = arith.andi %parallel_loop3A_564, %parallel_loop3A_566 : vector<16xi32>
      %parallel_loop3A_568 = arith.constant 17 : i32
      %parallel_loop3A_569 = vector.broadcast %parallel_loop3A_568 : i32 to vector<16xi32>
      %parallel_loop3A_570 = arith.shrui %parallel_loop3A_564, %parallel_loop3A_569 : vector<16xi32>
      %parallel_loop3A_571 = tpu.vector_load_idx %arg9[%parallel_loop3A_567] : memref<100000xf32, #tpu.memory_space<vmem>>[vector<16xi32>], vector<16xf32>,
      %parallel_loop3A_572 = arith.constant 0 : i32
      %parallel_loop3A_573 = vector.broadcast %parallel_loop3A_572 : i32 to vector<16xi32>
      %parallel_loop3A_574 = arith.cmpi ne, %parallel_loop3A_570, %parallel_loop3A_573 : vector<16xi32>
      %parallel_loop3A_575 = arith.select %parallel_loop3A_574, %broadcast_in_dim3A, %parallel_loop3A_571 : vector<16xi1>, vector<16xf32>
      %parallel_loop3A_576 = arith.constant 16 : i32
      %parallel_loop3A_577 = arith.muli %parallel_loop3A_576, %parallel_loop3A_558 : i32
      %parallel_loop3A_578 = arith.constant 0 : i32
      %parallel_loop3A_579 = arith.constant 0 : i32
      %parallel_loop3A_580 = arith.index_cast %parallel_loop3A_578 : i32 to index
      %parallel_loop3A_581 = arith.index_cast %parallel_loop3A_579 : i32 to index
      %parallel_loop3A_582 = arith.index_cast %parallel_loop3A_577 : i32 to index
      %parallel_loop3A_583 = tpu.vector_load %arg11[%parallel_loop3A_580, %parallel_loop3A_581, %parallel_loop3A_582] {strides = array<i32>} : memref<2x1x4096xf32, #tpu.memory_space<vmem>>, vector<16xf32>,
      tpu.vector_store %arg11[%parallel_loop3A_580, %parallel_loop3A_581, %parallel_loop3A_582], %parallel_loop3A_575 {strides = array<i32>} : memref<2x1x4096xf32, #tpu.memory_space<vmem>>, vector<16xf32>,
    } {sc.loop_unroll_factor = 16 : i64, sc.parallel_access}
    %dma_start3A_67 = arith.constant 0 : i32
    %dma_start3A_68 = arith.constant 0 : i32
    %dma_start3A_69 = arith.constant 0 : i32
    %dma_start3A_70 = tpu.memref_slice %arg11[%dma_start3A_67, %dma_start3A_68, %dma_start3A_69] : memref<2x1x4096xf32, #tpu.memory_space<vmem>> -> memref<1x1x4096xf32, #tpu.memory_space<vmem>>
    %dma_start3A_71 = tpu.memref_squeeze %dma_start3A_70 : memref<1x1x4096xf32, #tpu.memory_space<vmem>> -> memref<1x4096xf32, #tpu.memory_space<vmem>>
    %dma_start3A_72 = arith.constant 8192 : i32
    %dma_start3A_73 = tpu.memref_slice %arg7[%add3A_9, %dma_start3A_72] : memref<64x16384xf32, #tpu.memory_space<hbm>> -> memref<1x4096xf32, #tpu.memory_space<hbm>>
    %dma_start3A_74 = arith.constant 8192 : i32
    %dma_start3A_75 = tpu.memref_slice %arg7[%add3A_9, %dma_start3A_74] : memref<64x16384xf32, #tpu.memory_space<hbm>> -> memref<1x4096xf32, #tpu.memory_space<hbm>>
    %dma_start3A_76 = arith.constant 0 : i32
    %dma_start3A_77 = arith.constant 0 : i32
    %dma_start3A_78 = tpu.memref_slice %arg11[%dma_start3A_67, %dma_start3A_76, %dma_start3A_77] : memref<2x1x4096xf32, #tpu.memory_space<vmem>> -> memref<1x1x4096xf32, #tpu.memory_space<vmem>>
    %dma_start3A_79 = tpu.memref_squeeze %dma_start3A_78 : memref<1x1x4096xf32, #tpu.memory_space<vmem>> -> memref<1x4096xf32, #tpu.memory_space<vmem>>
    tpu.enqueue_dma source(%dma_start3A_79 : memref<1x4096xf32, #tpu.memory_space<vmem>>) target(%dma_start3A_75 : memref<1x4096xf32, #tpu.memory_space<hbm>>) target_semaphore(%arg14 : memref<!tpu.dma_semaphore, #tpu.memory_space<semaphore_mem>>)
    %dma_wait3A_80 = arith.constant 1 : i32
    %dma_wait3A_81 = arith.constant 0 : i32
    %dma_wait3A_82 = arith.constant 0 : i32
    %dma_wait3A_83 = tpu.memref_slice %arg11[%dma_wait3A_80, %dma_wait3A_81, %dma_wait3A_82] : memref<2x1x4096xf32, #tpu.memory_space<vmem>> -> memref<1x1x4096xf32, #tpu.memory_space<vmem>>
    %dma_wait3A_84 = tpu.memref_squeeze %dma_wait3A_83 : memref<1x1x4096xf32, #tpu.memory_space<vmem>> -> memref<1x4096xf32, #tpu.memory_space<vmem>>
    %dma_wait3A_85 = arith.constant 0 : i32
    %dma_wait3A_86 = tpu.memref_slice %arg7[%add3A_9, %dma_wait3A_85] : memref<64x16384xf32, #tpu.memory_space<hbm>> -> memref<1x4096xf32, #tpu.memory_space<hbm>>
    %dma_wait3A_87 = arith.constant 0 : i32
    %dma_wait3A_88 = tpu.memref_slice %arg7[%add3A_9, %dma_wait3A_87] : memref<64x16384xf32, #tpu.memory_space<hbm>> -> memref<1x4096xf32, #tpu.memory_space<hbm>>
    %dma_wait3A_89 = arith.constant 0 : i32
    %dma_wait3A_90 = arith.constant 0 : i32
    %dma_wait3A_91 = tpu.memref_slice %arg11[%dma_wait3A_80, %dma_wait3A_89, %dma_wait3A_90] : memref<2x1x4096xf32, #tpu.memory_space<vmem>> -> memref<1x1x4096xf32, #tpu.memory_space<vmem>>
    %dma_wait3A_92 = tpu.memref_squeeze %dma_wait3A_91 : memref<1x1x4096xf32, #tpu.memory_space<vmem>> -> memref<1x4096xf32, #tpu.memory_space<vmem>>
    tpu.wait_dma2 semaphore(%arg14 : memref<!tpu.dma_semaphore, #tpu.memory_space<semaphore_mem>>) src(%dma_wait3A_92 : memref<1x4096xf32, #tpu.memory_space<vmem>>) dst(%dma_wait3A_88 : memref<1x4096xf32, #tpu.memory_space<hbm>>)
    %parallel_loop3A_93 = arith.constant 0 : i32
    %parallel_loop3A_94 = arith.constant 256 : i32
    %parallel_loop3A_95 = arith.constant 1 : i32
    scf.for %parallel_loop3A_558 = %parallel_loop3A_93 to %parallel_loop3A_94 step %parallel_loop3A_95  : i32 {
      %parallel_loop3A_559 = arith.constant 16 : i32
      %parallel_loop3A_560 = arith.muli %parallel_loop3A_559, %parallel_loop3A_558 : i32
      %parallel_loop3A_561 = arith.constant 12288 : i32
      %parallel_loop3A_562 = arith.addi %parallel_loop3A_561, %parallel_loop3A_560 : i32
      %parallel_loop3A_563 = arith.index_cast %parallel_loop3A_562 : i32 to index
      %parallel_loop3A_564 = tpu.vector_load %arg10[%parallel_loop3A_563] {strides = array<i32>} : memref<16384xi32, #tpu.memory_space<vmem>>, vector<16xi32>,
      %parallel_loop3A_565 = arith.constant 131071 : i32
      %parallel_loop3A_566 = vector.broadcast %parallel_loop3A_565 : i32 to vector<16xi32>
      %parallel_loop3A_567 = arith.andi %parallel_loop3A_564, %parallel_loop3A_566 : vector<16xi32>
      %parallel_loop3A_568 = arith.constant 17 : i32
      %parallel_loop3A_569 = vector.broadcast %parallel_loop3A_568 : i32 to vector<16xi32>
      %parallel_loop3A_570 = arith.shrui %parallel_loop3A_564, %parallel_loop3A_569 : vector<16xi32>
      %parallel_loop3A_571 = tpu.vector_load_idx %arg9[%parallel_loop3A_567] : memref<100000xf32, #tpu.memory_space<vmem>>[vector<16xi32>], vector<16xf32>,
      %parallel_loop3A_572 = arith.constant 0 : i32
      %parallel_loop3A_573 = vector.broadcast %parallel_loop3A_572 : i32 to vector<16xi32>
      %parallel_loop3A_574 = arith.cmpi ne, %parallel_loop3A_570, %parallel_loop3A_573 : vector<16xi32>
      %parallel_loop3A_575 = arith.select %parallel_loop3A_574, %broadcast_in_dim3A, %parallel_loop3A_571 : vector<16xi1>, vector<16xf32>
      %parallel_loop3A_576 = arith.constant 16 : i32
      %parallel_loop3A_577 = arith.muli %parallel_loop3A_576, %parallel_loop3A_558 : i32
      %parallel_loop3A_578 = arith.constant 1 : i32
      %parallel_loop3A_579 = arith.constant 0 : i32
      %parallel_loop3A_580 = arith.index_cast %parallel_loop3A_578 : i32 to index
      %parallel_loop3A_581 = arith.index_cast %parallel_loop3A_579 : i32 to index
      %parallel_loop3A_582 = arith.index_cast %parallel_loop3A_577 : i32 to index
      %parallel_loop3A_583 = tpu.vector_load %arg11[%parallel_loop3A_580, %parallel_loop3A_581, %parallel_loop3A_582] {strides = array<i32>} : memref<2x1x4096xf32, #tpu.memory_space<vmem>>, vector<16xf32>,
      tpu.vector_store %arg11[%parallel_loop3A_580, %parallel_loop3A_581, %parallel_loop3A_582], %parallel_loop3A_575 {strides = array<i32>} : memref<2x1x4096xf32, #tpu.memory_space<vmem>>, vector<16xf32>,
    } {sc.loop_unroll_factor = 16 : i64, sc.parallel_access}
    %dma_start3A_96 = arith.constant 1 : i32
    %dma_start3A_97 = arith.constant 0 : i32
    %dma_start3A_98 = arith.constant 0 : i32
    %dma_start3A_99 = tpu.memref_slice %arg11[%dma_start3A_96, %dma_start3A_97, %dma_start3A_98] : memref<2x1x4096xf32, #tpu.memory_space<vmem>> -> memref<1x1x4096xf32, #tpu.memory_space<vmem>>
    %dma_start3A_100 = tpu.memref_squeeze %dma_start3A_99 : memref<1x1x4096xf32, #tpu.memory_space<vmem>> -> memref<1x4096xf32, #tpu.memory_space<vmem>>
    %dma_start3A_101 = arith.constant 12288 : i32
    %dma_start3A_102 = tpu.memref_slice %arg7[%add3A_9, %dma_start3A_101] : memref<64x16384xf32, #tpu.memory_space<hbm>> -> memref<1x4096xf32, #tpu.memory_space<hbm>>
    %dma_start3A_103 = arith.constant 12288 : i32
    %dma_start3A_104 = tpu.memref_slice %arg7[%add3A_9, %dma_start3A_103] : memref<64x16384xf32, #tpu.memory_space<hbm>> -> memref<1x4096xf32, #tpu.memory_space<hbm>>
    %dma_start3A_105 = arith.constant 0 : i32
    %dma_start3A_106 = arith.constant 0 : i32
    %dma_start3A_107 = tpu.memref_slice %arg11[%dma_start3A_96, %dma_start3A_105, %dma_start3A_106] : memref<2x1x4096xf32, #tpu.memory_space<vmem>> -> memref<1x1x4096xf32, #tpu.memory_space<vmem>>
    %dma_start3A_108 = tpu.memref_squeeze %dma_start3A_107 : memref<1x1x4096xf32, #tpu.memory_space<vmem>> -> memref<1x4096xf32, #tpu.memory_space<vmem>>
    tpu.enqueue_dma source(%dma_start3A_108 : memref<1x4096xf32, #tpu.memory_space<vmem>>) target(%dma_start3A_104 : memref<1x4096xf32, #tpu.memory_space<hbm>>) target_semaphore(%arg14 : memref<!tpu.dma_semaphore, #tpu.memory_space<semaphore_mem>>)
    %add3A_109 = arith.constant 1 : i32
    %add3A_110 = arith.addi %mul3A_2, %add3A_109 : i32
    %dma_start3A_111 = arith.constant 0 : i32
    %dma_start3A_112 = tpu.memref_slice %arg3[%add3A_110, %dma_start3A_111] : memref<64x100000xf32, #tpu.memory_space<hbm>> -> memref<1x100000xf32, #tpu.memory_space<hbm>>
    %dma_start3A_113 = tpu.memref_squeeze %dma_start3A_112 : memref<1x100000xf32, #tpu.memory_space<hbm>> -> memref<100000xf32, #tpu.memory_space<hbm>>
    %dma_start3A_114 = arith.constant 0 : i32
    %dma_start3A_115 = tpu.memref_slice %arg3[%add3A_110, %dma_start3A_114] : memref<64x100000xf32, #tpu.memory_space<hbm>> -> memref<1x100000xf32, #tpu.memory_space<hbm>>
    %dma_start3A_116 = tpu.memref_squeeze %dma_start3A_115 : memref<1x100000xf32, #tpu.memory_space<hbm>> -> memref<100000xf32, #tpu.memory_space<hbm>>
    tpu.enqueue_dma source(%dma_start3A_116 : memref<100000xf32, #tpu.memory_space<hbm>>) target(%arg9 : memref<100000xf32, #tpu.memory_space<vmem>>) target_semaphore(%arg13 : memref<!tpu.dma_semaphore, #tpu.memory_space<semaphore_mem>>)
    %dma_wait3A_117 = arith.constant 0 : i32
    %dma_wait3A_118 = arith.constant 0 : i32
    %dma_wait3A_119 = arith.constant 0 : i32
    %dma_wait3A_120 = tpu.memref_slice %arg11[%dma_wait3A_117, %dma_wait3A_118, %dma_wait3A_119] : memref<2x1x4096xf32, #tpu.memory_space<vmem>> -> memref<1x1x4096xf32, #tpu.memory_space<vmem>>
    %dma_wait3A_121 = tpu.memref_squeeze %dma_wait3A_120 : memref<1x1x4096xf32, #tpu.memory_space<vmem>> -> memref<1x4096xf32, #tpu.memory_space<vmem>>
    %dma_wait3A_122 = arith.constant 0 : i32
    %dma_wait3A_123 = tpu.memref_slice %arg7[%add3A_9, %dma_wait3A_122] : memref<64x16384xf32, #tpu.memory_space<hbm>> -> memref<1x4096xf32, #tpu.memory_space<hbm>>
    %dma_wait3A_124 = arith.constant 0 : i32
    %dma_wait3A_125 = tpu.memref_slice %arg7[%add3A_9, %dma_wait3A_124] : memref<64x16384xf32, #tpu.memory_space<hbm>> -> memref<1x4096xf32, #tpu.memory_space<hbm>>
    %dma_wait3A_126 = arith.constant 0 : i32
    %dma_wait3A_127 = arith.constant 0 : i32
    %dma_wait3A_128 = tpu.memref_slice %arg11[%dma_wait3A_117, %dma_wait3A_126, %dma_wait3A_127] : memref<2x1x4096xf32, #tpu.memory_space<vmem>> -> memref<1x1x4096xf32, #tpu.memory_space<vmem>>
    %dma_wait3A_129 = tpu.memref_squeeze %dma_wait3A_128 : memref<1x1x4096xf32, #tpu.memory_space<vmem>> -> memref<1x4096xf32, #tpu.memory_space<vmem>>
    tpu.wait_dma2 semaphore(%arg14 : memref<!tpu.dma_semaphore, #tpu.memory_space<semaphore_mem>>) src(%dma_wait3A_129 : memref<1x4096xf32, #tpu.memory_space<vmem>>) dst(%dma_wait3A_125 : memref<1x4096xf32, #tpu.memory_space<hbm>>)
    %dma_wait3A_130 = arith.constant 1 : i32
    %dma_wait3A_131 = arith.constant 0 : i32
    %dma_wait3A_132 = arith.constant 0 : i32
    %dma_wait3A_133 = tpu.memref_slice %arg11[%dma_wait3A_130, %dma_wait3A_131, %dma_wait3A_132] : memref<2x1x4096xf32, #tpu.memory_space<vmem>> -> memref<1x1x4096xf32, #tpu.memory_space<vmem>>
    %dma_wait3A_134 = tpu.memref_squeeze %dma_wait3A_133 : memref<1x1x4096xf32, #tpu.memory_space<vmem>> -> memref<1x4096xf32, #tpu.memory_space<vmem>>
    %dma_wait3A_135 = arith.constant 0 : i32
    %dma_wait3A_136 = tpu.memref_slice %arg7[%add3A_9, %dma_wait3A_135] : memref<64x16384xf32, #tpu.memory_space<hbm>> -> memref<1x4096xf32, #tpu.memory_space<hbm>>
    %dma_wait3A_137 = arith.constant 0 : i32
    %dma_wait3A_138 = tpu.memref_slice %arg7[%add3A_9, %dma_wait3A_137] : memref<64x16384xf32, #tpu.memory_space<hbm>> -> memref<1x4096xf32, #tpu.memory_space<hbm>>
    %dma_wait3A_139 = arith.constant 0 : i32
    %dma_wait3A_140 = arith.constant 0 : i32
    %dma_wait3A_141 = tpu.memref_slice %arg11[%dma_wait3A_130, %dma_wait3A_139, %dma_wait3A_140] : memref<2x1x4096xf32, #tpu.memory_space<vmem>> -> memref<1x1x4096xf32, #tpu.memory_space<vmem>>
    %dma_wait3A_142 = tpu.memref_squeeze %dma_wait3A_141 : memref<1x1x4096xf32, #tpu.memory_space<vmem>> -> memref<1x4096xf32, #tpu.memory_space<vmem>>
    tpu.wait_dma2 semaphore(%arg14 : memref<!tpu.dma_semaphore, #tpu.memory_space<semaphore_mem>>) src(%dma_wait3A_142 : memref<1x4096xf32, #tpu.memory_space<vmem>>) dst(%dma_wait3A_138 : memref<1x4096xf32, #tpu.memory_space<hbm>>)
    %add3A_143 = arith.constant 1 : i32
    %add3A_144 = arith.addi %mul3A_2, %add3A_143 : i32
    %dma_wait3A_145 = arith.constant 0 : i32
    %dma_wait3A_146 = tpu.memref_slice %arg3[%add3A_144, %dma_wait3A_145] : memref<64x100000xf32, #tpu.memory_space<hbm>> -> memref<1x100000xf32, #tpu.memory_space<hbm>>
    %dma_wait3A_147 = tpu.memref_squeeze %dma_wait3A_146 : memref<1x100000xf32, #tpu.memory_space<hbm>> -> memref<100000xf32, #tpu.memory_space<hbm>>
    %dma_wait3A_148 = arith.constant 0 : i32
    %dma_wait3A_149 = tpu.memref_slice %arg3[%add3A_144, %dma_wait3A_148] : memref<64x100000xf32, #tpu.memory_space<hbm>> -> memref<1x100000xf32, #tpu.memory_space<hbm>>
    %dma_wait3A_150 = tpu.memref_squeeze %dma_wait3A_149 : memref<1x100000xf32, #tpu.memory_space<hbm>> -> memref<100000xf32, #tpu.memory_space<hbm>>
    tpu.wait_dma2 semaphore(%arg13 : memref<!tpu.dma_semaphore, #tpu.memory_space<semaphore_mem>>) src(%dma_wait3A_150 : memref<100000xf32, #tpu.memory_space<hbm>>) dst(%arg9 : memref<100000xf32, #tpu.memory_space<vmem>>)
    %add3A_151 = arith.constant 0 : i32
    %add3A_152 = arith.addi %add3A_151, %mul3A_2 : i32
    %add3A_153 = arith.constant 1 : i32
    %add3A_154 = arith.addi %add3A_152, %add3A_153 : i32
    %get3A_155 = arith.index_cast %add3A_154 : i32 to index
    %get3A_156 = tpu.vector_load %arg12[%get3A_155] {strides = array<i32>} : memref<144xf32, #tpu.memory_space<vmem>>, vector<16xf32>,
    %slice3A_157 = vector.extract_strided_slice %get3A_156 {offsets = [0], sizes = [1], strides = [1]} : vector<16xf32> to vector<1xf32>
    %squeeze3A_158 = vector.extract %slice3A_157[0] : f32 from vector<1xf32>
    %broadcast_in_dim3A_159 = vector.broadcast %squeeze3A_158 : f32 to vector<16xf32>
    %parallel_loop3A_160 = arith.constant 0 : i32
    %parallel_loop3A_161 = arith.constant 256 : i32
    %parallel_loop3A_162 = arith.constant 1 : i32
    scf.for %parallel_loop3A_558 = %parallel_loop3A_160 to %parallel_loop3A_161 step %parallel_loop3A_162  : i32 {
      %parallel_loop3A_559 = arith.constant 16 : i32
      %parallel_loop3A_560 = arith.muli %parallel_loop3A_559, %parallel_loop3A_558 : i32
      %parallel_loop3A_561 = arith.constant 0 : i32
      %parallel_loop3A_562 = arith.addi %parallel_loop3A_561, %parallel_loop3A_560 : i32
      %parallel_loop3A_563 = arith.index_cast %parallel_loop3A_562 : i32 to index
      %parallel_loop3A_564 = tpu.vector_load %arg10[%parallel_loop3A_563] {strides = array<i32>} : memref<16384xi32, #tpu.memory_space<vmem>>, vector<16xi32>,
      %parallel_loop3A_565 = arith.constant 131071 : i32
      %parallel_loop3A_566 = vector.broadcast %parallel_loop3A_565 : i32 to vector<16xi32>
      %parallel_loop3A_567 = arith.andi %parallel_loop3A_564, %parallel_loop3A_566 : vector<16xi32>
      %parallel_loop3A_568 = arith.constant 17 : i32
      %parallel_loop3A_569 = vector.broadcast %parallel_loop3A_568 : i32 to vector<16xi32>
      %parallel_loop3A_570 = arith.shrui %parallel_loop3A_564, %parallel_loop3A_569 : vector<16xi32>
      %parallel_loop3A_571 = tpu.vector_load_idx %arg9[%parallel_loop3A_567] : memref<100000xf32, #tpu.memory_space<vmem>>[vector<16xi32>], vector<16xf32>,
      %parallel_loop3A_572 = arith.constant 0 : i32
      %parallel_loop3A_573 = vector.broadcast %parallel_loop3A_572 : i32 to vector<16xi32>
      %parallel_loop3A_574 = arith.cmpi ne, %parallel_loop3A_570, %parallel_loop3A_573 : vector<16xi32>
      %parallel_loop3A_575 = arith.select %parallel_loop3A_574, %broadcast_in_dim3A_159, %parallel_loop3A_571 : vector<16xi1>, vector<16xf32>
      %parallel_loop3A_576 = arith.constant 16 : i32
      %parallel_loop3A_577 = arith.muli %parallel_loop3A_576, %parallel_loop3A_558 : i32
      %parallel_loop3A_578 = arith.constant 0 : i32
      %parallel_loop3A_579 = arith.constant 0 : i32
      %parallel_loop3A_580 = arith.index_cast %parallel_loop3A_578 : i32 to index
      %parallel_loop3A_581 = arith.index_cast %parallel_loop3A_579 : i32 to index
      %parallel_loop3A_582 = arith.index_cast %parallel_loop3A_577 : i32 to index
      %parallel_loop3A_583 = tpu.vector_load %arg11[%parallel_loop3A_580, %parallel_loop3A_581, %parallel_loop3A_582] {strides = array<i32>} : memref<2x1x4096xf32, #tpu.memory_space<vmem>>, vector<16xf32>,
      tpu.vector_store %arg11[%parallel_loop3A_580, %parallel_loop3A_581, %parallel_loop3A_582], %parallel_loop3A_575 {strides = array<i32>} : memref<2x1x4096xf32, #tpu.memory_space<vmem>>, vector<16xf32>,
    } {sc.loop_unroll_factor = 16 : i64, sc.parallel_access}
    %dma_start3A_163 = arith.constant 0 : i32
    %dma_start3A_164 = arith.constant 0 : i32
    %dma_start3A_165 = arith.constant 0 : i32
    %dma_start3A_166 = tpu.memref_slice %arg11[%dma_start3A_163, %dma_start3A_164, %dma_start3A_165] : memref<2x1x4096xf32, #tpu.memory_space<vmem>> -> memref<1x1x4096xf32, #tpu.memory_space<vmem>>
    %dma_start3A_167 = tpu.memref_squeeze %dma_start3A_166 : memref<1x1x4096xf32, #tpu.memory_space<vmem>> -> memref<1x4096xf32, #tpu.memory_space<vmem>>
    %dma_start3A_168 = arith.constant 0 : i32
    %dma_start3A_169 = tpu.memref_slice %arg7[%add3A_144, %dma_start3A_168] : memref<64x16384xf32, #tpu.memory_space<hbm>> -> memref<1x4096xf32, #tpu.memory_space<hbm>>
    %dma_start3A_170 = arith.constant 0 : i32
    %dma_start3A_171 = tpu.memref_slice %arg7[%add3A_144, %dma_start3A_170] : memref<64x16384xf32, #tpu.memory_space<hbm>> -> memref<1x4096xf32, #tpu.memory_space<hbm>>
    %dma_start3A_172 = arith.constant 0 : i32
    %dma_start3A_173 = arith.constant 0 : i32
    %dma_start3A_174 = tpu.memref_slice %arg11[%dma_start3A_163, %dma_start3A_172, %dma_start3A_173] : memref<2x1x4096xf32, #tpu.memory_space<vmem>> -> memref<1x1x4096xf32, #tpu.memory_space<vmem>>
    %dma_start3A_175 = tpu.memref_squeeze %dma_start3A_174 : memref<1x1x4096xf32, #tpu.memory_space<vmem>> -> memref<1x4096xf32, #tpu.memory_space<vmem>>
    tpu.enqueue_dma source(%dma_start3A_175 : memref<1x4096xf32, #tpu.memory_space<vmem>>) target(%dma_start3A_171 : memref<1x4096xf32, #tpu.memory_space<hbm>>) target_semaphore(%arg14 : memref<!tpu.dma_semaphore, #tpu.memory_space<semaphore_mem>>)
    %parallel_loop3A_176 = arith.constant 0 : i32
    %parallel_loop3A_177 = arith.constant 256 : i32
    %parallel_loop3A_178 = arith.constant 1 : i32
    scf.for %parallel_loop3A_558 = %parallel_loop3A_176 to %parallel_loop3A_177 step %parallel_loop3A_178  : i32 {
      %parallel_loop3A_559 = arith.constant 16 : i32
      %parallel_loop3A_560 = arith.muli %parallel_loop3A_559, %parallel_loop3A_558 : i32
      %parallel_loop3A_561 = arith.constant 4096 : i32
      %parallel_loop3A_562 = arith.addi %parallel_loop3A_561, %parallel_loop3A_560 : i32
      %parallel_loop3A_563 = arith.index_cast %parallel_loop3A_562 : i32 to index
      %parallel_loop3A_564 = tpu.vector_load %arg10[%parallel_loop3A_563] {strides = array<i32>} : memref<16384xi32, #tpu.memory_space<vmem>>, vector<16xi32>,
      %parallel_loop3A_565 = arith.constant 131071 : i32
      %parallel_loop3A_566 = vector.broadcast %parallel_loop3A_565 : i32 to vector<16xi32>
      %parallel_loop3A_567 = arith.andi %parallel_loop3A_564, %parallel_loop3A_566 : vector<16xi32>
      %parallel_loop3A_568 = arith.constant 17 : i32
      %parallel_loop3A_569 = vector.broadcast %parallel_loop3A_568 : i32 to vector<16xi32>
      %parallel_loop3A_570 = arith.shrui %parallel_loop3A_564, %parallel_loop3A_569 : vector<16xi32>
      %parallel_loop3A_571 = tpu.vector_load_idx %arg9[%parallel_loop3A_567] : memref<100000xf32, #tpu.memory_space<vmem>>[vector<16xi32>], vector<16xf32>,
      %parallel_loop3A_572 = arith.constant 0 : i32
      %parallel_loop3A_573 = vector.broadcast %parallel_loop3A_572 : i32 to vector<16xi32>
      %parallel_loop3A_574 = arith.cmpi ne, %parallel_loop3A_570, %parallel_loop3A_573 : vector<16xi32>
      %parallel_loop3A_575 = arith.select %parallel_loop3A_574, %broadcast_in_dim3A_159, %parallel_loop3A_571 : vector<16xi1>, vector<16xf32>
      %parallel_loop3A_576 = arith.constant 16 : i32
      %parallel_loop3A_577 = arith.muli %parallel_loop3A_576, %parallel_loop3A_558 : i32
      %parallel_loop3A_578 = arith.constant 1 : i32
      %parallel_loop3A_579 = arith.constant 0 : i32
      %parallel_loop3A_580 = arith.index_cast %parallel_loop3A_578 : i32 to index
      %parallel_loop3A_581 = arith.index_cast %parallel_loop3A_579 : i32 to index
      %parallel_loop3A_582 = arith.index_cast %parallel_loop3A_577 : i32 to index
      %parallel_loop3A_583 = tpu.vector_load %arg11[%parallel_loop3A_580, %parallel_loop3A_581, %parallel_loop3A_582] {strides = array<i32>} : memref<2x1x4096xf32, #tpu.memory_space<vmem>>, vector<16xf32>,
      tpu.vector_store %arg11[%parallel_loop3A_580, %parallel_loop3A_581, %parallel_loop3A_582], %parallel_loop3A_575 {strides = array<i32>} : memref<2x1x4096xf32, #tpu.memory_space<vmem>>, vector<16xf32>,
    } {sc.loop_unroll_factor = 16 : i64, sc.parallel_access}
    %dma_start3A_179 = arith.constant 1 : i32
    %dma_start3A_180 = arith.constant 0 : i32
    %dma_start3A_181 = arith.constant 0 : i32
    %dma_start3A_182 = tpu.memref_slice %arg11[%dma_start3A_179, %dma_start3A_180, %dma_start3A_181] : memref<2x1x4096xf32, #tpu.memory_space<vmem>> -> memref<1x1x4096xf32, #tpu.memory_space<vmem>>
    %dma_start3A_183 = tpu.memref_squeeze %dma_start3A_182 : memref<1x1x4096xf32, #tpu.memory_space<vmem>> -> memref<1x4096xf32, #tpu.memory_space<vmem>>
    %dma_start3A_184 = arith.constant 4096 : i32
    %dma_start3A_185 = tpu.memref_slice %arg7[%add3A_144, %dma_start3A_184] : memref<64x16384xf32, #tpu.memory_space<hbm>> -> memref<1x4096xf32, #tpu.memory_space<hbm>>
    %dma_start3A_186 = arith.constant 4096 : i32
    %dma_start3A_187 = tpu.memref_slice %arg7[%add3A_144, %dma_start3A_186] : memref<64x16384xf32, #tpu.memory_space<hbm>> -> memref<1x4096xf32, #tpu.memory_space<hbm>>
    %dma_start3A_188 = arith.constant 0 : i32
    %dma_start3A_189 = arith.constant 0 : i32
    %dma_start3A_190 = tpu.memref_slice %arg11[%dma_start3A_179, %dma_start3A_188, %dma_start3A_189] : memref<2x1x4096xf32, #tpu.memory_space<vmem>> -> memref<1x1x4096xf32, #tpu.memory_space<vmem>>
    %dma_start3A_191 = tpu.memref_squeeze %dma_start3A_190 : memref<1x1x4096xf32, #tpu.memory_space<vmem>> -> memref<1x4096xf32, #tpu.memory_space<vmem>>
    tpu.enqueue_dma source(%dma_start3A_191 : memref<1x4096xf32, #tpu.memory_space<vmem>>) target(%dma_start3A_187 : memref<1x4096xf32, #tpu.memory_space<hbm>>) target_semaphore(%arg14 : memref<!tpu.dma_semaphore, #tpu.memory_space<semaphore_mem>>)
    %dma_wait3A_192 = arith.constant 0 : i32
    %dma_wait3A_193 = arith.constant 0 : i32
    %dma_wait3A_194 = arith.constant 0 : i32
    %dma_wait3A_195 = tpu.memref_slice %arg11[%dma_wait3A_192, %dma_wait3A_193, %dma_wait3A_194] : memref<2x1x4096xf32, #tpu.memory_space<vmem>> -> memref<1x1x4096xf32, #tpu.memory_space<vmem>>
    %dma_wait3A_196 = tpu.memref_squeeze %dma_wait3A_195 : memref<1x1x4096xf32, #tpu.memory_space<vmem>> -> memref<1x4096xf32, #tpu.memory_space<vmem>>
    %dma_wait3A_197 = arith.constant 0 : i32
    %dma_wait3A_198 = tpu.memref_slice %arg7[%add3A_144, %dma_wait3A_197] : memref<64x16384xf32, #tpu.memory_space<hbm>> -> memref<1x4096xf32, #tpu.memory_space<hbm>>
    %dma_wait3A_199 = arith.constant 0 : i32
    %dma_wait3A_200 = tpu.memref_slice %arg7[%add3A_144, %dma_wait3A_199] : memref<64x16384xf32, #tpu.memory_space<hbm>> -> memref<1x4096xf32, #tpu.memory_space<hbm>>
    %dma_wait3A_201 = arith.constant 0 : i32
    %dma_wait3A_202 = arith.constant 0 : i32
    %dma_wait3A_203 = tpu.memref_slice %arg11[%dma_wait3A_192, %dma_wait3A_201, %dma_wait3A_202] : memref<2x1x4096xf32, #tpu.memory_space<vmem>> -> memref<1x1x4096xf32, #tpu.memory_space<vmem>>
    %dma_wait3A_204 = tpu.memref_squeeze %dma_wait3A_203 : memref<1x1x4096xf32, #tpu.memory_space<vmem>> -> memref<1x4096xf32, #tpu.memory_space<vmem>>
    tpu.wait_dma2 semaphore(%arg14 : memref<!tpu.dma_semaphore, #tpu.memory_space<semaphore_mem>>) src(%dma_wait3A_204 : memref<1x4096xf32, #tpu.memory_space<vmem>>) dst(%dma_wait3A_200 : memref<1x4096xf32, #tpu.memory_space<hbm>>)
    %parallel_loop3A_205 = arith.constant 0 : i32
    %parallel_loop3A_206 = arith.constant 256 : i32
    %parallel_loop3A_207 = arith.constant 1 : i32
    scf.for %parallel_loop3A_558 = %parallel_loop3A_205 to %parallel_loop3A_206 step %parallel_loop3A_207  : i32 {
      %parallel_loop3A_559 = arith.constant 16 : i32
      %parallel_loop3A_560 = arith.muli %parallel_loop3A_559, %parallel_loop3A_558 : i32
      %parallel_loop3A_561 = arith.constant 8192 : i32
      %parallel_loop3A_562 = arith.addi %parallel_loop3A_561, %parallel_loop3A_560 : i32
      %parallel_loop3A_563 = arith.index_cast %parallel_loop3A_562 : i32 to index
      %parallel_loop3A_564 = tpu.vector_load %arg10[%parallel_loop3A_563] {strides = array<i32>} : memref<16384xi32, #tpu.memory_space<vmem>>, vector<16xi32>,
      %parallel_loop3A_565 = arith.constant 131071 : i32
      %parallel_loop3A_566 = vector.broadcast %parallel_loop3A_565 : i32 to vector<16xi32>
      %parallel_loop3A_567 = arith.andi %parallel_loop3A_564, %parallel_loop3A_566 : vector<16xi32>
      %parallel_loop3A_568 = arith.constant 17 : i32
      %parallel_loop3A_569 = vector.broadcast %parallel_loop3A_568 : i32 to vector<16xi32>
      %parallel_loop3A_570 = arith.shrui %parallel_loop3A_564, %parallel_loop3A_569 : vector<16xi32>
      %parallel_loop3A_571 = tpu.vector_load_idx %arg9[%parallel_loop3A_567] : memref<100000xf32, #tpu.memory_space<vmem>>[vector<16xi32>], vector<16xf32>,
      %parallel_loop3A_572 = arith.constant 0 : i32
      %parallel_loop3A_573 = vector.broadcast %parallel_loop3A_572 : i32 to vector<16xi32>
      %parallel_loop3A_574 = arith.cmpi ne, %parallel_loop3A_570, %parallel_loop3A_573 : vector<16xi32>
      %parallel_loop3A_575 = arith.select %parallel_loop3A_574, %broadcast_in_dim3A_159, %parallel_loop3A_571 : vector<16xi1>, vector<16xf32>
      %parallel_loop3A_576 = arith.constant 16 : i32
      %parallel_loop3A_577 = arith.muli %parallel_loop3A_576, %parallel_loop3A_558 : i32
      %parallel_loop3A_578 = arith.constant 0 : i32
      %parallel_loop3A_579 = arith.constant 0 : i32
      %parallel_loop3A_580 = arith.index_cast %parallel_loop3A_578 : i32 to index
      %parallel_loop3A_581 = arith.index_cast %parallel_loop3A_579 : i32 to index
      %parallel_loop3A_582 = arith.index_cast %parallel_loop3A_577 : i32 to index
      %parallel_loop3A_583 = tpu.vector_load %arg11[%parallel_loop3A_580, %parallel_loop3A_581, %parallel_loop3A_582] {strides = array<i32>} : memref<2x1x4096xf32, #tpu.memory_space<vmem>>, vector<16xf32>,
      tpu.vector_store %arg11[%parallel_loop3A_580, %parallel_loop3A_581, %parallel_loop3A_582], %parallel_loop3A_575 {strides = array<i32>} : memref<2x1x4096xf32, #tpu.memory_space<vmem>>, vector<16xf32>,
    } {sc.loop_unroll_factor = 16 : i64, sc.parallel_access}
    %dma_start3A_208 = arith.constant 0 : i32
    %dma_start3A_209 = arith.constant 0 : i32
    %dma_start3A_210 = arith.constant 0 : i32
    %dma_start3A_211 = tpu.memref_slice %arg11[%dma_start3A_208, %dma_start3A_209, %dma_start3A_210] : memref<2x1x4096xf32, #tpu.memory_space<vmem>> -> memref<1x1x4096xf32, #tpu.memory_space<vmem>>
    %dma_start3A_212 = tpu.memref_squeeze %dma_start3A_211 : memref<1x1x4096xf32, #tpu.memory_space<vmem>> -> memref<1x4096xf32, #tpu.memory_space<vmem>>
    %dma_start3A_213 = arith.constant 8192 : i32
    %dma_start3A_214 = tpu.memref_slice %arg7[%add3A_144, %dma_start3A_213] : memref<64x16384xf32, #tpu.memory_space<hbm>> -> memref<1x4096xf32, #tpu.memory_space<hbm>>
    %dma_start3A_215 = arith.constant 8192 : i32
    %dma_start3A_216 = tpu.memref_slice %arg7[%add3A_144, %dma_start3A_215] : memref<64x16384xf32, #tpu.memory_space<hbm>> -> memref<1x4096xf32, #tpu.memory_space<hbm>>
    %dma_start3A_217 = arith.constant 0 : i32
    %dma_start3A_218 = arith.constant 0 : i32
    %dma_start3A_219 = tpu.memref_slice %arg11[%dma_start3A_208, %dma_start3A_217, %dma_start3A_218] : memref<2x1x4096xf32, #tpu.memory_space<vmem>> -> memref<1x1x4096xf32, #tpu.memory_space<vmem>>
    %dma_start3A_220 = tpu.memref_squeeze %dma_start3A_219 : memref<1x1x4096xf32, #tpu.memory_space<vmem>> -> memref<1x4096xf32, #tpu.memory_space<vmem>>
    tpu.enqueue_dma source(%dma_start3A_220 : memref<1x4096xf32, #tpu.memory_space<vmem>>) target(%dma_start3A_216 : memref<1x4096xf32, #tpu.memory_space<hbm>>) target_semaphore(%arg14 : memref<!tpu.dma_semaphore, #tpu.memory_space<semaphore_mem>>)
    %dma_wait3A_221 = arith.constant 1 : i32
    %dma_wait3A_222 = arith.constant 0 : i32
    %dma_wait3A_223 = arith.constant 0 : i32
    %dma_wait3A_224 = tpu.memref_slice %arg11[%dma_wait3A_221, %dma_wait3A_222, %dma_wait3A_223] : memref<2x1x4096xf32, #tpu.memory_space<vmem>> -> memref<1x1x4096xf32, #tpu.memory_space<vmem>>
    %dma_wait3A_225 = tpu.memref_squeeze %dma_wait3A_224 : memref<1x1x4096xf32, #tpu.memory_space<vmem>> -> memref<1x4096xf32, #tpu.memory_space<vmem>>
    %dma_wait3A_226 = arith.constant 0 : i32
    %dma_wait3A_227 = tpu.memref_slice %arg7[%add3A_144, %dma_wait3A_226] : memref<64x16384xf32, #tpu.memory_space<hbm>> -> memref<1x4096xf32, #tpu.memory_space<hbm>>
    %dma_wait3A_228 = arith.constant 0 : i32
    %dma_wait3A_229 = tpu.memref_slice %arg7[%add3A_144, %dma_wait3A_228] : memref<64x16384xf32, #tpu.memory_space<hbm>> -> memref<1x4096xf32, #tpu.memory_space<hbm>>
    %dma_wait3A_230 = arith.constant 0 : i32
    %dma_wait3A_231 = arith.constant 0 : i32
    %dma_wait3A_232 = tpu.memref_slice %arg11[%dma_wait3A_221, %dma_wait3A_230, %dma_wait3A_231] : memref<2x1x4096xf32, #tpu.memory_space<vmem>> -> memref<1x1x4096xf32, #tpu.memory_space<vmem>>
    %dma_wait3A_233 = tpu.memref_squeeze %dma_wait3A_232 : memref<1x1x4096xf32, #tpu.memory_space<vmem>> -> memref<1x4096xf32, #tpu.memory_space<vmem>>
    tpu.wait_dma2 semaphore(%arg14 : memref<!tpu.dma_semaphore, #tpu.memory_space<semaphore_mem>>) src(%dma_wait3A_233 : memref<1x4096xf32, #tpu.memory_space<vmem>>) dst(%dma_wait3A_229 : memref<1x4096xf32, #tpu.memory_space<hbm>>)
    %parallel_loop3A_234 = arith.constant 0 : i32
    %parallel_loop3A_235 = arith.constant 256 : i32
    %parallel_loop3A_236 = arith.constant 1 : i32
    scf.for %parallel_loop3A_558 = %parallel_loop3A_234 to %parallel_loop3A_235 step %parallel_loop3A_236  : i32 {
      %parallel_loop3A_559 = arith.constant 16 : i32
      %parallel_loop3A_560 = arith.muli %parallel_loop3A_559, %parallel_loop3A_558 : i32
      %parallel_loop3A_561 = arith.constant 12288 : i32
      %parallel_loop3A_562 = arith.addi %parallel_loop3A_561, %parallel_loop3A_560 : i32
      %parallel_loop3A_563 = arith.index_cast %parallel_loop3A_562 : i32 to index
      %parallel_loop3A_564 = tpu.vector_load %arg10[%parallel_loop3A_563] {strides = array<i32>} : memref<16384xi32, #tpu.memory_space<vmem>>, vector<16xi32>,
      %parallel_loop3A_565 = arith.constant 131071 : i32
      %parallel_loop3A_566 = vector.broadcast %parallel_loop3A_565 : i32 to vector<16xi32>
      %parallel_loop3A_567 = arith.andi %parallel_loop3A_564, %parallel_loop3A_566 : vector<16xi32>
      %parallel_loop3A_568 = arith.constant 17 : i32
      %parallel_loop3A_569 = vector.broadcast %parallel_loop3A_568 : i32 to vector<16xi32>
      %parallel_loop3A_570 = arith.shrui %parallel_loop3A_564, %parallel_loop3A_569 : vector<16xi32>
      %parallel_loop3A_571 = tpu.vector_load_idx %arg9[%parallel_loop3A_567] : memref<100000xf32, #tpu.memory_space<vmem>>[vector<16xi32>], vector<16xf32>,
      %parallel_loop3A_572 = arith.constant 0 : i32
      %parallel_loop3A_573 = vector.broadcast %parallel_loop3A_572 : i32 to vector<16xi32>
      %parallel_loop3A_574 = arith.cmpi ne, %parallel_loop3A_570, %parallel_loop3A_573 : vector<16xi32>
      %parallel_loop3A_575 = arith.select %parallel_loop3A_574, %broadcast_in_dim3A_159, %parallel_loop3A_571 : vector<16xi1>, vector<16xf32>
      %parallel_loop3A_576 = arith.constant 16 : i32
      %parallel_loop3A_577 = arith.muli %parallel_loop3A_576, %parallel_loop3A_558 : i32
      %parallel_loop3A_578 = arith.constant 1 : i32
      %parallel_loop3A_579 = arith.constant 0 : i32
      %parallel_loop3A_580 = arith.index_cast %parallel_loop3A_578 : i32 to index
      %parallel_loop3A_581 = arith.index_cast %parallel_loop3A_579 : i32 to index
      %parallel_loop3A_582 = arith.index_cast %parallel_loop3A_577 : i32 to index
      %parallel_loop3A_583 = tpu.vector_load %arg11[%parallel_loop3A_580, %parallel_loop3A_581, %parallel_loop3A_582] {strides = array<i32>} : memref<2x1x4096xf32, #tpu.memory_space<vmem>>, vector<16xf32>,
      tpu.vector_store %arg11[%parallel_loop3A_580, %parallel_loop3A_581, %parallel_loop3A_582], %parallel_loop3A_575 {strides = array<i32>} : memref<2x1x4096xf32, #tpu.memory_space<vmem>>, vector<16xf32>,
    } {sc.loop_unroll_factor = 16 : i64, sc.parallel_access}
    %dma_start3A_237 = arith.constant 1 : i32
    %dma_start3A_238 = arith.constant 0 : i32
    %dma_start3A_239 = arith.constant 0 : i32
    %dma_start3A_240 = tpu.memref_slice %arg11[%dma_start3A_237, %dma_start3A_238, %dma_start3A_239] : memref<2x1x4096xf32, #tpu.memory_space<vmem>> -> memref<1x1x4096xf32, #tpu.memory_space<vmem>>
    %dma_start3A_241 = tpu.memref_squeeze %dma_start3A_240 : memref<1x1x4096xf32, #tpu.memory_space<vmem>> -> memref<1x4096xf32, #tpu.memory_space<vmem>>
    %dma_start3A_242 = arith.constant 12288 : i32
    %dma_start3A_243 = tpu.memref_slice %arg7[%add3A_144, %dma_start3A_242] : memref<64x16384xf32, #tpu.memory_space<hbm>> -> memref<1x4096xf32, #tpu.memory_space<hbm>>
    %dma_start3A_244 = arith.constant 12288 : i32
    %dma_start3A_245 = tpu.memref_slice %arg7[%add3A_144, %dma_start3A_244] : memref<64x16384xf32, #tpu.memory_space<hbm>> -> memref<1x4096xf32, #tpu.memory_space<hbm>>
    %dma_start3A_246 = arith.constant 0 : i32
    %dma_start3A_247 = arith.constant 0 : i32
    %dma_start3A_248 = tpu.memref_slice %arg11[%dma_start3A_237, %dma_start3A_246, %dma_start3A_247] : memref<2x1x4096xf32, #tpu.memory_space<vmem>> -> memref<1x1x4096xf32, #tpu.memory_space<vmem>>
    %dma_start3A_249 = tpu.memref_squeeze %dma_start3A_248 : memref<1x1x4096xf32, #tpu.memory_space<vmem>> -> memref<1x4096xf32, #tpu.memory_space<vmem>>
    tpu.enqueue_dma source(%dma_start3A_249 : memref<1x4096xf32, #tpu.memory_space<vmem>>) target(%dma_start3A_245 : memref<1x4096xf32, #tpu.memory_space<hbm>>) target_semaphore(%arg14 : memref<!tpu.dma_semaphore, #tpu.memory_space<semaphore_mem>>)
    %add3A_250 = arith.constant 0 : i32
    %add3A_251 = arith.addi %mul3A_2, %add3A_250 : i32
    %dma_start3A_252 = arith.constant 0 : i32
    %dma_start3A_253 = tpu.memref_slice %arg4[%add3A_251, %dma_start3A_252] : memref<64x100000xf32, #tpu.memory_space<hbm>> -> memref<1x100000xf32, #tpu.memory_space<hbm>>
    %dma_start3A_254 = tpu.memref_squeeze %dma_start3A_253 : memref<1x100000xf32, #tpu.memory_space<hbm>> -> memref<100000xf32, #tpu.memory_space<hbm>>
    %dma_start3A_255 = arith.constant 0 : i32
    %dma_start3A_256 = tpu.memref_slice %arg4[%add3A_251, %dma_start3A_255] : memref<64x100000xf32, #tpu.memory_space<hbm>> -> memref<1x100000xf32, #tpu.memory_space<hbm>>
    %dma_start3A_257 = tpu.memref_squeeze %dma_start3A_256 : memref<1x100000xf32, #tpu.memory_space<hbm>> -> memref<100000xf32, #tpu.memory_space<hbm>>
    tpu.enqueue_dma source(%dma_start3A_257 : memref<100000xf32, #tpu.memory_space<hbm>>) target(%arg9 : memref<100000xf32, #tpu.memory_space<vmem>>) target_semaphore(%arg13 : memref<!tpu.dma_semaphore, #tpu.memory_space<semaphore_mem>>)
    %dma_wait3A_258 = arith.constant 0 : i32
    %dma_wait3A_259 = arith.constant 0 : i32
    %dma_wait3A_260 = arith.constant 0 : i32
    %dma_wait3A_261 = tpu.memref_slice %arg11[%dma_wait3A_258, %dma_wait3A_259, %dma_wait3A_260] : memref<2x1x4096xf32, #tpu.memory_space<vmem>> -> memref<1x1x4096xf32, #tpu.memory_space<vmem>>
    %dma_wait3A_262 = tpu.memref_squeeze %dma_wait3A_261 : memref<1x1x4096xf32, #tpu.memory_space<vmem>> -> memref<1x4096xf32, #tpu.memory_space<vmem>>
    %dma_wait3A_263 = arith.constant 0 : i32
    %dma_wait3A_264 = tpu.memref_slice %arg7[%add3A_144, %dma_wait3A_263] : memref<64x16384xf32, #tpu.memory_space<hbm>> -> memref<1x4096xf32, #tpu.memory_space<hbm>>
    %dma_wait3A_265 = arith.constant 0 : i32
    %dma_wait3A_266 = tpu.memref_slice %arg7[%add3A_144, %dma_wait3A_265] : memref<64x16384xf32, #tpu.memory_space<hbm>> -> memref<1x4096xf32, #tpu.memory_space<hbm>>
    %dma_wait3A_267 = arith.constant 0 : i32
    %dma_wait3A_268 = arith.constant 0 : i32
    %dma_wait3A_269 = tpu.memref_slice %arg11[%dma_wait3A_258, %dma_wait3A_267, %dma_wait3A_268] : memref<2x1x4096xf32, #tpu.memory_space<vmem>> -> memref<1x1x4096xf32, #tpu.memory_space<vmem>>
    %dma_wait3A_270 = tpu.memref_squeeze %dma_wait3A_269 : memref<1x1x4096xf32, #tpu.memory_space<vmem>> -> memref<1x4096xf32, #tpu.memory_space<vmem>>
    tpu.wait_dma2 semaphore(%arg14 : memref<!tpu.dma_semaphore, #tpu.memory_space<semaphore_mem>>) src(%dma_wait3A_270 : memref<1x4096xf32, #tpu.memory_space<vmem>>) dst(%dma_wait3A_266 : memref<1x4096xf32, #tpu.memory_space<hbm>>)
    %dma_wait3A_271 = arith.constant 1 : i32
    %dma_wait3A_272 = arith.constant 0 : i32
    %dma_wait3A_273 = arith.constant 0 : i32
    %dma_wait3A_274 = tpu.memref_slice %arg11[%dma_wait3A_271, %dma_wait3A_272, %dma_wait3A_273] : memref<2x1x4096xf32, #tpu.memory_space<vmem>> -> memref<1x1x4096xf32, #tpu.memory_space<vmem>>
    %dma_wait3A_275 = tpu.memref_squeeze %dma_wait3A_274 : memref<1x1x4096xf32, #tpu.memory_space<vmem>> -> memref<1x4096xf32, #tpu.memory_space<vmem>>
    %dma_wait3A_276 = arith.constant 0 : i32
    %dma_wait3A_277 = tpu.memref_slice %arg7[%add3A_144, %dma_wait3A_276] : memref<64x16384xf32, #tpu.memory_space<hbm>> -> memref<1x4096xf32, #tpu.memory_space<hbm>>
    %dma_wait3A_278 = arith.constant 0 : i32
    %dma_wait3A_279 = tpu.memref_slice %arg7[%add3A_144, %dma_wait3A_278] : memref<64x16384xf32, #tpu.memory_space<hbm>> -> memref<1x4096xf32, #tpu.memory_space<hbm>>
    %dma_wait3A_280 = arith.constant 0 : i32
    %dma_wait3A_281 = arith.constant 0 : i32
    %dma_wait3A_282 = tpu.memref_slice %arg11[%dma_wait3A_271, %dma_wait3A_280, %dma_wait3A_281] : memref<2x1x4096xf32, #tpu.memory_space<vmem>> -> memref<1x1x4096xf32, #tpu.memory_space<vmem>>
    %dma_wait3A_283 = tpu.memref_squeeze %dma_wait3A_282 : memref<1x1x4096xf32, #tpu.memory_space<vmem>> -> memref<1x4096xf32, #tpu.memory_space<vmem>>
    tpu.wait_dma2 semaphore(%arg14 : memref<!tpu.dma_semaphore, #tpu.memory_space<semaphore_mem>>) src(%dma_wait3A_283 : memref<1x4096xf32, #tpu.memory_space<vmem>>) dst(%dma_wait3A_279 : memref<1x4096xf32, #tpu.memory_space<hbm>>)
    %add3A_284 = arith.constant 0 : i32
    %add3A_285 = arith.addi %mul3A_2, %add3A_284 : i32
    %dma_wait3A_286 = arith.constant 0 : i32
    %dma_wait3A_287 = tpu.memref_slice %arg4[%add3A_285, %dma_wait3A_286] : memref<64x100000xf32, #tpu.memory_space<hbm>> -> memref<1x100000xf32, #tpu.memory_space<hbm>>
    %dma_wait3A_288 = tpu.memref_squeeze %dma_wait3A_287 : memref<1x100000xf32, #tpu.memory_space<hbm>> -> memref<100000xf32, #tpu.memory_space<hbm>>
    %dma_wait3A_289 = arith.constant 0 : i32
    %dma_wait3A_290 = tpu.memref_slice %arg4[%add3A_285, %dma_wait3A_289] : memref<64x100000xf32, #tpu.memory_space<hbm>> -> memref<1x100000xf32, #tpu.memory_space<hbm>>
    %dma_wait3A_291 = tpu.memref_squeeze %dma_wait3A_290 : memref<1x100000xf32, #tpu.memory_space<hbm>> -> memref<100000xf32, #tpu.memory_space<hbm>>
    tpu.wait_dma2 semaphore(%arg13 : memref<!tpu.dma_semaphore, #tpu.memory_space<semaphore_mem>>) src(%dma_wait3A_291 : memref<100000xf32, #tpu.memory_space<hbm>>) dst(%arg9 : memref<100000xf32, #tpu.memory_space<vmem>>)
    %add3A_292 = arith.constant 64 : i32
    %add3A_293 = arith.addi %add3A_292, %mul3A_2 : i32
    %add3A_294 = arith.constant 0 : i32
    %add3A_295 = arith.addi %add3A_293, %add3A_294 : i32
    %get3A_296 = arith.index_cast %add3A_295 : i32 to index
    %get3A_297 = tpu.vector_load %arg12[%get3A_296] {strides = array<i32>} : memref<144xf32, #tpu.memory_space<vmem>>, vector<16xf32>,
    %slice3A_298 = vector.extract_strided_slice %get3A_297 {offsets = [0], sizes = [1], strides = [1]} : vector<16xf32> to vector<1xf32>
    %squeeze3A_299 = vector.extract %slice3A_298[0] : f32 from vector<1xf32>
    %broadcast_in_dim3A_300 = vector.broadcast %squeeze3A_299 : f32 to vector<16xf32>
    %parallel_loop3A_301 = arith.constant 0 : i32
    %parallel_loop3A_302 = arith.constant 256 : i32
    %parallel_loop3A_303 = arith.constant 1 : i32
    scf.for %parallel_loop3A_558 = %parallel_loop3A_301 to %parallel_loop3A_302 step %parallel_loop3A_303  : i32 {
      %parallel_loop3A_559 = arith.constant 16 : i32
      %parallel_loop3A_560 = arith.muli %parallel_loop3A_559, %parallel_loop3A_558 : i32
      %parallel_loop3A_561 = arith.constant 0 : i32
      %parallel_loop3A_562 = arith.addi %parallel_loop3A_561, %parallel_loop3A_560 : i32
      %parallel_loop3A_563 = arith.index_cast %parallel_loop3A_562 : i32 to index
      %parallel_loop3A_564 = tpu.vector_load %arg10[%parallel_loop3A_563] {strides = array<i32>} : memref<16384xi32, #tpu.memory_space<vmem>>, vector<16xi32>,
      %parallel_loop3A_565 = arith.constant 131071 : i32
      %parallel_loop3A_566 = vector.broadcast %parallel_loop3A_565 : i32 to vector<16xi32>
      %parallel_loop3A_567 = arith.andi %parallel_loop3A_564, %parallel_loop3A_566 : vector<16xi32>
      %parallel_loop3A_568 = arith.constant 17 : i32
      %parallel_loop3A_569 = vector.broadcast %parallel_loop3A_568 : i32 to vector<16xi32>
      %parallel_loop3A_570 = arith.shrui %parallel_loop3A_564, %parallel_loop3A_569 : vector<16xi32>
      %parallel_loop3A_571 = tpu.vector_load_idx %arg9[%parallel_loop3A_567] : memref<100000xf32, #tpu.memory_space<vmem>>[vector<16xi32>], vector<16xf32>,
      %parallel_loop3A_572 = arith.constant 0 : i32
      %parallel_loop3A_573 = vector.broadcast %parallel_loop3A_572 : i32 to vector<16xi32>
      %parallel_loop3A_574 = arith.cmpi ne, %parallel_loop3A_570, %parallel_loop3A_573 : vector<16xi32>
      %parallel_loop3A_575 = arith.select %parallel_loop3A_574, %broadcast_in_dim3A_300, %parallel_loop3A_571 : vector<16xi1>, vector<16xf32>
      %parallel_loop3A_576 = arith.constant 16 : i32
      %parallel_loop3A_577 = arith.muli %parallel_loop3A_576, %parallel_loop3A_558 : i32
      %parallel_loop3A_578 = arith.constant 0 : i32
      %parallel_loop3A_579 = arith.constant 0 : i32
      %parallel_loop3A_580 = arith.index_cast %parallel_loop3A_578 : i32 to index
      %parallel_loop3A_581 = arith.index_cast %parallel_loop3A_579 : i32 to index
      %parallel_loop3A_582 = arith.index_cast %parallel_loop3A_577 : i32 to index
      %parallel_loop3A_583 = tpu.vector_load %arg11[%parallel_loop3A_580, %parallel_loop3A_581, %parallel_loop3A_582] {strides = array<i32>} : memref<2x1x4096xf32, #tpu.memory_space<vmem>>, vector<16xf32>,
      tpu.vector_store %arg11[%parallel_loop3A_580, %parallel_loop3A_581, %parallel_loop3A_582], %parallel_loop3A_575 {strides = array<i32>} : memref<2x1x4096xf32, #tpu.memory_space<vmem>>, vector<16xf32>,
    } {sc.loop_unroll_factor = 16 : i64, sc.parallel_access}
    %dma_start3A_304 = arith.constant 0 : i32
    %dma_start3A_305 = arith.constant 0 : i32
    %dma_start3A_306 = arith.constant 0 : i32
    %dma_start3A_307 = tpu.memref_slice %arg11[%dma_start3A_304, %dma_start3A_305, %dma_start3A_306] : memref<2x1x4096xf32, #tpu.memory_space<vmem>> -> memref<1x1x4096xf32, #tpu.memory_space<vmem>>
    %dma_start3A_308 = tpu.memref_squeeze %dma_start3A_307 : memref<1x1x4096xf32, #tpu.memory_space<vmem>> -> memref<1x4096xf32, #tpu.memory_space<vmem>>
    %dma_start3A_309 = arith.constant 0 : i32
    %dma_start3A_310 = tpu.memref_slice %arg8[%add3A_285, %dma_start3A_309] : memref<64x16384xf32, #tpu.memory_space<hbm>> -> memref<1x4096xf32, #tpu.memory_space<hbm>>
    %dma_start3A_311 = arith.constant 0 : i32
    %dma_start3A_312 = tpu.memref_slice %arg8[%add3A_285, %dma_start3A_311] : memref<64x16384xf32, #tpu.memory_space<hbm>> -> memref<1x4096xf32, #tpu.memory_space<hbm>>
    %dma_start3A_313 = arith.constant 0 : i32
    %dma_start3A_314 = arith.constant 0 : i32
    %dma_start3A_315 = tpu.memref_slice %arg11[%dma_start3A_304, %dma_start3A_313, %dma_start3A_314] : memref<2x1x4096xf32, #tpu.memory_space<vmem>> -> memref<1x1x4096xf32, #tpu.memory_space<vmem>>
    %dma_start3A_316 = tpu.memref_squeeze %dma_start3A_315 : memref<1x1x4096xf32, #tpu.memory_space<vmem>> -> memref<1x4096xf32, #tpu.memory_space<vmem>>
    tpu.enqueue_dma source(%dma_start3A_316 : memref<1x4096xf32, #tpu.memory_space<vmem>>) target(%dma_start3A_312 : memref<1x4096xf32, #tpu.memory_space<hbm>>) target_semaphore(%arg14 : memref<!tpu.dma_semaphore, #tpu.memory_space<semaphore_mem>>)
    %parallel_loop3A_317 = arith.constant 0 : i32
    %parallel_loop3A_318 = arith.constant 256 : i32
    %parallel_loop3A_319 = arith.constant 1 : i32
    scf.for %parallel_loop3A_558 = %parallel_loop3A_317 to %parallel_loop3A_318 step %parallel_loop3A_319  : i32 {
      %parallel_loop3A_559 = arith.constant 16 : i32
      %parallel_loop3A_560 = arith.muli %parallel_loop3A_559, %parallel_loop3A_558 : i32
      %parallel_loop3A_561 = arith.constant 4096 : i32
      %parallel_loop3A_562 = arith.addi %parallel_loop3A_561, %parallel_loop3A_560 : i32
      %parallel_loop3A_563 = arith.index_cast %parallel_loop3A_562 : i32 to index
      %parallel_loop3A_564 = tpu.vector_load %arg10[%parallel_loop3A_563] {strides = array<i32>} : memref<16384xi32, #tpu.memory_space<vmem>>, vector<16xi32>,
      %parallel_loop3A_565 = arith.constant 131071 : i32
      %parallel_loop3A_566 = vector.broadcast %parallel_loop3A_565 : i32 to vector<16xi32>
      %parallel_loop3A_567 = arith.andi %parallel_loop3A_564, %parallel_loop3A_566 : vector<16xi32>
      %parallel_loop3A_568 = arith.constant 17 : i32
      %parallel_loop3A_569 = vector.broadcast %parallel_loop3A_568 : i32 to vector<16xi32>
      %parallel_loop3A_570 = arith.shrui %parallel_loop3A_564, %parallel_loop3A_569 : vector<16xi32>
      %parallel_loop3A_571 = tpu.vector_load_idx %arg9[%parallel_loop3A_567] : memref<100000xf32, #tpu.memory_space<vmem>>[vector<16xi32>], vector<16xf32>,
      %parallel_loop3A_572 = arith.constant 0 : i32
      %parallel_loop3A_573 = vector.broadcast %parallel_loop3A_572 : i32 to vector<16xi32>
      %parallel_loop3A_574 = arith.cmpi ne, %parallel_loop3A_570, %parallel_loop3A_573 : vector<16xi32>
      %parallel_loop3A_575 = arith.select %parallel_loop3A_574, %broadcast_in_dim3A_300, %parallel_loop3A_571 : vector<16xi1>, vector<16xf32>
      %parallel_loop3A_576 = arith.constant 16 : i32
      %parallel_loop3A_577 = arith.muli %parallel_loop3A_576, %parallel_loop3A_558 : i32
      %parallel_loop3A_578 = arith.constant 1 : i32
      %parallel_loop3A_579 = arith.constant 0 : i32
      %parallel_loop3A_580 = arith.index_cast %parallel_loop3A_578 : i32 to index
      %parallel_loop3A_581 = arith.index_cast %parallel_loop3A_579 : i32 to index
      %parallel_loop3A_582 = arith.index_cast %parallel_loop3A_577 : i32 to index
      %parallel_loop3A_583 = tpu.vector_load %arg11[%parallel_loop3A_580, %parallel_loop3A_581, %parallel_loop3A_582] {strides = array<i32>} : memref<2x1x4096xf32, #tpu.memory_space<vmem>>, vector<16xf32>,
      tpu.vector_store %arg11[%parallel_loop3A_580, %parallel_loop3A_581, %parallel_loop3A_582], %parallel_loop3A_575 {strides = array<i32>} : memref<2x1x4096xf32, #tpu.memory_space<vmem>>, vector<16xf32>,
    } {sc.loop_unroll_factor = 16 : i64, sc.parallel_access}
    %dma_start3A_320 = arith.constant 1 : i32
    %dma_start3A_321 = arith.constant 0 : i32
    %dma_start3A_322 = arith.constant 0 : i32
    %dma_start3A_323 = tpu.memref_slice %arg11[%dma_start3A_320, %dma_start3A_321, %dma_start3A_322] : memref<2x1x4096xf32, #tpu.memory_space<vmem>> -> memref<1x1x4096xf32, #tpu.memory_space<vmem>>
    %dma_start3A_324 = tpu.memref_squeeze %dma_start3A_323 : memref<1x1x4096xf32, #tpu.memory_space<vmem>> -> memref<1x4096xf32, #tpu.memory_space<vmem>>
    %dma_start3A_325 = arith.constant 4096 : i32
    %dma_start3A_326 = tpu.memref_slice %arg8[%add3A_285, %dma_start3A_325] : memref<64x16384xf32, #tpu.memory_space<hbm>> -> memref<1x4096xf32, #tpu.memory_space<hbm>>
    %dma_start3A_327 = arith.constant 4096 : i32
    %dma_start3A_328 = tpu.memref_slice %arg8[%add3A_285, %dma_start3A_327] : memref<64x16384xf32, #tpu.memory_space<hbm>> -> memref<1x4096xf32, #tpu.memory_space<hbm>>
    %dma_start3A_329 = arith.constant 0 : i32
    %dma_start3A_330 = arith.constant 0 : i32
    %dma_start3A_331 = tpu.memref_slice %arg11[%dma_start3A_320, %dma_start3A_329, %dma_start3A_330] : memref<2x1x4096xf32, #tpu.memory_space<vmem>> -> memref<1x1x4096xf32, #tpu.memory_space<vmem>>
    %dma_start3A_332 = tpu.memref_squeeze %dma_start3A_331 : memref<1x1x4096xf32, #tpu.memory_space<vmem>> -> memref<1x4096xf32, #tpu.memory_space<vmem>>
    tpu.enqueue_dma source(%dma_start3A_332 : memref<1x4096xf32, #tpu.memory_space<vmem>>) target(%dma_start3A_328 : memref<1x4096xf32, #tpu.memory_space<hbm>>) target_semaphore(%arg14 : memref<!tpu.dma_semaphore, #tpu.memory_space<semaphore_mem>>)
    %dma_wait3A_333 = arith.constant 0 : i32
    %dma_wait3A_334 = arith.constant 0 : i32
    %dma_wait3A_335 = arith.constant 0 : i32
    %dma_wait3A_336 = tpu.memref_slice %arg11[%dma_wait3A_333, %dma_wait3A_334, %dma_wait3A_335] : memref<2x1x4096xf32, #tpu.memory_space<vmem>> -> memref<1x1x4096xf32, #tpu.memory_space<vmem>>
    %dma_wait3A_337 = tpu.memref_squeeze %dma_wait3A_336 : memref<1x1x4096xf32, #tpu.memory_space<vmem>> -> memref<1x4096xf32, #tpu.memory_space<vmem>>
    %dma_wait3A_338 = arith.constant 0 : i32
    %dma_wait3A_339 = tpu.memref_slice %arg8[%add3A_285, %dma_wait3A_338] : memref<64x16384xf32, #tpu.memory_space<hbm>> -> memref<1x4096xf32, #tpu.memory_space<hbm>>
    %dma_wait3A_340 = arith.constant 0 : i32
    %dma_wait3A_341 = tpu.memref_slice %arg8[%add3A_285, %dma_wait3A_340] : memref<64x16384xf32, #tpu.memory_space<hbm>> -> memref<1x4096xf32, #tpu.memory_space<hbm>>
    %dma_wait3A_342 = arith.constant 0 : i32
    %dma_wait3A_343 = arith.constant 0 : i32
    %dma_wait3A_344 = tpu.memref_slice %arg11[%dma_wait3A_333, %dma_wait3A_342, %dma_wait3A_343] : memref<2x1x4096xf32, #tpu.memory_space<vmem>> -> memref<1x1x4096xf32, #tpu.memory_space<vmem>>
    %dma_wait3A_345 = tpu.memref_squeeze %dma_wait3A_344 : memref<1x1x4096xf32, #tpu.memory_space<vmem>> -> memref<1x4096xf32, #tpu.memory_space<vmem>>
    tpu.wait_dma2 semaphore(%arg14 : memref<!tpu.dma_semaphore, #tpu.memory_space<semaphore_mem>>) src(%dma_wait3A_345 : memref<1x4096xf32, #tpu.memory_space<vmem>>) dst(%dma_wait3A_341 : memref<1x4096xf32, #tpu.memory_space<hbm>>)
    %parallel_loop3A_346 = arith.constant 0 : i32
    %parallel_loop3A_347 = arith.constant 256 : i32
    %parallel_loop3A_348 = arith.constant 1 : i32
    scf.for %parallel_loop3A_558 = %parallel_loop3A_346 to %parallel_loop3A_347 step %parallel_loop3A_348  : i32 {
      %parallel_loop3A_559 = arith.constant 16 : i32
      %parallel_loop3A_560 = arith.muli %parallel_loop3A_559, %parallel_loop3A_558 : i32
      %parallel_loop3A_561 = arith.constant 8192 : i32
      %parallel_loop3A_562 = arith.addi %parallel_loop3A_561, %parallel_loop3A_560 : i32
      %parallel_loop3A_563 = arith.index_cast %parallel_loop3A_562 : i32 to index
      %parallel_loop3A_564 = tpu.vector_load %arg10[%parallel_loop3A_563] {strides = array<i32>} : memref<16384xi32, #tpu.memory_space<vmem>>, vector<16xi32>,
      %parallel_loop3A_565 = arith.constant 131071 : i32
      %parallel_loop3A_566 = vector.broadcast %parallel_loop3A_565 : i32 to vector<16xi32>
      %parallel_loop3A_567 = arith.andi %parallel_loop3A_564, %parallel_loop3A_566 : vector<16xi32>
      %parallel_loop3A_568 = arith.constant 17 : i32
      %parallel_loop3A_569 = vector.broadcast %parallel_loop3A_568 : i32 to vector<16xi32>
      %parallel_loop3A_570 = arith.shrui %parallel_loop3A_564, %parallel_loop3A_569 : vector<16xi32>
      %parallel_loop3A_571 = tpu.vector_load_idx %arg9[%parallel_loop3A_567] : memref<100000xf32, #tpu.memory_space<vmem>>[vector<16xi32>], vector<16xf32>,
      %parallel_loop3A_572 = arith.constant 0 : i32
      %parallel_loop3A_573 = vector.broadcast %parallel_loop3A_572 : i32 to vector<16xi32>
      %parallel_loop3A_574 = arith.cmpi ne, %parallel_loop3A_570, %parallel_loop3A_573 : vector<16xi32>
      %parallel_loop3A_575 = arith.select %parallel_loop3A_574, %broadcast_in_dim3A_300, %parallel_loop3A_571 : vector<16xi1>, vector<16xf32>
      %parallel_loop3A_576 = arith.constant 16 : i32
      %parallel_loop3A_577 = arith.muli %parallel_loop3A_576, %parallel_loop3A_558 : i32
      %parallel_loop3A_578 = arith.constant 0 : i32
      %parallel_loop3A_579 = arith.constant 0 : i32
      %parallel_loop3A_580 = arith.index_cast %parallel_loop3A_578 : i32 to index
      %parallel_loop3A_581 = arith.index_cast %parallel_loop3A_579 : i32 to index
      %parallel_loop3A_582 = arith.index_cast %parallel_loop3A_577 : i32 to index
      %parallel_loop3A_583 = tpu.vector_load %arg11[%parallel_loop3A_580, %parallel_loop3A_581, %parallel_loop3A_582] {strides = array<i32>} : memref<2x1x4096xf32, #tpu.memory_space<vmem>>, vector<16xf32>,
      tpu.vector_store %arg11[%parallel_loop3A_580, %parallel_loop3A_581, %parallel_loop3A_582], %parallel_loop3A_575 {strides = array<i32>} : memref<2x1x4096xf32, #tpu.memory_space<vmem>>, vector<16xf32>,
    } {sc.loop_unroll_factor = 16 : i64, sc.parallel_access}
    %dma_start3A_349 = arith.constant 0 : i32
    %dma_start3A_350 = arith.constant 0 : i32
    %dma_start3A_351 = arith.constant 0 : i32
    %dma_start3A_352 = tpu.memref_slice %arg11[%dma_start3A_349, %dma_start3A_350, %dma_start3A_351] : memref<2x1x4096xf32, #tpu.memory_space<vmem>> -> memref<1x1x4096xf32, #tpu.memory_space<vmem>>
    %dma_start3A_353 = tpu.memref_squeeze %dma_start3A_352 : memref<1x1x4096xf32, #tpu.memory_space<vmem>> -> memref<1x4096xf32, #tpu.memory_space<vmem>>
    %dma_start3A_354 = arith.constant 8192 : i32
    %dma_start3A_355 = tpu.memref_slice %arg8[%add3A_285, %dma_start3A_354] : memref<64x16384xf32, #tpu.memory_space<hbm>> -> memref<1x4096xf32, #tpu.memory_space<hbm>>
    %dma_start3A_356 = arith.constant 8192 : i32
    %dma_start3A_357 = tpu.memref_slice %arg8[%add3A_285, %dma_start3A_356] : memref<64x16384xf32, #tpu.memory_space<hbm>> -> memref<1x4096xf32, #tpu.memory_space<hbm>>
    %dma_start3A_358 = arith.constant 0 : i32
    %dma_start3A_359 = arith.constant 0 : i32
    %dma_start3A_360 = tpu.memref_slice %arg11[%dma_start3A_349, %dma_start3A_358, %dma_start3A_359] : memref<2x1x4096xf32, #tpu.memory_space<vmem>> -> memref<1x1x4096xf32, #tpu.memory_space<vmem>>
    %dma_start3A_361 = tpu.memref_squeeze %dma_start3A_360 : memref<1x1x4096xf32, #tpu.memory_space<vmem>> -> memref<1x4096xf32, #tpu.memory_space<vmem>>
    tpu.enqueue_dma source(%dma_start3A_361 : memref<1x4096xf32, #tpu.memory_space<vmem>>) target(%dma_start3A_357 : memref<1x4096xf32, #tpu.memory_space<hbm>>) target_semaphore(%arg14 : memref<!tpu.dma_semaphore, #tpu.memory_space<semaphore_mem>>)
    %dma_wait3A_362 = arith.constant 1 : i32
    %dma_wait3A_363 = arith.constant 0 : i32
    %dma_wait3A_364 = arith.constant 0 : i32
    %dma_wait3A_365 = tpu.memref_slice %arg11[%dma_wait3A_362, %dma_wait3A_363, %dma_wait3A_364] : memref<2x1x4096xf32, #tpu.memory_space<vmem>> -> memref<1x1x4096xf32, #tpu.memory_space<vmem>>
    %dma_wait3A_366 = tpu.memref_squeeze %dma_wait3A_365 : memref<1x1x4096xf32, #tpu.memory_space<vmem>> -> memref<1x4096xf32, #tpu.memory_space<vmem>>
    %dma_wait3A_367 = arith.constant 0 : i32
    %dma_wait3A_368 = tpu.memref_slice %arg8[%add3A_285, %dma_wait3A_367] : memref<64x16384xf32, #tpu.memory_space<hbm>> -> memref<1x4096xf32, #tpu.memory_space<hbm>>
    %dma_wait3A_369 = arith.constant 0 : i32
    %dma_wait3A_370 = tpu.memref_slice %arg8[%add3A_285, %dma_wait3A_369] : memref<64x16384xf32, #tpu.memory_space<hbm>> -> memref<1x4096xf32, #tpu.memory_space<hbm>>
    %dma_wait3A_371 = arith.constant 0 : i32
    %dma_wait3A_372 = arith.constant 0 : i32
    %dma_wait3A_373 = tpu.memref_slice %arg11[%dma_wait3A_362, %dma_wait3A_371, %dma_wait3A_372] : memref<2x1x4096xf32, #tpu.memory_space<vmem>> -> memref<1x1x4096xf32, #tpu.memory_space<vmem>>
    %dma_wait3A_374 = tpu.memref_squeeze %dma_wait3A_373 : memref<1x1x4096xf32, #tpu.memory_space<vmem>> -> memref<1x4096xf32, #tpu.memory_space<vmem>>
    tpu.wait_dma2 semaphore(%arg14 : memref<!tpu.dma_semaphore, #tpu.memory_space<semaphore_mem>>) src(%dma_wait3A_374 : memref<1x4096xf32, #tpu.memory_space<vmem>>) dst(%dma_wait3A_370 : memref<1x4096xf32, #tpu.memory_space<hbm>>)
    %parallel_loop3A_375 = arith.constant 0 : i32
    %parallel_loop3A_376 = arith.constant 256 : i32
    %parallel_loop3A_377 = arith.constant 1 : i32
    scf.for %parallel_loop3A_558 = %parallel_loop3A_375 to %parallel_loop3A_376 step %parallel_loop3A_377  : i32 {
      %parallel_loop3A_559 = arith.constant 16 : i32
      %parallel_loop3A_560 = arith.muli %parallel_loop3A_559, %parallel_loop3A_558 : i32
      %parallel_loop3A_561 = arith.constant 12288 : i32
      %parallel_loop3A_562 = arith.addi %parallel_loop3A_561, %parallel_loop3A_560 : i32
      %parallel_loop3A_563 = arith.index_cast %parallel_loop3A_562 : i32 to index
      %parallel_loop3A_564 = tpu.vector_load %arg10[%parallel_loop3A_563] {strides = array<i32>} : memref<16384xi32, #tpu.memory_space<vmem>>, vector<16xi32>,
      %parallel_loop3A_565 = arith.constant 131071 : i32
      %parallel_loop3A_566 = vector.broadcast %parallel_loop3A_565 : i32 to vector<16xi32>
      %parallel_loop3A_567 = arith.andi %parallel_loop3A_564, %parallel_loop3A_566 : vector<16xi32>
      %parallel_loop3A_568 = arith.constant 17 : i32
      %parallel_loop3A_569 = vector.broadcast %parallel_loop3A_568 : i32 to vector<16xi32>
      %parallel_loop3A_570 = arith.shrui %parallel_loop3A_564, %parallel_loop3A_569 : vector<16xi32>
      %parallel_loop3A_571 = tpu.vector_load_idx %arg9[%parallel_loop3A_567] : memref<100000xf32, #tpu.memory_space<vmem>>[vector<16xi32>], vector<16xf32>,
      %parallel_loop3A_572 = arith.constant 0 : i32
      %parallel_loop3A_573 = vector.broadcast %parallel_loop3A_572 : i32 to vector<16xi32>
      %parallel_loop3A_574 = arith.cmpi ne, %parallel_loop3A_570, %parallel_loop3A_573 : vector<16xi32>
      %parallel_loop3A_575 = arith.select %parallel_loop3A_574, %broadcast_in_dim3A_300, %parallel_loop3A_571 : vector<16xi1>, vector<16xf32>
      %parallel_loop3A_576 = arith.constant 16 : i32
      %parallel_loop3A_577 = arith.muli %parallel_loop3A_576, %parallel_loop3A_558 : i32
      %parallel_loop3A_578 = arith.constant 1 : i32
      %parallel_loop3A_579 = arith.constant 0 : i32
      %parallel_loop3A_580 = arith.index_cast %parallel_loop3A_578 : i32 to index
      %parallel_loop3A_581 = arith.index_cast %parallel_loop3A_579 : i32 to index
      %parallel_loop3A_582 = arith.index_cast %parallel_loop3A_577 : i32 to index
      %parallel_loop3A_583 = tpu.vector_load %arg11[%parallel_loop3A_580, %parallel_loop3A_581, %parallel_loop3A_582] {strides = array<i32>} : memref<2x1x4096xf32, #tpu.memory_space<vmem>>, vector<16xf32>,
      tpu.vector_store %arg11[%parallel_loop3A_580, %parallel_loop3A_581, %parallel_loop3A_582], %parallel_loop3A_575 {strides = array<i32>} : memref<2x1x4096xf32, #tpu.memory_space<vmem>>, vector<16xf32>,
    } {sc.loop_unroll_factor = 16 : i64, sc.parallel_access}
    %dma_start3A_378 = arith.constant 1 : i32
    %dma_start3A_379 = arith.constant 0 : i32
    %dma_start3A_380 = arith.constant 0 : i32
    %dma_start3A_381 = tpu.memref_slice %arg11[%dma_start3A_378, %dma_start3A_379, %dma_start3A_380] : memref<2x1x4096xf32, #tpu.memory_space<vmem>> -> memref<1x1x4096xf32, #tpu.memory_space<vmem>>
    %dma_start3A_382 = tpu.memref_squeeze %dma_start3A_381 : memref<1x1x4096xf32, #tpu.memory_space<vmem>> -> memref<1x4096xf32, #tpu.memory_space<vmem>>
    %dma_start3A_383 = arith.constant 12288 : i32
    %dma_start3A_384 = tpu.memref_slice %arg8[%add3A_285, %dma_start3A_383] : memref<64x16384xf32, #tpu.memory_space<hbm>> -> memref<1x4096xf32, #tpu.memory_space<hbm>>
    %dma_start3A_385 = arith.constant 12288 : i32
    %dma_start3A_386 = tpu.memref_slice %arg8[%add3A_285, %dma_start3A_385] : memref<64x16384xf32, #tpu.memory_space<hbm>> -> memref<1x4096xf32, #tpu.memory_space<hbm>>
    %dma_start3A_387 = arith.constant 0 : i32
    %dma_start3A_388 = arith.constant 0 : i32
    %dma_start3A_389 = tpu.memref_slice %arg11[%dma_start3A_378, %dma_start3A_387, %dma_start3A_388] : memref<2x1x4096xf32, #tpu.memory_space<vmem>> -> memref<1x1x4096xf32, #tpu.memory_space<vmem>>
    %dma_start3A_390 = tpu.memref_squeeze %dma_start3A_389 : memref<1x1x4096xf32, #tpu.memory_space<vmem>> -> memref<1x4096xf32, #tpu.memory_space<vmem>>
    tpu.enqueue_dma source(%dma_start3A_390 : memref<1x4096xf32, #tpu.memory_space<vmem>>) target(%dma_start3A_386 : memref<1x4096xf32, #tpu.memory_space<hbm>>) target_semaphore(%arg14 : memref<!tpu.dma_semaphore, #tpu.memory_space<semaphore_mem>>)
    %add3A_391 = arith.constant 1 : i32
    %add3A_392 = arith.addi %mul3A_2, %add3A_391 : i32
    %dma_start3A_393 = arith.constant 0 : i32
    %dma_start3A_394 = tpu.memref_slice %arg4[%add3A_392, %dma_start3A_393] : memref<64x100000xf32, #tpu.memory_space<hbm>> -> memref<1x100000xf32, #tpu.memory_space<hbm>>
    %dma_start3A_395 = tpu.memref_squeeze %dma_start3A_394 : memref<1x100000xf32, #tpu.memory_space<hbm>> -> memref<100000xf32, #tpu.memory_space<hbm>>
    %dma_start3A_396 = arith.constant 0 : i32
    %dma_start3A_397 = tpu.memref_slice %arg4[%add3A_392, %dma_start3A_396] : memref<64x100000xf32, #tpu.memory_space<hbm>> -> memref<1x100000xf32, #tpu.memory_space<hbm>>
    %dma_start3A_398 = tpu.memref_squeeze %dma_start3A_397 : memref<1x100000xf32, #tpu.memory_space<hbm>> -> memref<100000xf32, #tpu.memory_space<hbm>>
    tpu.enqueue_dma source(%dma_start3A_398 : memref<100000xf32, #tpu.memory_space<hbm>>) target(%arg9 : memref<100000xf32, #tpu.memory_space<vmem>>) target_semaphore(%arg13 : memref<!tpu.dma_semaphore, #tpu.memory_space<semaphore_mem>>)
    %dma_wait3A_399 = arith.constant 0 : i32
    %dma_wait3A_400 = arith.constant 0 : i32
    %dma_wait3A_401 = arith.constant 0 : i32
    %dma_wait3A_402 = tpu.memref_slice %arg11[%dma_wait3A_399, %dma_wait3A_400, %dma_wait3A_401] : memref<2x1x4096xf32, #tpu.memory_space<vmem>> -> memref<1x1x4096xf32, #tpu.memory_space<vmem>>
    %dma_wait3A_403 = tpu.memref_squeeze %dma_wait3A_402 : memref<1x1x4096xf32, #tpu.memory_space<vmem>> -> memref<1x4096xf32, #tpu.memory_space<vmem>>
    %dma_wait3A_404 = arith.constant 0 : i32
    %dma_wait3A_405 = tpu.memref_slice %arg8[%add3A_285, %dma_wait3A_404] : memref<64x16384xf32, #tpu.memory_space<hbm>> -> memref<1x4096xf32, #tpu.memory_space<hbm>>
    %dma_wait3A_406 = arith.constant 0 : i32
    %dma_wait3A_407 = tpu.memref_slice %arg8[%add3A_285, %dma_wait3A_406] : memref<64x16384xf32, #tpu.memory_space<hbm>> -> memref<1x4096xf32, #tpu.memory_space<hbm>>
    %dma_wait3A_408 = arith.constant 0 : i32
    %dma_wait3A_409 = arith.constant 0 : i32
    %dma_wait3A_410 = tpu.memref_slice %arg11[%dma_wait3A_399, %dma_wait3A_408, %dma_wait3A_409] : memref<2x1x4096xf32, #tpu.memory_space<vmem>> -> memref<1x1x4096xf32, #tpu.memory_space<vmem>>
    %dma_wait3A_411 = tpu.memref_squeeze %dma_wait3A_410 : memref<1x1x4096xf32, #tpu.memory_space<vmem>> -> memref<1x4096xf32, #tpu.memory_space<vmem>>
    tpu.wait_dma2 semaphore(%arg14 : memref<!tpu.dma_semaphore, #tpu.memory_space<semaphore_mem>>) src(%dma_wait3A_411 : memref<1x4096xf32, #tpu.memory_space<vmem>>) dst(%dma_wait3A_407 : memref<1x4096xf32, #tpu.memory_space<hbm>>)
    %dma_wait3A_412 = arith.constant 1 : i32
    %dma_wait3A_413 = arith.constant 0 : i32
    %dma_wait3A_414 = arith.constant 0 : i32
    %dma_wait3A_415 = tpu.memref_slice %arg11[%dma_wait3A_412, %dma_wait3A_413, %dma_wait3A_414] : memref<2x1x4096xf32, #tpu.memory_space<vmem>> -> memref<1x1x4096xf32, #tpu.memory_space<vmem>>
    %dma_wait3A_416 = tpu.memref_squeeze %dma_wait3A_415 : memref<1x1x4096xf32, #tpu.memory_space<vmem>> -> memref<1x4096xf32, #tpu.memory_space<vmem>>
    %dma_wait3A_417 = arith.constant 0 : i32
    %dma_wait3A_418 = tpu.memref_slice %arg8[%add3A_285, %dma_wait3A_417] : memref<64x16384xf32, #tpu.memory_space<hbm>> -> memref<1x4096xf32, #tpu.memory_space<hbm>>
    %dma_wait3A_419 = arith.constant 0 : i32
    %dma_wait3A_420 = tpu.memref_slice %arg8[%add3A_285, %dma_wait3A_419] : memref<64x16384xf32, #tpu.memory_space<hbm>> -> memref<1x4096xf32, #tpu.memory_space<hbm>>
    %dma_wait3A_421 = arith.constant 0 : i32
    %dma_wait3A_422 = arith.constant 0 : i32
    %dma_wait3A_423 = tpu.memref_slice %arg11[%dma_wait3A_412, %dma_wait3A_421, %dma_wait3A_422] : memref<2x1x4096xf32, #tpu.memory_space<vmem>> -> memref<1x1x4096xf32, #tpu.memory_space<vmem>>
    %dma_wait3A_424 = tpu.memref_squeeze %dma_wait3A_423 : memref<1x1x4096xf32, #tpu.memory_space<vmem>> -> memref<1x4096xf32, #tpu.memory_space<vmem>>
    tpu.wait_dma2 semaphore(%arg14 : memref<!tpu.dma_semaphore, #tpu.memory_space<semaphore_mem>>) src(%dma_wait3A_424 : memref<1x4096xf32, #tpu.memory_space<vmem>>) dst(%dma_wait3A_420 : memref<1x4096xf32, #tpu.memory_space<hbm>>)
    %add3A_425 = arith.constant 1 : i32
    %add3A_426 = arith.addi %mul3A_2, %add3A_425 : i32
    %dma_wait3A_427 = arith.constant 0 : i32
    %dma_wait3A_428 = tpu.memref_slice %arg4[%add3A_426, %dma_wait3A_427] : memref<64x100000xf32, #tpu.memory_space<hbm>> -> memref<1x100000xf32, #tpu.memory_space<hbm>>
    %dma_wait3A_429 = tpu.memref_squeeze %dma_wait3A_428 : memref<1x100000xf32, #tpu.memory_space<hbm>> -> memref<100000xf32, #tpu.memory_space<hbm>>
    %dma_wait3A_430 = arith.constant 0 : i32
    %dma_wait3A_431 = tpu.memref_slice %arg4[%add3A_426, %dma_wait3A_430] : memref<64x100000xf32, #tpu.memory_space<hbm>> -> memref<1x100000xf32, #tpu.memory_space<hbm>>
    %dma_wait3A_432 = tpu.memref_squeeze %dma_wait3A_431 : memref<1x100000xf32, #tpu.memory_space<hbm>> -> memref<100000xf32, #tpu.memory_space<hbm>>
    tpu.wait_dma2 semaphore(%arg13 : memref<!tpu.dma_semaphore, #tpu.memory_space<semaphore_mem>>) src(%dma_wait3A_432 : memref<100000xf32, #tpu.memory_space<hbm>>) dst(%arg9 : memref<100000xf32, #tpu.memory_space<vmem>>)
    %add3A_433 = arith.constant 64 : i32
    %add3A_434 = arith.addi %add3A_433, %mul3A_2 : i32
    %add3A_435 = arith.constant 1 : i32
    %add3A_436 = arith.addi %add3A_434, %add3A_435 : i32
    %get3A_437 = arith.index_cast %add3A_436 : i32 to index
    %get3A_438 = tpu.vector_load %arg12[%get3A_437] {strides = array<i32>} : memref<144xf32, #tpu.memory_space<vmem>>, vector<16xf32>,
    %slice3A_439 = vector.extract_strided_slice %get3A_438 {offsets = [0], sizes = [1], strides = [1]} : vector<16xf32> to vector<1xf32>
    %squeeze3A_440 = vector.extract %slice3A_439[0] : f32 from vector<1xf32>
    %broadcast_in_dim3A_441 = vector.broadcast %squeeze3A_440 : f32 to vector<16xf32>
    %parallel_loop3A_442 = arith.constant 0 : i32
    %parallel_loop3A_443 = arith.constant 256 : i32
    %parallel_loop3A_444 = arith.constant 1 : i32
    scf.for %parallel_loop3A_558 = %parallel_loop3A_442 to %parallel_loop3A_443 step %parallel_loop3A_444  : i32 {
      %parallel_loop3A_559 = arith.constant 16 : i32
      %parallel_loop3A_560 = arith.muli %parallel_loop3A_559, %parallel_loop3A_558 : i32
      %parallel_loop3A_561 = arith.constant 0 : i32
      %parallel_loop3A_562 = arith.addi %parallel_loop3A_561, %parallel_loop3A_560 : i32
      %parallel_loop3A_563 = arith.index_cast %parallel_loop3A_562 : i32 to index
      %parallel_loop3A_564 = tpu.vector_load %arg10[%parallel_loop3A_563] {strides = array<i32>} : memref<16384xi32, #tpu.memory_space<vmem>>, vector<16xi32>,
      %parallel_loop3A_565 = arith.constant 131071 : i32
      %parallel_loop3A_566 = vector.broadcast %parallel_loop3A_565 : i32 to vector<16xi32>
      %parallel_loop3A_567 = arith.andi %parallel_loop3A_564, %parallel_loop3A_566 : vector<16xi32>
      %parallel_loop3A_568 = arith.constant 17 : i32
      %parallel_loop3A_569 = vector.broadcast %parallel_loop3A_568 : i32 to vector<16xi32>
      %parallel_loop3A_570 = arith.shrui %parallel_loop3A_564, %parallel_loop3A_569 : vector<16xi32>
      %parallel_loop3A_571 = tpu.vector_load_idx %arg9[%parallel_loop3A_567] : memref<100000xf32, #tpu.memory_space<vmem>>[vector<16xi32>], vector<16xf32>,
      %parallel_loop3A_572 = arith.constant 0 : i32
      %parallel_loop3A_573 = vector.broadcast %parallel_loop3A_572 : i32 to vector<16xi32>
      %parallel_loop3A_574 = arith.cmpi ne, %parallel_loop3A_570, %parallel_loop3A_573 : vector<16xi32>
      %parallel_loop3A_575 = arith.select %parallel_loop3A_574, %broadcast_in_dim3A_441, %parallel_loop3A_571 : vector<16xi1>, vector<16xf32>
      %parallel_loop3A_576 = arith.constant 16 : i32
      %parallel_loop3A_577 = arith.muli %parallel_loop3A_576, %parallel_loop3A_558 : i32
      %parallel_loop3A_578 = arith.constant 0 : i32
      %parallel_loop3A_579 = arith.constant 0 : i32
      %parallel_loop3A_580 = arith.index_cast %parallel_loop3A_578 : i32 to index
      %parallel_loop3A_581 = arith.index_cast %parallel_loop3A_579 : i32 to index
      %parallel_loop3A_582 = arith.index_cast %parallel_loop3A_577 : i32 to index
      %parallel_loop3A_583 = tpu.vector_load %arg11[%parallel_loop3A_580, %parallel_loop3A_581, %parallel_loop3A_582] {strides = array<i32>} : memref<2x1x4096xf32, #tpu.memory_space<vmem>>, vector<16xf32>,
      tpu.vector_store %arg11[%parallel_loop3A_580, %parallel_loop3A_581, %parallel_loop3A_582], %parallel_loop3A_575 {strides = array<i32>} : memref<2x1x4096xf32, #tpu.memory_space<vmem>>, vector<16xf32>,
    } {sc.loop_unroll_factor = 16 : i64, sc.parallel_access}
    %dma_start3A_445 = arith.constant 0 : i32
    %dma_start3A_446 = arith.constant 0 : i32
    %dma_start3A_447 = arith.constant 0 : i32
    %dma_start3A_448 = tpu.memref_slice %arg11[%dma_start3A_445, %dma_start3A_446, %dma_start3A_447] : memref<2x1x4096xf32, #tpu.memory_space<vmem>> -> memref<1x1x4096xf32, #tpu.memory_space<vmem>>
    %dma_start3A_449 = tpu.memref_squeeze %dma_start3A_448 : memref<1x1x4096xf32, #tpu.memory_space<vmem>> -> memref<1x4096xf32, #tpu.memory_space<vmem>>
    %dma_start3A_450 = arith.constant 0 : i32
    %dma_start3A_451 = tpu.memref_slice %arg8[%add3A_426, %dma_start3A_450] : memref<64x16384xf32, #tpu.memory_space<hbm>> -> memref<1x4096xf32, #tpu.memory_space<hbm>>
    %dma_start3A_452 = arith.constant 0 : i32
    %dma_start3A_453 = tpu.memref_slice %arg8[%add3A_426, %dma_start3A_452] : memref<64x16384xf32, #tpu.memory_space<hbm>> -> memref<1x4096xf32, #tpu.memory_space<hbm>>
    %dma_start3A_454 = arith.constant 0 : i32
    %dma_start3A_455 = arith.constant 0 : i32
    %dma_start3A_456 = tpu.memref_slice %arg11[%dma_start3A_445, %dma_start3A_454, %dma_start3A_455] : memref<2x1x4096xf32, #tpu.memory_space<vmem>> -> memref<1x1x4096xf32, #tpu.memory_space<vmem>>
    %dma_start3A_457 = tpu.memref_squeeze %dma_start3A_456 : memref<1x1x4096xf32, #tpu.memory_space<vmem>> -> memref<1x4096xf32, #tpu.memory_space<vmem>>
    tpu.enqueue_dma source(%dma_start3A_457 : memref<1x4096xf32, #tpu.memory_space<vmem>>) target(%dma_start3A_453 : memref<1x4096xf32, #tpu.memory_space<hbm>>) target_semaphore(%arg14 : memref<!tpu.dma_semaphore, #tpu.memory_space<semaphore_mem>>)
    %parallel_loop3A_458 = arith.constant 0 : i32
    %parallel_loop3A_459 = arith.constant 256 : i32
    %parallel_loop3A_460 = arith.constant 1 : i32
    scf.for %parallel_loop3A_558 = %parallel_loop3A_458 to %parallel_loop3A_459 step %parallel_loop3A_460  : i32 {
      %parallel_loop3A_559 = arith.constant 16 : i32
      %parallel_loop3A_560 = arith.muli %parallel_loop3A_559, %parallel_loop3A_558 : i32
      %parallel_loop3A_561 = arith.constant 4096 : i32
      %parallel_loop3A_562 = arith.addi %parallel_loop3A_561, %parallel_loop3A_560 : i32
      %parallel_loop3A_563 = arith.index_cast %parallel_loop3A_562 : i32 to index
      %parallel_loop3A_564 = tpu.vector_load %arg10[%parallel_loop3A_563] {strides = array<i32>} : memref<16384xi32, #tpu.memory_space<vmem>>, vector<16xi32>,
      %parallel_loop3A_565 = arith.constant 131071 : i32
      %parallel_loop3A_566 = vector.broadcast %parallel_loop3A_565 : i32 to vector<16xi32>
      %parallel_loop3A_567 = arith.andi %parallel_loop3A_564, %parallel_loop3A_566 : vector<16xi32>
      %parallel_loop3A_568 = arith.constant 17 : i32
      %parallel_loop3A_569 = vector.broadcast %parallel_loop3A_568 : i32 to vector<16xi32>
      %parallel_loop3A_570 = arith.shrui %parallel_loop3A_564, %parallel_loop3A_569 : vector<16xi32>
      %parallel_loop3A_571 = tpu.vector_load_idx %arg9[%parallel_loop3A_567] : memref<100000xf32, #tpu.memory_space<vmem>>[vector<16xi32>], vector<16xf32>,
      %parallel_loop3A_572 = arith.constant 0 : i32
      %parallel_loop3A_573 = vector.broadcast %parallel_loop3A_572 : i32 to vector<16xi32>
      %parallel_loop3A_574 = arith.cmpi ne, %parallel_loop3A_570, %parallel_loop3A_573 : vector<16xi32>
      %parallel_loop3A_575 = arith.select %parallel_loop3A_574, %broadcast_in_dim3A_441, %parallel_loop3A_571 : vector<16xi1>, vector<16xf32>
      %parallel_loop3A_576 = arith.constant 16 : i32
      %parallel_loop3A_577 = arith.muli %parallel_loop3A_576, %parallel_loop3A_558 : i32
      %parallel_loop3A_578 = arith.constant 1 : i32
      %parallel_loop3A_579 = arith.constant 0 : i32
      %parallel_loop3A_580 = arith.index_cast %parallel_loop3A_578 : i32 to index
      %parallel_loop3A_581 = arith.index_cast %parallel_loop3A_579 : i32 to index
      %parallel_loop3A_582 = arith.index_cast %parallel_loop3A_577 : i32 to index
      %parallel_loop3A_583 = tpu.vector_load %arg11[%parallel_loop3A_580, %parallel_loop3A_581, %parallel_loop3A_582] {strides = array<i32>} : memref<2x1x4096xf32, #tpu.memory_space<vmem>>, vector<16xf32>,
      tpu.vector_store %arg11[%parallel_loop3A_580, %parallel_loop3A_581, %parallel_loop3A_582], %parallel_loop3A_575 {strides = array<i32>} : memref<2x1x4096xf32, #tpu.memory_space<vmem>>, vector<16xf32>,
    } {sc.loop_unroll_factor = 16 : i64, sc.parallel_access}
    %dma_start3A_461 = arith.constant 1 : i32
    %dma_start3A_462 = arith.constant 0 : i32
    %dma_start3A_463 = arith.constant 0 : i32
    %dma_start3A_464 = tpu.memref_slice %arg11[%dma_start3A_461, %dma_start3A_462, %dma_start3A_463] : memref<2x1x4096xf32, #tpu.memory_space<vmem>> -> memref<1x1x4096xf32, #tpu.memory_space<vmem>>
    %dma_start3A_465 = tpu.memref_squeeze %dma_start3A_464 : memref<1x1x4096xf32, #tpu.memory_space<vmem>> -> memref<1x4096xf32, #tpu.memory_space<vmem>>
    %dma_start3A_466 = arith.constant 4096 : i32
    %dma_start3A_467 = tpu.memref_slice %arg8[%add3A_426, %dma_start3A_466] : memref<64x16384xf32, #tpu.memory_space<hbm>> -> memref<1x4096xf32, #tpu.memory_space<hbm>>
    %dma_start3A_468 = arith.constant 4096 : i32
    %dma_start3A_469 = tpu.memref_slice %arg8[%add3A_426, %dma_start3A_468] : memref<64x16384xf32, #tpu.memory_space<hbm>> -> memref<1x4096xf32, #tpu.memory_space<hbm>>
    %dma_start3A_470 = arith.constant 0 : i32
    %dma_start3A_471 = arith.constant 0 : i32
    %dma_start3A_472 = tpu.memref_slice %arg11[%dma_start3A_461, %dma_start3A_470, %dma_start3A_471] : memref<2x1x4096xf32, #tpu.memory_space<vmem>> -> memref<1x1x4096xf32, #tpu.memory_space<vmem>>
    %dma_start3A_473 = tpu.memref_squeeze %dma_start3A_472 : memref<1x1x4096xf32, #tpu.memory_space<vmem>> -> memref<1x4096xf32, #tpu.memory_space<vmem>>
    tpu.enqueue_dma source(%dma_start3A_473 : memref<1x4096xf32, #tpu.memory_space<vmem>>) target(%dma_start3A_469 : memref<1x4096xf32, #tpu.memory_space<hbm>>) target_semaphore(%arg14 : memref<!tpu.dma_semaphore, #tpu.memory_space<semaphore_mem>>)
    %dma_wait3A_474 = arith.constant 0 : i32
    %dma_wait3A_475 = arith.constant 0 : i32
    %dma_wait3A_476 = arith.constant 0 : i32
    %dma_wait3A_477 = tpu.memref_slice %arg11[%dma_wait3A_474, %dma_wait3A_475, %dma_wait3A_476] : memref<2x1x4096xf32, #tpu.memory_space<vmem>> -> memref<1x1x4096xf32, #tpu.memory_space<vmem>>
    %dma_wait3A_478 = tpu.memref_squeeze %dma_wait3A_477 : memref<1x1x4096xf32, #tpu.memory_space<vmem>> -> memref<1x4096xf32, #tpu.memory_space<vmem>>
    %dma_wait3A_479 = arith.constant 0 : i32
    %dma_wait3A_480 = tpu.memref_slice %arg8[%add3A_426, %dma_wait3A_479] : memref<64x16384xf32, #tpu.memory_space<hbm>> -> memref<1x4096xf32, #tpu.memory_space<hbm>>
    %dma_wait3A_481 = arith.constant 0 : i32
    %dma_wait3A_482 = tpu.memref_slice %arg8[%add3A_426, %dma_wait3A_481] : memref<64x16384xf32, #tpu.memory_space<hbm>> -> memref<1x4096xf32, #tpu.memory_space<hbm>>
    %dma_wait3A_483 = arith.constant 0 : i32
    %dma_wait3A_484 = arith.constant 0 : i32
    %dma_wait3A_485 = tpu.memref_slice %arg11[%dma_wait3A_474, %dma_wait3A_483, %dma_wait3A_484] : memref<2x1x4096xf32, #tpu.memory_space<vmem>> -> memref<1x1x4096xf32, #tpu.memory_space<vmem>>
    %dma_wait3A_486 = tpu.memref_squeeze %dma_wait3A_485 : memref<1x1x4096xf32, #tpu.memory_space<vmem>> -> memref<1x4096xf32, #tpu.memory_space<vmem>>
    tpu.wait_dma2 semaphore(%arg14 : memref<!tpu.dma_semaphore, #tpu.memory_space<semaphore_mem>>) src(%dma_wait3A_486 : memref<1x4096xf32, #tpu.memory_space<vmem>>) dst(%dma_wait3A_482 : memref<1x4096xf32, #tpu.memory_space<hbm>>)
    %parallel_loop3A_487 = arith.constant 0 : i32
    %parallel_loop3A_488 = arith.constant 256 : i32
    %parallel_loop3A_489 = arith.constant 1 : i32
    scf.for %parallel_loop3A_558 = %parallel_loop3A_487 to %parallel_loop3A_488 step %parallel_loop3A_489  : i32 {
      %parallel_loop3A_559 = arith.constant 16 : i32
      %parallel_loop3A_560 = arith.muli %parallel_loop3A_559, %parallel_loop3A_558 : i32
      %parallel_loop3A_561 = arith.constant 8192 : i32
      %parallel_loop3A_562 = arith.addi %parallel_loop3A_561, %parallel_loop3A_560 : i32
      %parallel_loop3A_563 = arith.index_cast %parallel_loop3A_562 : i32 to index
      %parallel_loop3A_564 = tpu.vector_load %arg10[%parallel_loop3A_563] {strides = array<i32>} : memref<16384xi32, #tpu.memory_space<vmem>>, vector<16xi32>,
      %parallel_loop3A_565 = arith.constant 131071 : i32
      %parallel_loop3A_566 = vector.broadcast %parallel_loop3A_565 : i32 to vector<16xi32>
      %parallel_loop3A_567 = arith.andi %parallel_loop3A_564, %parallel_loop3A_566 : vector<16xi32>
      %parallel_loop3A_568 = arith.constant 17 : i32
      %parallel_loop3A_569 = vector.broadcast %parallel_loop3A_568 : i32 to vector<16xi32>
      %parallel_loop3A_570 = arith.shrui %parallel_loop3A_564, %parallel_loop3A_569 : vector<16xi32>
      %parallel_loop3A_571 = tpu.vector_load_idx %arg9[%parallel_loop3A_567] : memref<100000xf32, #tpu.memory_space<vmem>>[vector<16xi32>], vector<16xf32>,
      %parallel_loop3A_572 = arith.constant 0 : i32
      %parallel_loop3A_573 = vector.broadcast %parallel_loop3A_572 : i32 to vector<16xi32>
      %parallel_loop3A_574 = arith.cmpi ne, %parallel_loop3A_570, %parallel_loop3A_573 : vector<16xi32>
      %parallel_loop3A_575 = arith.select %parallel_loop3A_574, %broadcast_in_dim3A_441, %parallel_loop3A_571 : vector<16xi1>, vector<16xf32>
      %parallel_loop3A_576 = arith.constant 16 : i32
      %parallel_loop3A_577 = arith.muli %parallel_loop3A_576, %parallel_loop3A_558 : i32
      %parallel_loop3A_578 = arith.constant 0 : i32
      %parallel_loop3A_579 = arith.constant 0 : i32
      %parallel_loop3A_580 = arith.index_cast %parallel_loop3A_578 : i32 to index
      %parallel_loop3A_581 = arith.index_cast %parallel_loop3A_579 : i32 to index
      %parallel_loop3A_582 = arith.index_cast %parallel_loop3A_577 : i32 to index
      %parallel_loop3A_583 = tpu.vector_load %arg11[%parallel_loop3A_580, %parallel_loop3A_581, %parallel_loop3A_582] {strides = array<i32>} : memref<2x1x4096xf32, #tpu.memory_space<vmem>>, vector<16xf32>,
      tpu.vector_store %arg11[%parallel_loop3A_580, %parallel_loop3A_581, %parallel_loop3A_582], %parallel_loop3A_575 {strides = array<i32>} : memref<2x1x4096xf32, #tpu.memory_space<vmem>>, vector<16xf32>,
    } {sc.loop_unroll_factor = 16 : i64, sc.parallel_access}
    %dma_start3A_490 = arith.constant 0 : i32
    %dma_start3A_491 = arith.constant 0 : i32
    %dma_start3A_492 = arith.constant 0 : i32
    %dma_start3A_493 = tpu.memref_slice %arg11[%dma_start3A_490, %dma_start3A_491, %dma_start3A_492] : memref<2x1x4096xf32, #tpu.memory_space<vmem>> -> memref<1x1x4096xf32, #tpu.memory_space<vmem>>
    %dma_start3A_494 = tpu.memref_squeeze %dma_start3A_493 : memref<1x1x4096xf32, #tpu.memory_space<vmem>> -> memref<1x4096xf32, #tpu.memory_space<vmem>>
    %dma_start3A_495 = arith.constant 8192 : i32
    %dma_start3A_496 = tpu.memref_slice %arg8[%add3A_426, %dma_start3A_495] : memref<64x16384xf32, #tpu.memory_space<hbm>> -> memref<1x4096xf32, #tpu.memory_space<hbm>>
    %dma_start3A_497 = arith.constant 8192 : i32
    %dma_start3A_498 = tpu.memref_slice %arg8[%add3A_426, %dma_start3A_497] : memref<64x16384xf32, #tpu.memory_space<hbm>> -> memref<1x4096xf32, #tpu.memory_space<hbm>>
    %dma_start3A_499 = arith.constant 0 : i32
    %dma_start3A_500 = arith.constant 0 : i32
    %dma_start3A_501 = tpu.memref_slice %arg11[%dma_start3A_490, %dma_start3A_499, %dma_start3A_500] : memref<2x1x4096xf32, #tpu.memory_space<vmem>> -> memref<1x1x4096xf32, #tpu.memory_space<vmem>>
    %dma_start3A_502 = tpu.memref_squeeze %dma_start3A_501 : memref<1x1x4096xf32, #tpu.memory_space<vmem>> -> memref<1x4096xf32, #tpu.memory_space<vmem>>
    tpu.enqueue_dma source(%dma_start3A_502 : memref<1x4096xf32, #tpu.memory_space<vmem>>) target(%dma_start3A_498 : memref<1x4096xf32, #tpu.memory_space<hbm>>) target_semaphore(%arg14 : memref<!tpu.dma_semaphore, #tpu.memory_space<semaphore_mem>>)
    %dma_wait3A_503 = arith.constant 1 : i32
    %dma_wait3A_504 = arith.constant 0 : i32
    %dma_wait3A_505 = arith.constant 0 : i32
    %dma_wait3A_506 = tpu.memref_slice %arg11[%dma_wait3A_503, %dma_wait3A_504, %dma_wait3A_505] : memref<2x1x4096xf32, #tpu.memory_space<vmem>> -> memref<1x1x4096xf32, #tpu.memory_space<vmem>>
    %dma_wait3A_507 = tpu.memref_squeeze %dma_wait3A_506 : memref<1x1x4096xf32, #tpu.memory_space<vmem>> -> memref<1x4096xf32, #tpu.memory_space<vmem>>
    %dma_wait3A_508 = arith.constant 0 : i32
    %dma_wait3A_509 = tpu.memref_slice %arg8[%add3A_426, %dma_wait3A_508] : memref<64x16384xf32, #tpu.memory_space<hbm>> -> memref<1x4096xf32, #tpu.memory_space<hbm>>
    %dma_wait3A_510 = arith.constant 0 : i32
    %dma_wait3A_511 = tpu.memref_slice %arg8[%add3A_426, %dma_wait3A_510] : memref<64x16384xf32, #tpu.memory_space<hbm>> -> memref<1x4096xf32, #tpu.memory_space<hbm>>
    %dma_wait3A_512 = arith.constant 0 : i32
    %dma_wait3A_513 = arith.constant 0 : i32
    %dma_wait3A_514 = tpu.memref_slice %arg11[%dma_wait3A_503, %dma_wait3A_512, %dma_wait3A_513] : memref<2x1x4096xf32, #tpu.memory_space<vmem>> -> memref<1x1x4096xf32, #tpu.memory_space<vmem>>
    %dma_wait3A_515 = tpu.memref_squeeze %dma_wait3A_514 : memref<1x1x4096xf32, #tpu.memory_space<vmem>> -> memref<1x4096xf32, #tpu.memory_space<vmem>>
    tpu.wait_dma2 semaphore(%arg14 : memref<!tpu.dma_semaphore, #tpu.memory_space<semaphore_mem>>) src(%dma_wait3A_515 : memref<1x4096xf32, #tpu.memory_space<vmem>>) dst(%dma_wait3A_511 : memref<1x4096xf32, #tpu.memory_space<hbm>>)
    %parallel_loop3A_516 = arith.constant 0 : i32
    %parallel_loop3A_517 = arith.constant 256 : i32
    %parallel_loop3A_518 = arith.constant 1 : i32
    scf.for %parallel_loop3A_558 = %parallel_loop3A_516 to %parallel_loop3A_517 step %parallel_loop3A_518  : i32 {
      %parallel_loop3A_559 = arith.constant 16 : i32
      %parallel_loop3A_560 = arith.muli %parallel_loop3A_559, %parallel_loop3A_558 : i32
      %parallel_loop3A_561 = arith.constant 12288 : i32
      %parallel_loop3A_562 = arith.addi %parallel_loop3A_561, %parallel_loop3A_560 : i32
      %parallel_loop3A_563 = arith.index_cast %parallel_loop3A_562 : i32 to index
      %parallel_loop3A_564 = tpu.vector_load %arg10[%parallel_loop3A_563] {strides = array<i32>} : memref<16384xi32, #tpu.memory_space<vmem>>, vector<16xi32>,
      %parallel_loop3A_565 = arith.constant 131071 : i32
      %parallel_loop3A_566 = vector.broadcast %parallel_loop3A_565 : i32 to vector<16xi32>
      %parallel_loop3A_567 = arith.andi %parallel_loop3A_564, %parallel_loop3A_566 : vector<16xi32>
      %parallel_loop3A_568 = arith.constant 17 : i32
      %parallel_loop3A_569 = vector.broadcast %parallel_loop3A_568 : i32 to vector<16xi32>
      %parallel_loop3A_570 = arith.shrui %parallel_loop3A_564, %parallel_loop3A_569 : vector<16xi32>
      %parallel_loop3A_571 = tpu.vector_load_idx %arg9[%parallel_loop3A_567] : memref<100000xf32, #tpu.memory_space<vmem>>[vector<16xi32>], vector<16xf32>,
      %parallel_loop3A_572 = arith.constant 0 : i32
      %parallel_loop3A_573 = vector.broadcast %parallel_loop3A_572 : i32 to vector<16xi32>
      %parallel_loop3A_574 = arith.cmpi ne, %parallel_loop3A_570, %parallel_loop3A_573 : vector<16xi32>
      %parallel_loop3A_575 = arith.select %parallel_loop3A_574, %broadcast_in_dim3A_441, %parallel_loop3A_571 : vector<16xi1>, vector<16xf32>
      %parallel_loop3A_576 = arith.constant 16 : i32
      %parallel_loop3A_577 = arith.muli %parallel_loop3A_576, %parallel_loop3A_558 : i32
      %parallel_loop3A_578 = arith.constant 1 : i32
      %parallel_loop3A_579 = arith.constant 0 : i32
      %parallel_loop3A_580 = arith.index_cast %parallel_loop3A_578 : i32 to index
      %parallel_loop3A_581 = arith.index_cast %parallel_loop3A_579 : i32 to index
      %parallel_loop3A_582 = arith.index_cast %parallel_loop3A_577 : i32 to index
      %parallel_loop3A_583 = tpu.vector_load %arg11[%parallel_loop3A_580, %parallel_loop3A_581, %parallel_loop3A_582] {strides = array<i32>} : memref<2x1x4096xf32, #tpu.memory_space<vmem>>, vector<16xf32>,
      tpu.vector_store %arg11[%parallel_loop3A_580, %parallel_loop3A_581, %parallel_loop3A_582], %parallel_loop3A_575 {strides = array<i32>} : memref<2x1x4096xf32, #tpu.memory_space<vmem>>, vector<16xf32>,
    } {sc.loop_unroll_factor = 16 : i64, sc.parallel_access}
    %dma_start3A_519 = arith.constant 1 : i32
    %dma_start3A_520 = arith.constant 0 : i32
    %dma_start3A_521 = arith.constant 0 : i32
    %dma_start3A_522 = tpu.memref_slice %arg11[%dma_start3A_519, %dma_start3A_520, %dma_start3A_521] : memref<2x1x4096xf32, #tpu.memory_space<vmem>> -> memref<1x1x4096xf32, #tpu.memory_space<vmem>>
    %dma_start3A_523 = tpu.memref_squeeze %dma_start3A_522 : memref<1x1x4096xf32, #tpu.memory_space<vmem>> -> memref<1x4096xf32, #tpu.memory_space<vmem>>
    %dma_start3A_524 = arith.constant 12288 : i32
    %dma_start3A_525 = tpu.memref_slice %arg8[%add3A_426, %dma_start3A_524] : memref<64x16384xf32, #tpu.memory_space<hbm>> -> memref<1x4096xf32, #tpu.memory_space<hbm>>
    %dma_start3A_526 = arith.constant 12288 : i32
    %dma_start3A_527 = tpu.memref_slice %arg8[%add3A_426, %dma_start3A_526] : memref<64x16384xf32, #tpu.memory_space<hbm>> -> memref<1x4096xf32, #tpu.memory_space<hbm>>
    %dma_start3A_528 = arith.constant 0 : i32
    %dma_start3A_529 = arith.constant 0 : i32
    %dma_start3A_530 = tpu.memref_slice %arg11[%dma_start3A_519, %dma_start3A_528, %dma_start3A_529] : memref<2x1x4096xf32, #tpu.memory_space<vmem>> -> memref<1x1x4096xf32, #tpu.memory_space<vmem>>
    %dma_start3A_531 = tpu.memref_squeeze %dma_start3A_530 : memref<1x1x4096xf32, #tpu.memory_space<vmem>> -> memref<1x4096xf32, #tpu.memory_space<vmem>>
    tpu.enqueue_dma source(%dma_start3A_531 : memref<1x4096xf32, #tpu.memory_space<vmem>>) target(%dma_start3A_527 : memref<1x4096xf32, #tpu.memory_space<hbm>>) target_semaphore(%arg14 : memref<!tpu.dma_semaphore, #tpu.memory_space<semaphore_mem>>)
    %dma_wait3A_532 = arith.constant 0 : i32
    %dma_wait3A_533 = arith.constant 0 : i32
    %dma_wait3A_534 = arith.constant 0 : i32
    %dma_wait3A_535 = tpu.memref_slice %arg11[%dma_wait3A_532, %dma_wait3A_533, %dma_wait3A_534] : memref<2x1x4096xf32, #tpu.memory_space<vmem>> -> memref<1x1x4096xf32, #tpu.memory_space<vmem>>
    %dma_wait3A_536 = tpu.memref_squeeze %dma_wait3A_535 : memref<1x1x4096xf32, #tpu.memory_space<vmem>> -> memref<1x4096xf32, #tpu.memory_space<vmem>>
    %dma_wait3A_537 = arith.constant 0 : i32
    %dma_wait3A_538 = tpu.memref_slice %arg8[%add3A_426, %dma_wait3A_537] : memref<64x16384xf32, #tpu.memory_space<hbm>> -> memref<1x4096xf32, #tpu.memory_space<hbm>>
    %dma_wait3A_539 = arith.constant 0 : i32
    %dma_wait3A_540 = tpu.memref_slice %arg8[%add3A_426, %dma_wait3A_539] : memref<64x16384xf32, #tpu.memory_space<hbm>> -> memref<1x4096xf32, #tpu.memory_space<hbm>>
    %dma_wait3A_541 = arith.constant 0 : i32
    %dma_wait3A_542 = arith.constant 0 : i32
    %dma_wait3A_543 = tpu.memref_slice %arg11[%dma_wait3A_532, %dma_wait3A_541, %dma_wait3A_542] : memref<2x1x4096xf32, #tpu.memory_space<vmem>> -> memref<1x1x4096xf32, #tpu.memory_space<vmem>>
    %dma_wait3A_544 = tpu.memref_squeeze %dma_wait3A_543 : memref<1x1x4096xf32, #tpu.memory_space<vmem>> -> memref<1x4096xf32, #tpu.memory_space<vmem>>
    tpu.wait_dma2 semaphore(%arg14 : memref<!tpu.dma_semaphore, #tpu.memory_space<semaphore_mem>>) src(%dma_wait3A_544 : memref<1x4096xf32, #tpu.memory_space<vmem>>) dst(%dma_wait3A_540 : memref<1x4096xf32, #tpu.memory_space<hbm>>)
    %dma_wait3A_545 = arith.constant 1 : i32
    %dma_wait3A_546 = arith.constant 0 : i32
    %dma_wait3A_547 = arith.constant 0 : i32
    %dma_wait3A_548 = tpu.memref_slice %arg11[%dma_wait3A_545, %dma_wait3A_546, %dma_wait3A_547] : memref<2x1x4096xf32, #tpu.memory_space<vmem>> -> memref<1x1x4096xf32, #tpu.memory_space<vmem>>
    %dma_wait3A_549 = tpu.memref_squeeze %dma_wait3A_548 : memref<1x1x4096xf32, #tpu.memory_space<vmem>> -> memref<1x4096xf32, #tpu.memory_space<vmem>>
    %dma_wait3A_550 = arith.constant 0 : i32
    %dma_wait3A_551 = tpu.memref_slice %arg8[%add3A_426, %dma_wait3A_550] : memref<64x16384xf32, #tpu.memory_space<hbm>> -> memref<1x4096xf32, #tpu.memory_space<hbm>>
    %dma_wait3A_552 = arith.constant 0 : i32
    %dma_wait3A_553 = tpu.memref_slice %arg8[%add3A_426, %dma_wait3A_552] : memref<64x16384xf32, #tpu.memory_space<hbm>> -> memref<1x4096xf32, #tpu.memory_space<hbm>>
    %dma_wait3A_554 = arith.constant 0 : i32
    %dma_wait3A_555 = arith.constant 0 : i32
    %dma_wait3A_556 = tpu.memref_slice %arg11[%dma_wait3A_545, %dma_wait3A_554, %dma_wait3A_555] : memref<2x1x4096xf32, #tpu.memory_space<vmem>> -> memref<1x1x4096xf32, #tpu.memory_space<vmem>>
    %dma_wait3A_557 = tpu.memref_squeeze %dma_wait3A_556 : memref<1x1x4096xf32, #tpu.memory_space<vmem>> -> memref<1x4096xf32, #tpu.memory_space<vmem>>
    tpu.wait_dma2 semaphore(%arg14 : memref<!tpu.dma_semaphore, #tpu.memory_space<semaphore_mem>>) src(%dma_wait3A_557 : memref<1x4096xf32, #tpu.memory_space<vmem>>) dst(%dma_wait3A_553 : memref<1x4096xf32, #tpu.memory_space<hbm>>)
    return
  }
}

</mosaic_0001>

<sc_bundles>
// kernel: kernel.3.cloned.1.call-start
scs
__scs_entry_jumppad:
0x0: {  	(pc) =	sbr.rel $0x88, $3  }
0x1: {  	(tag) =	ssettag $0x0;
	lr =	simm.s32 $0x1  }
0x2: {  	[smem:$0x3F9B] =	sst lr;
	_ =	strace $0xD0000000  }
0x3: {  	_ = 	snop  }
0x4: {  	_ = 	snop  }
0x5: {  	_ = 	snop  }
0x6: {  	_ = 	snop  }
0x7: {  	_ = 	snop  }
__scs_overlays_trampoline_lowered:
0x8: {  	[smem:$0x3FAA] =	sst s0  }
0x9: {  	[smem:$0x3FAB] =	sst s1  }
0xa: {  	[smem:$0x3FAC] =	sst s2  }
0xb: {  	[smem:$0x3FAD] =	sst s3  }
0xc: {  	[smem:$0x3FAE] =	sst s4  }
0xd: {  	[smem:$0x3FAF] =	sst s5  }
0xe: {  	[smem:$0x3FB0] =	sst s6  }
0xf: {  	[smem:$0x3FB1] =	sst s7  }
0x10: {  	[smem:$0x3FB2] =	sst s8  }
0x11: {  	[smem:$0x3FB3] =	sst s9;
	s0 =	simm.s32 @!p0 $0x0  }
0x12: {  	s1 =	sld [smem:$0x3F99];
	s0 =	simm.s32 @p0 $0x1  }
0x13: {  	[smem:$0x3FB4] =	sst s0;
	s0 =	simm.s32 @!p1 $0x0  }
0x14: {  	s2 =	sld [smem:$0x3F98];
	s0 =	simm.s32 @p1 $0x1  }
0x15: {  	[smem:$0x3FB5] =	sst s0;
	s0 =	simm.s32 @!p2 $0x0  }
0x16: {  	s3 =	sld [smem:$0x3FDB];
	s0 =	simm.s32 @p2 $0x1  }
0x17: {  	s4 =	simm.s32 $0x1BF5;
	[smem:$0x3FB7] =	sst s0  }
0x18: {  	s0 =	sld [smem:$0x3F9A];
	_ =	swait.ge [sflag:s4], $0x0  }
0x19: {  	s7 =	sld [smem:$0x3F9B]  }
0x1a: {  	s8 =	sadd.s32 $0xFFFFE003, lr  }
0x1b: {  	s9 =	sadd.s32 $0xFFFFFEF7, lr;
	s5 =	simm.s32 $0xFFFFFFFF;
	p2 =	slt.u32 s8, $0xFFFFF086  }
0x1c: {  	p1 =	slt.u32 s9, $0xF7A;
	s5 =	simm.s32 @!p2 $0x0  }
0x1d: {  	s5 =	simm.s32 @p1 $0x1;
	p0 =	seq.s32 s7, s2  }
0x1e: {  	s7 =	smul.u32 @!p0 $0xF7A, s2;
	p2 =	seq.s32 @!p0 s5, $0x0  }
0x1f: {  	s9 =	smul.u32 $0xF7A, s1;
	s8 =	simm.s32 @!p0 $0x1BF5;
	p2 =	por !p2, p0  }
0x20: {  	[sflag:s8] =	ssyncset.s32 @!p0 $0xFFFFF086;
	s6 =	sadd.s32 @!p0 s3, s7;
	s7 =	simm.s32 @!p0 $0x108  }
0x21: {  	s3 =	sadd.s32 s3, s9;
	s6 =	sadd.s32 @!p0 $0x88, s6;
	s7 =	simm.s32 @p2 $0x1082  }
0x22: {  	[simem:s7], [sflag:s8] =	dma.local @!p0 [hbm:s6], $0xF7A  }
0x23: {  	s9 =	sor.u32 $0xD0000000, s2;
	s6 =	simm.s32 $0x108;
	_ =	swait.ge @!p0 [sflag:s8], $0x0  }
0x24: {  	s3 =	sadd.s32 $0x88, s3;
	s6 =	simm.s32 @!p1 $0x1082;
	[sflag:s4] =	ssyncset.s32 $0xFFFFF086  }
0x25: {  	[simem:s6], [sflag:s4] =	dma.local [hbm:s3], $0xF7A  }
0x26: {  	[smem:$0x3F9B] =	sst s1;
	(tag) =	ssettag s2;
	_ =	strace s9  }
0x27: {  	s1 =	sld [smem:$0x3FAB]  }
0x28: {  	s2 =	sld [smem:$0x3FAC]  }
0x29: {  	s4 =	sld [smem:$0x3FAE]  }
0x2a: {  	p0 =	seq.s32 s5, $0x0;
	s5 =	sld [smem:$0x3FAF]  }
0x2b: {  	s6 =	sld [smem:$0x3FB0]  }
0x2c: {  	s7 =	sld [smem:$0x3FB1]  }
0x2d: {  	s3 =	simm.s32 $0x108;
	s8 =	sld [smem:$0x3FB2]  }
0x2e: {  	s3 =	simm.s32 @!p0 $0x1082;
	s9 =	sld [smem:$0x3FB3]  }
0x2f: {  	lr =	sadd.s32 s0, s3;
	s0 =	sld [smem:$0x3FAA]  }
0x30: {  	s3 =	sld [smem:$0x3FAD]  }
0x31: {  	[smem:$0x3FB6] =	sst s10  }
0x32: {  	s10 =	sld [smem:$0x3FB4];
	_ =	sdelay $0x3  }
0x33: {  	p0 =	seq.s32 s10, $0x1;
	s10 =	sld [smem:$0x3FB6];
	_ =	sdelay $0x3  }
0x34: {  	[smem:$0x3FB6] =	sst s10  }
0x35: {  	s10 =	sld [smem:$0x3FB5];
	_ =	sdelay $0x3  }
0x36: {  	p1 =	seq.s32 s10, $0x1;
	s10 =	sld [smem:$0x3FB6];
	_ =	sdelay $0x3  }
0x37: {  	[smem:$0x3FB6] =	sst s10  }
0x38: {  	s10 =	sld [smem:$0x3FB7]  }
0x39: {  	_ = 	snop;
	(pc) =	sbr.ind lr, $3  }
0x3a: {  	_ = 	snop  }
0x3b: {  	_ = 	snop  }
0x3c: {  	p2 =	seq.s32 s10, $0x1;
	s10 =	sld [smem:$0x3FB6]  }
0x3d: {  	_ =	shalt  }
0x3e: {  	_ =	shalt  }
0x3f: {  	_ =	shalt  }
0x40: {  	_ =	shalt  }
0x41: {  	_ =	shalt  }
0x42: {  	_ =	shalt  }
0x43: {  	_ =	shalt  }
0x44: {  	_ =	shalt  }
0x45: {  	_ =	shalt  }
0x46: {  	_ =	shalt  }
0x47: {  	_ =	shalt  }
0x48: {  	_ =	shalt  }
0x49: {  	_ =	shalt  }
0x4a: {  	_ =	shalt  }
0x4b: {  	_ =	shalt  }
0x4c: {  	_ =	shalt  }
0x4d: {  	_ =	shalt  }
0x4e: {  	_ =	shalt  }
0x4f: {  	_ =	shalt  }
0x50: {  	_ =	shalt  }
0x51: {  	_ =	shalt  }
0x52: {  	_ =	shalt  }
0x53: {  	_ =	shalt  }
0x54: {  	_ =	shalt  }
0x55: {  	_ =	shalt  }
0x56: {  	_ =	shalt  }
0x57: {  	_ =	shalt  }
0x58: {  	_ =	shalt  }
0x59: {  	_ =	shalt  }
0x5a: {  	_ =	shalt  }
0x5b: {  	_ =	shalt  }
0x5c: {  	_ =	shalt  }
0x5d: {  	_ =	shalt  }
0x5e: {  	_ =	shalt  }
0x5f: {  	_ =	shalt  }
0x60: {  	_ =	shalt  }
0x61: {  	_ =	shalt  }
0x62: {  	_ =	shalt  }
0x63: {  	_ =	shalt  }
0x64: {  	_ =	shalt  }
0x65: {  	_ =	shalt  }
0x66: {  	_ =	shalt  }
0x67: {  	_ =	shalt  }
0x68: {  	_ =	shalt  }
0x69: {  	_ =	shalt  }
0x6a: {  	_ =	shalt  }
0x6b: {  	_ =	shalt  }
0x6c: {  	_ =	shalt  }
0x6d: {  	_ =	shalt  }
0x6e: {  	_ =	shalt  }
0x6f: {  	_ =	shalt  }
0x70: {  	_ =	shalt  }
0x71: {  	_ =	shalt  }
0x72: {  	_ =	shalt  }
0x73: {  	_ =	shalt  }
0x74: {  	_ =	shalt  }
0x75: {  	_ =	shalt  }
0x76: {  	_ =	shalt  }
0x77: {  	_ =	shalt  }
0x78: {  	_ =	shalt  }
0x79: {  	_ =	shalt  }
0x7a: {  	_ =	shalt  }
0x7b: {  	_ =	shalt  }
0x7c: {  	_ =	shalt  }
0x7d: {  	_ =	shalt  }
0x7e: {  	_ =	shalt  }
0x7f: {  	_ =	shalt  }
0x80: {  	_ =	shalt  }
0x81: {  	_ =	shalt  }
0x82: {  	_ =	shalt  }
0x83: {  	_ =	shalt  }
0x84: {  	_ =	shalt  }
0x85: {  	_ =	shalt  }
0x86: {  	_ =	shalt  }
0x87: {  	_ =	shalt  }
.Lfunc_end0:
.L_simem_size_0:
called_computation_lowered:
.L_overlay_start_0:
0x88: {  	s2 =	sld [smem:$0x3FD9]  }
0x89: {  	s3 =	sld [smem:$0x3FFE];
	_ =	sdelay $0x1  }
0x8a: {  	s1 =	srdreg.scid  }
0x8b: {  	s0 =	sand.u32 $0x1, s1  }
0x8c: {  	s14 =	sshll.u32 s0, $0xA;
	s2 =	sadd.s32 s3, s2  }
0x8d: {  	s2 =	sadd.s32 s2, s14  }
0x8e: {  	[smem:$0x3FC2] =	sst s2  }
0x8f: {  	_ = 	snop  }
0x90: {  	s2 =	sld [smem:$0x3FC7]  }
0x91: {  	s15 =	sld [smem:$0x3FD0]  }
0x92: {  	s4 =	sld [smem:$0x3FC6]  }
0x93: {  	s5 =	sld [smem:$0x3FC5]  }
0x94: {  	s7 =	simm.s32 $0xA;
	s8 =	simm.s32 $0x10;
	s6 =	sld [smem:$0x3FC4]  }
0x95: {  	[smem:s8], [sflag:s7] =	dma.local [hbm:s15], $0x1  }
0x96: {  	_ =	swait.eq [sflag:s7], $0x1  }
0x97: {  	[sflag:s7] =	ssyncset.done $0x0  }
0x98: {  	s16 =	sld [smem:$0x10];
	[sflag:s7] =	ssyncadd.s32 $0xFFFFFFFF  }
0x99: {  	s17 =	sld [smem:$0x11];
	(tm) =	ssettm $0x1  }
0x9a: {  	s18 =	sld [smem:$0x3FFB];
	_ =	sdelay $0x3  }
0x9b: {  	_ =	strace s18  }
0x9c: {  	s8 =	sld [smem:$0x3FFC];
	_ =	sdelay $0x3  }
0x9d: {  	_ =	strace s8  }
0x9e: {  	s8 =	sld [smem:$0x3FFD];
	_ =	sdelay $0x3  }
0x9f: {  	_ =	strace s8  }
0xa0: {  	_ =	strace $0x8FFFFFFF  }
0xa1: {  	s19 =	sld [smem:$0x3FDB];
	_ =	sdelay $0x1  }
0xa2: {  	s9 =	simm.s32 $_scs_section_size  }
0xa3: {  	s10 =	simm.s32 $_size__tile_overlayer_lowered;
	s11 =	simm.s32 $_tile_overlayer_lowered  }
0xa4: {  	s22 =	simm.s32 $0x1BFF;
	s21 =	sshll.u32 s11, $0x1;
	s8 =	sadd.s32 s9, s19  }
0xa5: {  	s12 =	simm.s32 $0x0;
	s20 =	sshll.u32 s10, $0x1;
	s10 =	sadd.s32 s21, s8  }
0xa6: {  	[timem:s12], [sflag:s22] =	dma.local [hbm:s10], s20  }
0xa7: {  	_ =	swait.ge [sflag:s22], s20  }
0xa8: {  	s9 =	ssub.s32 $0x0, s20;
	[sflag:s22] =	ssyncset.done $0x0  }
0xa9: {  	[sflag:s22] =	ssyncadd.s32 s9;
	_ =	sdelay $0x1  }
0xaa: {  	s23 =	simm.s32 $0x1B8B  }
0xab: {  	_ =	swait.ge [sflag:s23], $0x1  }
0xac: {  	[sflag:s23] =	ssyncset.done $0x0  }
0xad: {  	s25 =	simm.s32 $0x1B8E;
	s24 =	sld [smem:$0x3FFE];
	[sflag:s23] =	ssyncadd.s32 $0xFFFFFFFF  }
0xae: {  	s26 =	simm.s32 $execute0_lowered;
	[smem:$0x3FD2] =	sst s25  }
0xaf: {  	s10 =	sshll.u32 s26, $0x1;
	_ =	strace $0x80000046;
	[dreg:$0x1] =	wrdreg $0xFFFFFFFF  }
0xb0: {  	s28 =	simm.s32 $_size_execute0_lowered;
	s8 =	sadd.s32 s8, s10;
	[dreg:$0x0] =	wrdreg $0x0  }
0xb1: {  	s10 =	sshll.u32 s28, $0x1;
	[dreg:$0x2] =	wrdreg s8  }
0xb2: {  	[dreg:$0x3] =	wrdreg s10  }
0xb3: {  	[dreg:$0x4] =	wrdreg $0xC0  }
0xb4: {  	_ =	task [dreg:s12], $0x5FFFF  }
0xb5: {  	[dreg:$0x1] =	wrdreg $0xFFFFFFFF  }
0xb6: {  	[dreg:$0x0] =	wrdreg $0x60  }
0xb7: {  	[dreg:$0x2] =	wrdreg s24  }
0xb8: {  	[dreg:$0x3] =	wrdreg s2  }
0xb9: {  	[dreg:$0x4] =	wrdreg s4  }
0xba: {  	[dreg:$0x5] =	wrdreg s5  }
0xbb: {  	[dreg:$0x6] =	wrdreg s6  }
0xbc: {  	[dreg:$0x7] =	wrdreg s16  }
0xbd: {  	[dreg:$0x8] =	wrdreg s17  }
0xbe: {  	[dreg:$0x9] =	wrdreg $0x9  }
0xbf: {  	_ =	task.clear_ibuf [dreg:s12], $0xAFFFF;
	_ =	strace $0x90000046  }
0xc0: {  	s29 =	simm.s32 $0x9;
	_ =	strace $0x80000048  }
0xc1: {  	_ =	swait.ge [sflag:s29], $0x1  }
0xc2: {  	[sflag:s29] =	ssyncadd.s32 $0xFFFFFFFF  }
0xc3: {  	_ =	strace $0x90000048  }
0xc4: {  	_ =	sfence  }
0xc5: {  	s30 =	sld [smem:$0x0];
	_ =	sdelay $0x2  }
0xc6: {  	s31 =	sshll.u32 s1, $0xD;
	s1 =	sshrl.u32 s1, $0x2  }
0xc7: {  	s3 =	sand.u32 $0x4000, s31;
	s1 =	sadd.s32 s1, s30  }
0xc8: {  	s0 =	sor.u32 s3, s0;
	s1 =	sshll.u32 s1, $0x11  }
0xc9: {  	s0 =	sor.u32 s1, s0  }
0xca: {  	s0 =	sadd.s32 $0x8F2B, s0  }
0xcb: {  	[sflag:s0] =	ssyncadd.remote.s32 $0x1  }
0xcc: {  	_ =	sfence.sel $0xFFFF  }
0xcd: {  	[dreg:$0x0] =	wrdreg $0xFFFFFFFF;
	(pc) =	sbr.abs _section_cstart, $3  }
0xce: {  	[dreg:$0x1] =	wrdreg $0xFFFFFFFF  }
0xcf: {  	_ =	task.clear_ibuf [dreg:s12], $0x2FFFF;
	_ =	strace $0x9FFFFFFF  }
0xd0: {  	(tm) =	ssettm $0x7FFFFFFF  }
0xd1: {  	_ =	shalt  }
tec
execute0_lowered:
.L_overlay_start_1:
0x0: {  	(tag) =	ssettag $0x1  }
0x1: {  	s0 =	rddreg [dreg:$0x0]  }
0x2: {  	s3 =	rddreg [dreg:$0x1]  }
0x3: {  	s4 =	rddreg [dreg:$0x2]  }
0x4: {  	s1 =	srdreg.scid;
	s5 =	rddreg [dreg:$0x5]  }
0x5: {  	s8 =	stileid.u32;
	s18 =	rddreg [dreg:$0x6];
	s29 =	simm.s32 $0x80  }
0x6: {  	s30 =	simm.s32 $0x400;
	s31 =	simm.s32 $0x1C700;
	s6 =	sand.u32 $0x1, s1  }
0x7: {  	s2 =	sshll.u32 s8, $0x2;
	s1 =	simm.s32 $0x0;
	s7 =	sshll.u32 s6, $0x1  }
0x8: {  	s17 =	sshrl.u32 s8, $0x1;
	s6 =	ssub.s32 $0x2, s6;
	s2 =	sor.u32 s7, s2  }
0x9: {  	s9 =	smul.u32 $0xC3800, s17;
	s10 =	sshrl.u32 s6, $0x1;
	s19 =	sshll.u32 s2, $0x7  }
0xa: {  	[smem:$0x7FF] =	sst s1;
	s6 =	ssub.s32 s6, s10;
	s8 =	sand.u32 $0x300, s19  }
0xb: {  	s7 =	sshll.u32 s17, $0x11;
	s28 =	smax.u32 s6, $0x1;
	s11 =	sor.u32 s9, s8  }
0xc: {  	s12 =	sor.u32 s7, s8;
	s8 =	sor.u32 $0x80, s8;
	s11 =	sshrl.u32 s11, $0x3  }
0xd: {  	s15 =	sshrl.u32 s12, $0x3;
	s9 =	sor.u32 s9, s8;
	s7 =	sor.u32 s7, s8  }
0xe: {  	s20 =	sadd.s32 s3, s11;
	s21 =	sadd.s32 s5, s15;
	s16 =	sor.u32 $0x1000, s15  }
0xf: {  	s17 =	sor.u32 $0x2000, s15;
	s19 =	sor.u32 $0x3000, s15;
	s24 =	sshrl.u32 s9, $0x3  }
0x10: {  	s11 =	sadd.s32 s4, s11;
	s15 =	sadd.s32 s18, s15;
	[dreg:$0x8] =	wrdreg s20  }
0x11: {  	[dreg:$0x9] =	wrdreg s21;
	s22 =	sadd.s32 s5, s16;
	s23 =	sadd.s32 s5, s17  }
0x12: {  	s21 =	sshrl.u32 s7, $0x3;
	s7 =	sadd.s32 s5, s19;
	s8 =	sadd.s32 s3, s24  }
0x13: {  	s12 =	sadd.s32 s4, s24;
	s16 =	sadd.s32 s18, s16;
	s17 =	sadd.s32 s18, s17  }
0x14: {  	s20 =	sadd.s32 s18, s19;
	s19 =	simm.s32 $0x2;
	[dreg:$0xa] =	wrdreg s22  }
0x15: {  	s3 =	simm.s32 $0x0;
	[dreg:$0xb] =	wrdreg s23;
	s26 =	sor.u32 $0x1000, s21  }
0x16: {  	s9 =	sadd.s32 s5, s21;
	s22 =	sor.u32 $0x2000, s21;
	s25 =	sor.u32 $0x3000, s21  }
0x17: {  	s21 =	sadd.s32 s18, s21;
	s10 =	sadd.s32 s5, s26;
	s13 =	sadd.s32 s5, s22  }
0x18: {  	s14 =	sadd.s32 s5, s25;
	s23 =	sadd.s32 s18, s26;
	s24 =	sadd.s32 s18, s22  }
0x19: {  	s25 =	sadd.s32 s18, s25;
	_ =	strace $0x80000047;
	s26 =	sadd.s32 $0x800, s0  }
0x1a: {  	s18 =	simm.s32 $0x3;
	s22 =	simm.s32 $0x1;
	s0 =	simm.s32 $0x1D700  }
.LBB2_1:
0x1b: {  	s4 =	rddreg [dreg:$0x8]  }
0x1c: {  	[tilespmem:s1], [sflag:$0x1] =	stream.strided.gather [hbm4b:s4+s29], $0x18700, s30, s29, $0x38;
	[tilespmem:$0x1E800] =	vst v63  }
0x1d: {  	s5 =	simm.s32 $0x18700  }
0x1e: {  	[tilespmem:s5], [sflag:$0x3] =	stream.linear.gather [hbm4b:s26+s1], $0x4000, $0x38;
	[tilespmem:$0x1E800] =	vst v63  }
0x1f: {  	_ =	swait.ge [sflag:s18], $0x4000  }
0x20: {  	[sflag:s18] =	ssyncset.done $0x0  }
0x21: {  	[sflag:s18] =	ssyncadd.s32 $0xFFFFC000  }
0x22: {  	s5 =	simm.s32 $0x1E700;
	s6 =	rddreg [dreg:$0x3]  }
0x23: {  	[tilespmem:s5], [sflag:$0x3] =	stream.linear.gather [hbm4b:s6+s1], $0x40, $0x38;
	[tilespmem:$0x1E800] =	vst v63  }
0x24: {  	_ =	swait.ge [sflag:s18], $0x40  }
0x25: {  	[sflag:s18] =	ssyncset.done $0x0  }
0x26: {  	[sflag:s18] =	ssyncadd.s32 $0xFFFFFFC0  }
0x27: {  	s6 =	simm.s32 $0x1E740;
	s5 =	rddreg [dreg:$0x4]  }
0x28: {  	[tilespmem:s6], [sflag:$0x3] =	stream.linear.gather [hbm4b:s5+s1], $0x40, $0x38;
	[tilespmem:$0x1E800] =	vst v63  }
0x29: {  	_ =	swait.ge [sflag:s18], $0x40  }
0x2a: {  	[sflag:s18] =	ssyncset.done $0x0  }
0x2b: {  	[sflag:s18] =	ssyncadd.s32 $0xFFFFFFC0  }
0x2c: {  	_ =	swait.ge [sflag:s22], $0x18700  }
0x2d: {  	[sflag:s22] =	ssyncset.done $0x0  }
0x2e: {  	s5 =	sor.u32 $0x1E700, s2;
	[sflag:s22] =	ssyncadd.s32 $0xFFFE7900  }
0x2f: {  	s6 =	simm.s32 $0x18780;
	v0 =	vld.msk [tilespmem:s5+$0x0 ss:$0x0], $0xffff  }
0x30: {  	v1 =	vld [tilespmem:s6+$0x70]  }
0x31: {  	v2 =	vld [tilespmem:s6+$0xFFFFFF90]  }
0x32: {  	v3 =	vld [tilespmem:s6+$0xFFFFFFA0]  }
0x33: {  	v4 =	vld [tilespmem:s6+$0xFFFFFFB0]  }
0x34: {  	v5 =	vld [tilespmem:s6+$0xFFFFFFC0]  }
0x35: {  	v6 =	vld [tilespmem:s6+$0xFFFFFFD0]  }
0x36: {  	v8 =	vld [tilespmem:s6+$0xFFFFFFE0]  }
0x37: {  	v9 =	vld [tilespmem:s6+$0xFFFFFFF0]  }
0x38: {  	v10 =	vld [tilespmem:s6+$0x0]  }
0x39: {  	v11 =	vld [tilespmem:s6+$0x10]  }
0x3a: {  	v12 =	vld [tilespmem:s6+$0x20]  }
0x3b: {  	v14 =	vld [tilespmem:s6+$0x30];
	v7 =	vand.u32 $0x1FFFF, v1  }
0x3c: {  	v16 =	vld [tilespmem:s6+$0x40];
	v13 =	vand.u32 $0x1FFFF, v2  }
0x3d: {  	v18 =	vld [tilespmem:s6+$0x50];
	v15 =	vand.u32 $0x1FFFF, v3  }
0x3e: {  	v20 =	vld [tilespmem:s6+$0x60];
	v17 =	vand.u32 $0x1FFFF, v4  }
0x3f: {  	v22 =	vld [tilespmem:s6+$0xFFFFFF80];
	v19 =	vand.u32 $0x1FFFF, v5  }
0x40: {  	v21 =	vand.u32 $0x1FFFF, v6;
	v7 =	vld.idx.msk [tilespmem:v7+s1+$0x0], $0xffff  }
0x41: {  	v23 =	vand.u32 $0x1FFFF, v8;
	v13 =	vld.idx.msk [tilespmem:v13+s1+$0x0], $0xffff  }
0x42: {  	v24 =	vand.u32 $0x1FFFF, v9;
	v15 =	vld.idx.msk [tilespmem:v15+s1+$0x0], $0xffff  }
0x43: {  	v25 =	vand.u32 $0x1FFFF, v10;
	v17 =	vld.idx.msk [tilespmem:v17+s1+$0x0], $0xffff  }
0x44: {  	v26 =	vand.u32 $0x1FFFF, v11;
	v19 =	vld.idx.msk [tilespmem:v19+s1+$0x0], $0xffff  }
0x45: {  	vm0 =	vlt.u32 v1, $0x20000;
	v1 =	vand.u32 $0x1FFFF, v22;
	v21 =	vld.idx.msk [tilespmem:v21+s1+$0x0], $0xffff  }
0x46: {  	s4 =	simm.s32 $0x1C780;
	vm1 =	vlt.u32 v2, $0x20000;
	v2 =	vand.u32 $0x1FFFF, v12;
	v23 =	vld.idx.msk [tilespmem:v23+s1+$0x0], $0xffff;
	v7 =	vsel vm0, v7, v0  }
0x47: {  	v61 =	vld.idx.msk [tilespmem:v24+s1+$0x0], $0xffff;
	vm0 =	vlt.u32 v3, $0x20000;
	v3 =	vand.u32 $0x1FFFF, v14;
	[tilespmem:s4+$0x70] =	vst v7;
	v7 =	vsel vm1, v13, v0  }
0x48: {  	v62 =	vld.idx.msk [tilespmem:v25+s1+$0x0], $0xffff;
	vm1 =	vlt.u32 v4, $0x20000;
	v4 =	vand.u32 $0x1FFFF, v16;
	[tilespmem:s4+$0xFFFFFF90] =	vst v7;
	v7 =	vsel vm0, v15, v0  }
0x49: {  	v63 =	vld.idx.msk [tilespmem:v26+s1+$0x0], $0xffff;
	vm0 =	vlt.u32 v5, $0x20000;
	v5 =	vand.u32 $0x1FFFF, v18;
	[tilespmem:s4+$0xFFFFFFA0] =	vst v7;
	v7 =	vsel vm1, v17, v0  }
0x4a: {  	v1 =	vld.idx.msk [tilespmem:v1+s1+$0x0], $0xffff;
	vm1 =	vlt.u32 v6, $0x20000;
	v6 =	vand.u32 $0x1FFFF, v20;
	[tilespmem:s4+$0xFFFFFFB0] =	vst v7;
	v7 =	vsel vm0, v19, v0  }
0x4b: {  	vm2 =	vlt.u32 v9, $0x20000;
	v2 =	vld.idx.msk [tilespmem:v2+s1+$0x0], $0xffff;
	vm0 =	vlt.u32 v8, $0x20000;
	[tilespmem:s4+$0xFFFFFFC0] =	vst v7;
	v7 =	vsel vm1, v21, v0  }
0x4c: {  	vm4 =	vlt.u32 v10, $0x20000;
	vm5 =	vlt.u32 v11, $0x20000;
	v3 =	vld.idx.msk [tilespmem:v3+s1+$0x0], $0xffff;
	[tilespmem:s4+$0xFFFFFFD0] =	vst v7;
	v7 =	vsel vm0, v23, v0  }
0x4d: {  	vm3 =	vlt.u32 v16, $0x20000;
	vm14 =	vlt.u32 v22, $0x20000;
	v4 =	vld.idx.msk [tilespmem:v4+s1+$0x0], $0xffff;
	[tilespmem:s4+$0xFFFFFFE0] =	vst v7;
	v7 =	vsel vm2, v61, v0  }
0x4e: {  	vm1 =	vlt.u32 v14, $0x20000;
	vm0 =	vlt.u32 v12, $0x20000;
	v5 =	vld.idx.msk [tilespmem:v5+s1+$0x0], $0xffff;
	[tilespmem:s4+$0xFFFFFFF0] =	vst v7;
	v7 =	vsel vm4, v62, v0  }
0x4f: {  	s5 =	simm.s32 $0x0;
	s6 =	simm.s32 $0x18880;
	vm2 =	vlt.u32 v18, $0x20000;
	vm4 =	vlt.u32 v20, $0x20000;
	v6 =	vld.idx.msk [tilespmem:v6+s1+$0x0], $0xffff;
	[tilespmem:s4+$0x0] =	vst v7;
	v7 =	vsel vm5, v63, v0  }
.LBB2_2:
0x50: {  	v8 =	vld [tilespmem:s6+$0x70];
	s5 =	sadd.s32 $0x10, s5;
	v1 =	vsel vm14, v1, v0;
	[tilespmem:s4+$0x10] =	vst v7  }
0x51: {  	v7 =	vld [tilespmem:s6+$0xFFFFFF90];
	p0 =	slt.u32 s5, $0xF0;
	[tilespmem:s4+$0xFFFFFF80] =	vst v1;
	v1 =	vsel vm0, v2, v0  }
0x52: {  	v2 =	vld [tilespmem:s6+$0xFFFFFFA0];
	[tilespmem:s4+$0x20] =	vst v1;
	v1 =	vsel vm1, v3, v0  }
0x53: {  	v3 =	vld [tilespmem:s6+$0xFFFFFFB0];
	[tilespmem:s4+$0x30] =	vst v1;
	v1 =	vsel vm3, v4, v0  }
0x54: {  	v4 =	vld [tilespmem:s6+$0xFFFFFFC0];
	[tilespmem:s4+$0x40] =	vst v1;
	v1 =	vsel vm2, v5, v0  }
0x55: {  	v5 =	vld [tilespmem:s6+$0xFFFFFFD0];
	v9 =	vand.u32 $0x1FFFF, v8;
	[tilespmem:s4+$0x50] =	vst v1;
	v1 =	vsel vm4, v6, v0  }
0x56: {  	v6 =	vand.u32 $0x1FFFF, v7;
	vm5 =	vlt.u32 v7, $0x20000;
	v7 =	vld [tilespmem:s6+$0xFFFFFFE0];
	[tilespmem:s4+$0x60] =	vst v1  }
0x57: {  	v1 =	vand.u32 $0x1FFFF, v2;
	vm7 =	vlt.u32 v2, $0x20000;
	v2 =	vld [tilespmem:s6+$0xFFFFFFF0]  }
0x58: {  	v10 =	vand.u32 $0x1FFFF, v3;
	vm8 =	vlt.u32 v3, $0x20000;
	v3 =	vld [tilespmem:s6+$0x0]  }
0x59: {  	v11 =	vand.u32 $0x1FFFF, v4;
	vm6 =	vlt.u32 v4, $0x20000;
	v4 =	vld [tilespmem:s6+$0x10]  }
0x5a: {  	v12 =	vand.u32 $0x1FFFF, v5;
	vm9 =	vlt.u32 v5, $0x20000;
	v5 =	vld.idx.msk [tilespmem:v9+s1+$0x0], $0xffff  }
0x5b: {  	v9 =	vand.u32 $0x1FFFF, v7;
	vm10 =	vlt.u32 v7, $0x20000;
	v7 =	vld [tilespmem:s6+$0x20]  }
0x5c: {  	v13 =	vand.u32 $0x1FFFF, v2;
	vm11 =	vlt.u32 v2, $0x20000;
	v2 =	vld [tilespmem:s6+$0x30]  }
0x5d: {  	v14 =	vand.u32 $0x1FFFF, v3;
	vm12 =	vlt.u32 v3, $0x20000;
	v3 =	vld [tilespmem:s6+$0x40]  }
0x5e: {  	v15 =	vand.u32 $0x1FFFF, v4;
	vm13 =	vlt.u32 v4, $0x20000;
	v4 =	vld [tilespmem:s6+$0x50]  }
0x5f: {  	vm1 =	vlt.u32 v8, $0x20000;
	v16 =	vld [tilespmem:s6+$0x60]  }
0x60: {  	s4 =	sadd.s32 $0x100, s4;
	v5 =	vsel vm1, v5, v0;
	v8 =	vld [tilespmem:s6+$0xFFFFFF80];
	v17 =	vand.u32 $0x1FFFF, v7;
	vm0 =	vlt.u32 v7, $0x20000  }
0x61: {  	v6 =	vld.idx.msk [tilespmem:v6+s1+$0x0], $0xffff;
	v7 =	vand.u32 $0x1FFFF, v2;
	vm1 =	vlt.u32 v2, $0x20000;
	[tilespmem:s4+$0x70] =	vst v5  }
0x62: {  	v1 =	vld.idx.msk [tilespmem:v1+s1+$0x0], $0xffff;
	v5 =	vand.u32 $0x1FFFF, v3;
	vm3 =	vlt.u32 v3, $0x20000  }
0x63: {  	v2 =	vld.idx.msk [tilespmem:v10+s1+$0x0], $0xffff;
	v10 =	vand.u32 $0x1FFFF, v4;
	vm2 =	vlt.u32 v4, $0x20000  }
0x64: {  	v3 =	vld.idx.msk [tilespmem:v11+s1+$0x0], $0xffff;
	v11 =	vand.u32 $0x1FFFF, v16;
	vm4 =	vlt.u32 v16, $0x20000  }
0x65: {  	v4 =	vand.u32 $0x1FFFF, v8;
	vm14 =	vlt.u32 v8, $0x20000;
	v8 =	vld.idx.msk [tilespmem:v12+s1+$0x0], $0xffff  }
0x66: {  	v9 =	vld.idx.msk [tilespmem:v9+s1+$0x0], $0xffff  }
0x67: {  	v6 =	vsel vm5, v6, v0;
	v12 =	vld.idx.msk [tilespmem:v13+s1+$0x0], $0xffff  }
0x68: {  	v1 =	vsel vm7, v1, v0;
	[tilespmem:s4+$0xFFFFFF90] =	vst v6;
	v6 =	vld.idx.msk [tilespmem:v14+s1+$0x0], $0xffff  }
0x69: {  	v2 =	vsel vm8, v2, v0;
	[tilespmem:s4+$0xFFFFFFA0] =	vst v1;
	v13 =	vld.idx.msk [tilespmem:v15+s1+$0x0], $0xffff  }
0x6a: {  	v1 =	vld.idx.msk [tilespmem:v4+s1+$0x0], $0xffff;
	[tilespmem:s4+$0xFFFFFFB0] =	vst v2;
	v2 =	vsel vm6, v3, v0  }
.Ltmp0:
0x6b: {  	v3 =	vsel vm9, v8, v0;
	[tilespmem:s4+$0xFFFFFFC0] =	vst v2;
	v2 =	vld.idx.msk [tilespmem:v17+s1+$0x0], $0xffff;
	(pc) =	sbr.rel @p0 .LBB2_2-.Ltmp0, $4  }
0x6c: {  	v4 =	vsel vm10, v9, v0;
	[tilespmem:s4+$0xFFFFFFD0] =	vst v3;
	v3 =	vld.idx.msk [tilespmem:v7+s1+$0x0], $0xffff  }
0x6d: {  	v7 =	vsel vm11, v12, v0;
	[tilespmem:s4+$0xFFFFFFE0] =	vst v4;
	v4 =	vld.idx.msk [tilespmem:v5+s1+$0x0], $0xffff  }
0x6e: {  	v6 =	vsel vm12, v6, v0;
	[tilespmem:s4+$0xFFFFFFF0] =	vst v7;
	v5 =	vld.idx.msk [tilespmem:v10+s1+$0x0], $0xffff  }
0x6f: {  	s6 =	sadd.s32 $0x100, s6;
	v7 =	vsel vm13, v13, v0;
	[tilespmem:s4+$0x0] =	vst v6;
	v6 =	vld.idx.msk [tilespmem:v11+s1+$0x0], $0xffff  }
0x70: {  	v1 =	vsel vm14, v1, v0;
	[tilespmem:s4+$0x10] =	vst v7  }
0x71: {  	[tilespmem:s4+$0xFFFFFF80] =	vst v1;
	v1 =	vsel vm0, v2, v0  }
0x72: {  	[tilespmem:s4+$0x20] =	vst v1;
	v1 =	vsel vm1, v3, v0  }
0x73: {  	[tilespmem:s4+$0x30] =	vst v1;
	v1 =	vsel vm3, v4, v0  }
0x74: {  	[tilespmem:s4+$0x40] =	vst v1;
	v1 =	vsel vm2, v5, v0  }
0x75: {  	[tilespmem:s4+$0x50] =	vst v1;
	v1 =	vsel vm4, v6, v0  }
0x76: {  	[tilespmem:s4+$0x60] =	vst v1  }
0x77: {  	s6 =	simm.s32 $0x197F0;
	s4 =	rddreg [dreg:$0x9]  }
0x78: {  	[hbm4b:s4+s29] =	stream.strided.scatter [tilespmem:s31], [sflag:$0x2], $0x1000, s30, s29, $0x38;
	[tilespmem:$0x1E800] =	vst v63  }
0x79: {  	v1 =	vld [tilespmem:s6+$0x0]  }
0x7a: {  	v2 =	vld [tilespmem:s6+$0xFFFFFF20]  }
0x7b: {  	v3 =	vld [tilespmem:s6+$0xFFFFFF30]  }
0x7c: {  	v4 =	vld [tilespmem:s6+$0xFFFFFF40]  }
0x7d: {  	v5 =	vld [tilespmem:s6+$0xFFFFFF50]  }
0x7e: {  	v6 =	vld [tilespmem:s6+$0xFFFFFF60]  }
0x7f: {  	v8 =	vld [tilespmem:s6+$0xFFFFFF70]  }
0x80: {  	v9 =	vld [tilespmem:s6+$0xFFFFFF80]  }
0x81: {  	v10 =	vld [tilespmem:s6+$0xFFFFFF90]  }
0x82: {  	v11 =	vld [tilespmem:s6+$0xFFFFFFA0]  }
0x83: {  	v12 =	vld [tilespmem:s6+$0xFFFFFFB0]  }
0x84: {  	v14 =	vld [tilespmem:s6+$0xFFFFFFC0];
	v7 =	vand.u32 $0x1FFFF, v1  }
0x85: {  	v16 =	vld [tilespmem:s6+$0xFFFFFFD0];
	v13 =	vand.u32 $0x1FFFF, v2  }
0x86: {  	v18 =	vld [tilespmem:s6+$0xFFFFFFE0];
	v15 =	vand.u32 $0x1FFFF, v3  }
0x87: {  	v20 =	vld [tilespmem:s6+$0xFFFFFFF0];
	v17 =	vand.u32 $0x1FFFF, v4  }
0x88: {  	v22 =	vld [tilespmem:s6+$0xFFFFFF10];
	v19 =	vand.u32 $0x1FFFF, v5  }
0x89: {  	v21 =	vand.u32 $0x1FFFF, v6;
	v7 =	vld.idx.msk [tilespmem:v7+s1+$0x0], $0xffff  }
0x8a: {  	v23 =	vand.u32 $0x1FFFF, v8;
	v13 =	vld.idx.msk [tilespmem:v13+s1+$0x0], $0xffff  }
0x8b: {  	v24 =	vand.u32 $0x1FFFF, v9;
	v15 =	vld.idx.msk [tilespmem:v15+s1+$0x0], $0xffff  }
0x8c: {  	v25 =	vand.u32 $0x1FFFF, v10;
	v17 =	vld.idx.msk [tilespmem:v17+s1+$0x0], $0xffff  }
0x8d: {  	v26 =	vand.u32 $0x1FFFF, v11;
	v19 =	vld.idx.msk [tilespmem:v19+s1+$0x0], $0xffff  }
0x8e: {  	vm0 =	vlt.u32 v1, $0x20000;
	v1 =	vand.u32 $0x1FFFF, v22;
	v21 =	vld.idx.msk [tilespmem:v21+s1+$0x0], $0xffff  }
0x8f: {  	s4 =	simm.s32 $0x1D7F0;
	vm1 =	vlt.u32 v2, $0x20000;
	v2 =	vand.u32 $0x1FFFF, v12;
	v23 =	vld.idx.msk [tilespmem:v23+s1+$0x0], $0xffff;
	v7 =	vsel vm0, v7, v0  }
0x90: {  	v61 =	vld.idx.msk [tilespmem:v24+s1+$0x0], $0xffff;
	vm0 =	vlt.u32 v3, $0x20000;
	v3 =	vand.u32 $0x1FFFF, v14;
	[tilespmem:s4+$0x0] =	vst v7;
	v7 =	vsel vm1, v13, v0  }
0x91: {  	v62 =	vld.idx.msk [tilespmem:v25+s1+$0x0], $0xffff;
	vm1 =	vlt.u32 v4, $0x20000;
	v4 =	vand.u32 $0x1FFFF, v16;
	[tilespmem:s4+$0xFFFFFF20] =	vst v7;
	v7 =	vsel vm0, v15, v0  }
0x92: {  	v63 =	vld.idx.msk [tilespmem:v26+s1+$0x0], $0xffff;
	vm0 =	vlt.u32 v5, $0x20000;
	v5 =	vand.u32 $0x1FFFF, v18;
	[tilespmem:s4+$0xFFFFFF30] =	vst v7;
	v7 =	vsel vm1, v17, v0  }
0x93: {  	v1 =	vld.idx.msk [tilespmem:v1+s1+$0x0], $0xffff;
	vm1 =	vlt.u32 v6, $0x20000;
	v6 =	vand.u32 $0x1FFFF, v20;
	[tilespmem:s4+$0xFFFFFF40] =	vst v7;
	v7 =	vsel vm0, v19, v0  }
0x94: {  	vm2 =	vlt.u32 v9, $0x20000;
	v2 =	vld.idx.msk [tilespmem:v2+s1+$0x0], $0xffff;
	vm0 =	vlt.u32 v8, $0x20000;
	[tilespmem:s4+$0xFFFFFF50] =	vst v7;
	v7 =	vsel vm1, v21, v0  }
0x95: {  	vm4 =	vlt.u32 v10, $0x20000;
	vm5 =	vlt.u32 v11, $0x20000;
	v3 =	vld.idx.msk [tilespmem:v3+s1+$0x0], $0xffff;
	[tilespmem:s4+$0xFFFFFF60] =	vst v7;
	v7 =	vsel vm0, v23, v0  }
0x96: {  	vm3 =	vlt.u32 v16, $0x20000;
	vm14 =	vlt.u32 v22, $0x20000;
	v4 =	vld.idx.msk [tilespmem:v4+s1+$0x0], $0xffff;
	[tilespmem:s4+$0xFFFFFF70] =	vst v7;
	v7 =	vsel vm2, v61, v0  }
0x97: {  	vm1 =	vlt.u32 v14, $0x20000;
	vm0 =	vlt.u32 v12, $0x20000;
	v5 =	vld.idx.msk [tilespmem:v5+s1+$0x0], $0xffff;
	[tilespmem:s4+$0xFFFFFF80] =	vst v7;
	v7 =	vsel vm4, v62, v0  }
0x98: {  	s5 =	simm.s32 $0x0;
	s6 =	simm.s32 $0x198F0;
	vm2 =	vlt.u32 v18, $0x20000;
	vm4 =	vlt.u32 v20, $0x20000;
	v6 =	vld.idx.msk [tilespmem:v6+s1+$0x0], $0xffff;
	[tilespmem:s4+$0xFFFFFF90] =	vst v7;
	v7 =	vsel vm5, v63, v0  }
.LBB2_4:
0x99: {  	v8 =	vld [tilespmem:s6+$0x0];
	s5 =	sadd.s32 $0x10, s5;
	v1 =	vsel vm14, v1, v0;
	[tilespmem:s4+$0xFFFFFFA0] =	vst v7  }
0x9a: {  	v7 =	vld [tilespmem:s6+$0xFFFFFF20];
	p0 =	slt.u32 s5, $0xF0;
	[tilespmem:s4+$0xFFFFFF10] =	vst v1;
	v1 =	vsel vm0, v2, v0  }
0x9b: {  	v2 =	vld [tilespmem:s6+$0xFFFFFF30];
	[tilespmem:s4+$0xFFFFFFB0] =	vst v1;
	v1 =	vsel vm1, v3, v0  }
0x9c: {  	v3 =	vld [tilespmem:s6+$0xFFFFFF40];
	[tilespmem:s4+$0xFFFFFFC0] =	vst v1;
	v1 =	vsel vm3, v4, v0  }
0x9d: {  	v4 =	vld [tilespmem:s6+$0xFFFFFF50];
	[tilespmem:s4+$0xFFFFFFD0] =	vst v1;
	v1 =	vsel vm2, v5, v0  }
0x9e: {  	v5 =	vld [tilespmem:s6+$0xFFFFFF60];
	v9 =	vand.u32 $0x1FFFF, v8;
	[tilespmem:s4+$0xFFFFFFE0] =	vst v1;
	v1 =	vsel vm4, v6, v0  }
0x9f: {  	v6 =	vand.u32 $0x1FFFF, v7;
	vm5 =	vlt.u32 v7, $0x20000;
	v7 =	vld [tilespmem:s6+$0xFFFFFF70];
	[tilespmem:s4+$0xFFFFFFF0] =	vst v1  }
0xa0: {  	v1 =	vand.u32 $0x1FFFF, v2;
	vm7 =	vlt.u32 v2, $0x20000;
	v2 =	vld [tilespmem:s6+$0xFFFFFF80]  }
0xa1: {  	v10 =	vand.u32 $0x1FFFF, v3;
	vm8 =	vlt.u32 v3, $0x20000;
	v3 =	vld [tilespmem:s6+$0xFFFFFF90]  }
0xa2: {  	v11 =	vand.u32 $0x1FFFF, v4;
	vm6 =	vlt.u32 v4, $0x20000;
	v4 =	vld [tilespmem:s6+$0xFFFFFFA0]  }
0xa3: {  	v12 =	vand.u32 $0x1FFFF, v5;
	vm9 =	vlt.u32 v5, $0x20000;
	v5 =	vld.idx.msk [tilespmem:v9+s1+$0x0], $0xffff  }
0xa4: {  	v9 =	vand.u32 $0x1FFFF, v7;
	vm10 =	vlt.u32 v7, $0x20000;
	v7 =	vld [tilespmem:s6+$0xFFFFFFB0]  }
0xa5: {  	v13 =	vand.u32 $0x1FFFF, v2;
	vm11 =	vlt.u32 v2, $0x20000;
	v2 =	vld [tilespmem:s6+$0xFFFFFFC0]  }
0xa6: {  	v14 =	vand.u32 $0x1FFFF, v3;
	vm12 =	vlt.u32 v3, $0x20000;
	v3 =	vld [tilespmem:s6+$0xFFFFFFD0]  }
0xa7: {  	v15 =	vand.u32 $0x1FFFF, v4;
	vm13 =	vlt.u32 v4, $0x20000;
	v4 =	vld [tilespmem:s6+$0xFFFFFFE0]  }
0xa8: {  	vm1 =	vlt.u32 v8, $0x20000;
	v16 =	vld [tilespmem:s6+$0xFFFFFFF0]  }
0xa9: {  	s4 =	sadd.s32 $0x100, s4;
	v5 =	vsel vm1, v5, v0;
	v8 =	vld [tilespmem:s6+$0xFFFFFF10];
	v17 =	vand.u32 $0x1FFFF, v7;
	vm0 =	vlt.u32 v7, $0x20000  }
0xaa: {  	v6 =	vld.idx.msk [tilespmem:v6+s1+$0x0], $0xffff;
	v7 =	vand.u32 $0x1FFFF, v2;
	vm1 =	vlt.u32 v2, $0x20000;
	[tilespmem:s4+$0x0] =	vst v5  }
0xab: {  	v1 =	vld.idx.msk [tilespmem:v1+s1+$0x0], $0xffff;
	v5 =	vand.u32 $0x1FFFF, v3;
	vm3 =	vlt.u32 v3, $0x20000  }
0xac: {  	v2 =	vld.idx.msk [tilespmem:v10+s1+$0x0], $0xffff;
	v10 =	vand.u32 $0x1FFFF, v4;
	vm2 =	vlt.u32 v4, $0x20000  }
0xad: {  	v3 =	vld.idx.msk [tilespmem:v11+s1+$0x0], $0xffff;
	v11 =	vand.u32 $0x1FFFF, v16;
	vm4 =	vlt.u32 v16, $0x20000  }
0xae: {  	v4 =	vand.u32 $0x1FFFF, v8;
	vm14 =	vlt.u32 v8, $0x20000;
	v8 =	vld.idx.msk [tilespmem:v12+s1+$0x0], $0xffff  }
0xaf: {  	v9 =	vld.idx.msk [tilespmem:v9+s1+$0x0], $0xffff  }
0xb0: {  	v6 =	vsel vm5, v6, v0;
	v12 =	vld.idx.msk [tilespmem:v13+s1+$0x0], $0xffff  }
0xb1: {  	v1 =	vsel vm7, v1, v0;
	[tilespmem:s4+$0xFFFFFF20] =	vst v6;
	v6 =	vld.idx.msk [tilespmem:v14+s1+$0x0], $0xffff  }
0xb2: {  	v2 =	vsel vm8, v2, v0;
	[tilespmem:s4+$0xFFFFFF30] =	vst v1;
	v13 =	vld.idx.msk [tilespmem:v15+s1+$0x0], $0xffff  }
0xb3: {  	v1 =	vld.idx.msk [tilespmem:v4+s1+$0x0], $0xffff;
	[tilespmem:s4+$0xFFFFFF40] =	vst v2;
	v2 =	vsel vm6, v3, v0  }
.Ltmp1:
0xb4: {  	v3 =	vsel vm9, v8, v0;
	[tilespmem:s4+$0xFFFFFF50] =	vst v2;
	v2 =	vld.idx.msk [tilespmem:v17+s1+$0x0], $0xffff;
	(pc) =	sbr.rel @p0 .LBB2_4-.Ltmp1, $4  }
0xb5: {  	v4 =	vsel vm10, v9, v0;
	[tilespmem:s4+$0xFFFFFF60] =	vst v3;
	v3 =	vld.idx.msk [tilespmem:v7+s1+$0x0], $0xffff  }
0xb6: {  	v7 =	vsel vm11, v12, v0;
	[tilespmem:s4+$0xFFFFFF70] =	vst v4;
	v4 =	vld.idx.msk [tilespmem:v5+s1+$0x0], $0xffff  }
0xb7: {  	v6 =	vsel vm12, v6, v0;
	[tilespmem:s4+$0xFFFFFF80] =	vst v7;
	v5 =	vld.idx.msk [tilespmem:v10+s1+$0x0], $0xffff  }
0xb8: {  	s6 =	sadd.s32 $0x100, s6;
	v7 =	vsel vm13, v13, v0;
	[tilespmem:s4+$0xFFFFFF90] =	vst v6;
	v6 =	vld.idx.msk [tilespmem:v11+s1+$0x0], $0xffff  }
0xb9: {  	v1 =	vsel vm14, v1, v0;
	[tilespmem:s4+$0xFFFFFFA0] =	vst v7  }
0xba: {  	[tilespmem:s4+$0xFFFFFF10] =	vst v1;
	v1 =	vsel vm0, v2, v0  }
0xbb: {  	[tilespmem:s4+$0xFFFFFFB0] =	vst v1;
	v1 =	vsel vm1, v3, v0  }
0xbc: {  	[tilespmem:s4+$0xFFFFFFC0] =	vst v1;
	v1 =	vsel vm3, v4, v0  }
0xbd: {  	[tilespmem:s4+$0xFFFFFFD0] =	vst v1;
	v1 =	vsel vm2, v5, v0  }
0xbe: {  	[tilespmem:s4+$0xFFFFFFE0] =	vst v1;
	v1 =	vsel vm4, v6, v0  }
0xbf: {  	[tilespmem:s4+$0xFFFFFFF0] =	vst v1  }
0xc0: {  	s4 =	rddreg [dreg:$0xa]  }
0xc1: {  	[hbm4b:s4+s29] =	stream.strided.scatter [tilespmem:s0], [sflag:$0x2], $0x1000, s30, s29, $0x38;
	[tilespmem:$0x1E800] =	vst v63  }
0xc2: {  	_ =	swait.ge [sflag:s19], $0x1000  }
0xc3: {  	[sflag:s19] =	ssyncset.done $0x0  }
0xc4: {  	s6 =	simm.s32 $0x1A7F0;
	[sflag:s19] =	ssyncadd.s32 $0xFFFFF000  }
0xc5: {  	v1 =	vld [tilespmem:s6+$0x0]  }
0xc6: {  	v2 =	vld [tilespmem:s6+$0xFFFFFF20]  }
0xc7: {  	v3 =	vld [tilespmem:s6+$0xFFFFFF30]  }
0xc8: {  	v4 =	vld [tilespmem:s6+$0xFFFFFF40]  }
0xc9: {  	v5 =	vld [tilespmem:s6+$0xFFFFFF50]  }
0xca: {  	v6 =	vld [tilespmem:s6+$0xFFFFFF60]  }
0xcb: {  	v8 =	vld [tilespmem:s6+$0xFFFFFF70]  }
0xcc: {  	v9 =	vld [tilespmem:s6+$0xFFFFFF80]  }
0xcd: {  	v10 =	vld [tilespmem:s6+$0xFFFFFF90]  }
0xce: {  	v11 =	vld [tilespmem:s6+$0xFFFFFFA0]  }
0xcf: {  	v12 =	vld [tilespmem:s6+$0xFFFFFFB0]  }
0xd0: {  	v14 =	vld [tilespmem:s6+$0xFFFFFFC0];
	v7 =	vand.u32 $0x1FFFF, v1  }
0xd1: {  	v16 =	vld [tilespmem:s6+$0xFFFFFFD0];
	v13 =	vand.u32 $0x1FFFF, v2  }
0xd2: {  	v18 =	vld [tilespmem:s6+$0xFFFFFFE0];
	v15 =	vand.u32 $0x1FFFF, v3  }
0xd3: {  	v20 =	vld [tilespmem:s6+$0xFFFFFFF0];
	v17 =	vand.u32 $0x1FFFF, v4  }
0xd4: {  	v22 =	vld [tilespmem:s6+$0xFFFFFF10];
	v19 =	vand.u32 $0x1FFFF, v5  }
0xd5: {  	v21 =	vand.u32 $0x1FFFF, v6;
	v7 =	vld.idx.msk [tilespmem:v7+s1+$0x0], $0xffff  }
0xd6: {  	v23 =	vand.u32 $0x1FFFF, v8;
	v13 =	vld.idx.msk [tilespmem:v13+s1+$0x0], $0xffff  }
0xd7: {  	v24 =	vand.u32 $0x1FFFF, v9;
	v15 =	vld.idx.msk [tilespmem:v15+s1+$0x0], $0xffff  }
0xd8: {  	v25 =	vand.u32 $0x1FFFF, v10;
	v17 =	vld.idx.msk [tilespmem:v17+s1+$0x0], $0xffff  }
0xd9: {  	v26 =	vand.u32 $0x1FFFF, v11;
	v19 =	vld.idx.msk [tilespmem:v19+s1+$0x0], $0xffff  }
0xda: {  	vm0 =	vlt.u32 v1, $0x20000;
	v1 =	vand.u32 $0x1FFFF, v22;
	v21 =	vld.idx.msk [tilespmem:v21+s1+$0x0], $0xffff  }
0xdb: {  	s4 =	simm.s32 $0x1C780;
	vm1 =	vlt.u32 v2, $0x20000;
	v2 =	vand.u32 $0x1FFFF, v12;
	v23 =	vld.idx.msk [tilespmem:v23+s1+$0x0], $0xffff;
	v7 =	vsel vm0, v7, v0  }
0xdc: {  	v61 =	vld.idx.msk [tilespmem:v24+s1+$0x0], $0xffff;
	vm0 =	vlt.u32 v3, $0x20000;
	v3 =	vand.u32 $0x1FFFF, v14;
	[tilespmem:s4+$0x70] =	vst v7;
	v7 =	vsel vm1, v13, v0  }
0xdd: {  	v62 =	vld.idx.msk [tilespmem:v25+s1+$0x0], $0xffff;
	vm1 =	vlt.u32 v4, $0x20000;
	v4 =	vand.u32 $0x1FFFF, v16;
	[tilespmem:s4+$0xFFFFFF90] =	vst v7;
	v7 =	vsel vm0, v15, v0  }
0xde: {  	v63 =	vld.idx.msk [tilespmem:v26+s1+$0x0], $0xffff;
	vm0 =	vlt.u32 v5, $0x20000;
	v5 =	vand.u32 $0x1FFFF, v18;
	[tilespmem:s4+$0xFFFFFFA0] =	vst v7;
	v7 =	vsel vm1, v17, v0  }
0xdf: {  	v1 =	vld.idx.msk [tilespmem:v1+s1+$0x0], $0xffff;
	vm1 =	vlt.u32 v6, $0x20000;
	v6 =	vand.u32 $0x1FFFF, v20;
	[tilespmem:s4+$0xFFFFFFB0] =	vst v7;
	v7 =	vsel vm0, v19, v0  }
0xe0: {  	vm2 =	vlt.u32 v9, $0x20000;
	v2 =	vld.idx.msk [tilespmem:v2+s1+$0x0], $0xffff;
	vm0 =	vlt.u32 v8, $0x20000;
	[tilespmem:s4+$0xFFFFFFC0] =	vst v7;
	v7 =	vsel vm1, v21, v0  }
0xe1: {  	vm4 =	vlt.u32 v10, $0x20000;
	vm5 =	vlt.u32 v11, $0x20000;
	v3 =	vld.idx.msk [tilespmem:v3+s1+$0x0], $0xffff;
	[tilespmem:s4+$0xFFFFFFD0] =	vst v7;
	v7 =	vsel vm0, v23, v0  }
0xe2: {  	vm3 =	vlt.u32 v16, $0x20000;
	vm14 =	vlt.u32 v22, $0x20000;
	v4 =	vld.idx.msk [tilespmem:v4+s1+$0x0], $0xffff;
	[tilespmem:s4+$0xFFFFFFE0] =	vst v7;
	v7 =	vsel vm2, v61, v0  }
0xe3: {  	vm1 =	vlt.u32 v14, $0x20000;
	vm0 =	vlt.u32 v12, $0x20000;
	v5 =	vld.idx.msk [tilespmem:v5+s1+$0x0], $0xffff;
	[tilespmem:s4+$0xFFFFFFF0] =	vst v7;
	v7 =	vsel vm4, v62, v0  }
0xe4: {  	s5 =	simm.s32 $0x0;
	s6 =	simm.s32 $0x1A8F0;
	vm2 =	vlt.u32 v18, $0x20000;
	vm4 =	vlt.u32 v20, $0x20000;
	v6 =	vld.idx.msk [tilespmem:v6+s1+$0x0], $0xffff;
	[tilespmem:s4+$0x0] =	vst v7;
	v7 =	vsel vm5, v63, v0  }
.LBB2_6:
0xe5: {  	v8 =	vld [tilespmem:s6+$0x0];
	s5 =	sadd.s32 $0x10, s5;
	v1 =	vsel vm14, v1, v0;
	[tilespmem:s4+$0x10] =	vst v7  }
0xe6: {  	v7 =	vld [tilespmem:s6+$0xFFFFFF20];
	p0 =	slt.u32 s5, $0xF0;
	[tilespmem:s4+$0xFFFFFF80] =	vst v1;
	v1 =	vsel vm0, v2, v0  }
0xe7: {  	v2 =	vld [tilespmem:s6+$0xFFFFFF30];
	[tilespmem:s4+$0x20] =	vst v1;
	v1 =	vsel vm1, v3, v0  }
0xe8: {  	v3 =	vld [tilespmem:s6+$0xFFFFFF40];
	[tilespmem:s4+$0x30] =	vst v1;
	v1 =	vsel vm3, v4, v0  }
0xe9: {  	v4 =	vld [tilespmem:s6+$0xFFFFFF50];
	[tilespmem:s4+$0x40] =	vst v1;
	v1 =	vsel vm2, v5, v0  }
0xea: {  	v5 =	vld [tilespmem:s6+$0xFFFFFF60];
	v9 =	vand.u32 $0x1FFFF, v8;
	[tilespmem:s4+$0x50] =	vst v1;
	v1 =	vsel vm4, v6, v0  }
0xeb: {  	v6 =	vand.u32 $0x1FFFF, v7;
	vm5 =	vlt.u32 v7, $0x20000;
	v7 =	vld [tilespmem:s6+$0xFFFFFF70];
	[tilespmem:s4+$0x60] =	vst v1  }
0xec: {  	v1 =	vand.u32 $0x1FFFF, v2;
	vm7 =	vlt.u32 v2, $0x20000;
	v2 =	vld [tilespmem:s6+$0xFFFFFF80]  }
0xed: {  	v10 =	vand.u32 $0x1FFFF, v3;
	vm8 =	vlt.u32 v3, $0x20000;
	v3 =	vld [tilespmem:s6+$0xFFFFFF90]  }
0xee: {  	v11 =	vand.u32 $0x1FFFF, v4;
	vm6 =	vlt.u32 v4, $0x20000;
	v4 =	vld [tilespmem:s6+$0xFFFFFFA0]  }
0xef: {  	v12 =	vand.u32 $0x1FFFF, v5;
	vm9 =	vlt.u32 v5, $0x20000;
	v5 =	vld.idx.msk [tilespmem:v9+s1+$0x0], $0xffff  }
0xf0: {  	v9 =	vand.u32 $0x1FFFF, v7;
	vm10 =	vlt.u32 v7, $0x20000;
	v7 =	vld [tilespmem:s6+$0xFFFFFFB0]  }
0xf1: {  	v13 =	vand.u32 $0x1FFFF, v2;
	vm11 =	vlt.u32 v2, $0x20000;
	v2 =	vld [tilespmem:s6+$0xFFFFFFC0]  }
0xf2: {  	v14 =	vand.u32 $0x1FFFF, v3;
	vm12 =	vlt.u32 v3, $0x20000;
	v3 =	vld [tilespmem:s6+$0xFFFFFFD0]  }
0xf3: {  	v15 =	vand.u32 $0x1FFFF, v4;
	vm13 =	vlt.u32 v4, $0x20000;
	v4 =	vld [tilespmem:s6+$0xFFFFFFE0]  }
0xf4: {  	vm1 =	vlt.u32 v8, $0x20000;
	v16 =	vld [tilespmem:s6+$0xFFFFFFF0]  }
0xf5: {  	s4 =	sadd.s32 $0x100, s4;
	v5 =	vsel vm1, v5, v0;
	v8 =	vld [tilespmem:s6+$0xFFFFFF10];
	v17 =	vand.u32 $0x1FFFF, v7;
	vm0 =	vlt.u32 v7, $0x20000  }
0xf6: {  	v6 =	vld.idx.msk [tilespmem:v6+s1+$0x0], $0xffff;
	v7 =	vand.u32 $0x1FFFF, v2;
	vm1 =	vlt.u32 v2, $0x20000;
	[tilespmem:s4+$0x70] =	vst v5  }
0xf7: {  	v1 =	vld.idx.msk [tilespmem:v1+s1+$0x0], $0xffff;
	v5 =	vand.u32 $0x1FFFF, v3;
	vm3 =	vlt.u32 v3, $0x20000  }
0xf8: {  	v2 =	vld.idx.msk [tilespmem:v10+s1+$0x0], $0xffff;
	v10 =	vand.u32 $0x1FFFF, v4;
	vm2 =	vlt.u32 v4, $0x20000  }
0xf9: {  	v3 =	vld.idx.msk [tilespmem:v11+s1+$0x0], $0xffff;
	v11 =	vand.u32 $0x1FFFF, v16;
	vm4 =	vlt.u32 v16, $0x20000  }
0xfa: {  	v4 =	vand.u32 $0x1FFFF, v8;
	vm14 =	vlt.u32 v8, $0x20000;
	v8 =	vld.idx.msk [tilespmem:v12+s1+$0x0], $0xffff  }
0xfb: {  	v9 =	vld.idx.msk [tilespmem:v9+s1+$0x0], $0xffff  }
0xfc: {  	v6 =	vsel vm5, v6, v0;
	v12 =	vld.idx.msk [tilespmem:v13+s1+$0x0], $0xffff  }
0xfd: {  	v1 =	vsel vm7, v1, v0;
	[tilespmem:s4+$0xFFFFFF90] =	vst v6;
	v6 =	vld.idx.msk [tilespmem:v14+s1+$0x0], $0xffff  }
0xfe: {  	v2 =	vsel vm8, v2, v0;
	[tilespmem:s4+$0xFFFFFFA0] =	vst v1;
	v13 =	vld.idx.msk [tilespmem:v15+s1+$0x0], $0xffff  }
0xff: {  	v1 =	vld.idx.msk [tilespmem:v4+s1+$0x0], $0xffff;
	[tilespmem:s4+$0xFFFFFFB0] =	vst v2;
	v2 =	vsel vm6, v3, v0  }
.Ltmp2:
0x100: {  	v3 =	vsel vm9, v8, v0;
	[tilespmem:s4+$0xFFFFFFC0] =	vst v2;
	v2 =	vld.idx.msk [tilespmem:v17+s1+$0x0], $0xffff;
	(pc) =	sbr.rel @p0 .LBB2_6-.Ltmp2, $4  }
0x101: {  	v4 =	vsel vm10, v9, v0;
	[tilespmem:s4+$0xFFFFFFD0] =	vst v3;
	v3 =	vld.idx.msk [tilespmem:v7+s1+$0x0], $0xffff  }
0x102: {  	v7 =	vsel vm11, v12, v0;
	[tilespmem:s4+$0xFFFFFFE0] =	vst v4;
	v4 =	vld.idx.msk [tilespmem:v5+s1+$0x0], $0xffff  }
0x103: {  	v6 =	vsel vm12, v6, v0;
	[tilespmem:s4+$0xFFFFFFF0] =	vst v7;
	v5 =	vld.idx.msk [tilespmem:v10+s1+$0x0], $0xffff  }
0x104: {  	s6 =	sadd.s32 $0x100, s6;
	v7 =	vsel vm13, v13, v0;
	[tilespmem:s4+$0x0] =	vst v6;
	v6 =	vld.idx.msk [tilespmem:v11+s1+$0x0], $0xffff  }
0x105: {  	v1 =	vsel vm14, v1, v0;
	[tilespmem:s4+$0x10] =	vst v7  }
0x106: {  	[tilespmem:s4+$0xFFFFFF80] =	vst v1;
	v1 =	vsel vm0, v2, v0  }
0x107: {  	[tilespmem:s4+$0x20] =	vst v1;
	v1 =	vsel vm1, v3, v0  }
0x108: {  	[tilespmem:s4+$0x30] =	vst v1;
	v1 =	vsel vm3, v4, v0  }
0x109: {  	[tilespmem:s4+$0x40] =	vst v1;
	v1 =	vsel vm2, v5, v0  }
0x10a: {  	[tilespmem:s4+$0x50] =	vst v1;
	v1 =	vsel vm4, v6, v0  }
0x10b: {  	[tilespmem:s4+$0x60] =	vst v1  }
0x10c: {  	s4 =	rddreg [dreg:$0xb]  }
0x10d: {  	[hbm4b:s4+s29] =	stream.strided.scatter [tilespmem:s31], [sflag:$0x2], $0x1000, s30, s29, $0x38;
	[tilespmem:$0x1E800] =	vst v63  }
0x10e: {  	_ =	swait.ge [sflag:s19], $0x1000  }
0x10f: {  	[sflag:s19] =	ssyncset.done $0x0  }
0x110: {  	s6 =	simm.s32 $0x1B7F0;
	[sflag:s19] =	ssyncadd.s32 $0xFFFFF000  }
0x111: {  	v1 =	vld [tilespmem:s6+$0x0]  }
0x112: {  	v2 =	vld [tilespmem:s6+$0xFFFFFF20]  }
0x113: {  	v3 =	vld [tilespmem:s6+$0xFFFFFF30]  }
0x114: {  	v4 =	vld [tilespmem:s6+$0xFFFFFF40]  }
0x115: {  	v5 =	vld [tilespmem:s6+$0xFFFFFF50]  }
0x116: {  	v6 =	vld [tilespmem:s6+$0xFFFFFF60]  }
0x117: {  	v8 =	vld [tilespmem:s6+$0xFFFFFF70]  }
0x118: {  	v9 =	vld [tilespmem:s6+$0xFFFFFF80]  }
0x119: {  	v10 =	vld [tilespmem:s6+$0xFFFFFF90]  }
0x11a: {  	v11 =	vld [tilespmem:s6+$0xFFFFFFA0]  }
0x11b: {  	v12 =	vld [tilespmem:s6+$0xFFFFFFB0]  }
0x11c: {  	v14 =	vld [tilespmem:s6+$0xFFFFFFC0];
	v7 =	vand.u32 $0x1FFFF, v1  }
0x11d: {  	v16 =	vld [tilespmem:s6+$0xFFFFFFD0];
	v13 =	vand.u32 $0x1FFFF, v2  }
0x11e: {  	v18 =	vld [tilespmem:s6+$0xFFFFFFE0];
	v15 =	vand.u32 $0x1FFFF, v3  }
0x11f: {  	v20 =	vld [tilespmem:s6+$0xFFFFFFF0];
	v17 =	vand.u32 $0x1FFFF, v4  }
0x120: {  	v22 =	vld [tilespmem:s6+$0xFFFFFF10];
	v19 =	vand.u32 $0x1FFFF, v5  }
0x121: {  	v21 =	vand.u32 $0x1FFFF, v6;
	v7 =	vld.idx.msk [tilespmem:v7+s1+$0x0], $0xffff  }
0x122: {  	v23 =	vand.u32 $0x1FFFF, v8;
	v13 =	vld.idx.msk [tilespmem:v13+s1+$0x0], $0xffff  }
0x123: {  	v24 =	vand.u32 $0x1FFFF, v9;
	v15 =	vld.idx.msk [tilespmem:v15+s1+$0x0], $0xffff  }
0x124: {  	v25 =	vand.u32 $0x1FFFF, v10;
	v17 =	vld.idx.msk [tilespmem:v17+s1+$0x0], $0xffff  }
0x125: {  	v26 =	vand.u32 $0x1FFFF, v11;
	v19 =	vld.idx.msk [tilespmem:v19+s1+$0x0], $0xffff  }
0x126: {  	vm0 =	vlt.u32 v1, $0x20000;
	v1 =	vand.u32 $0x1FFFF, v22;
	v21 =	vld.idx.msk [tilespmem:v21+s1+$0x0], $0xffff  }
0x127: {  	s4 =	simm.s32 $0x1D7F0;
	vm1 =	vlt.u32 v2, $0x20000;
	v2 =	vand.u32 $0x1FFFF, v12;
	v23 =	vld.idx.msk [tilespmem:v23+s1+$0x0], $0xffff;
	v7 =	vsel vm0, v7, v0  }
0x128: {  	v61 =	vld.idx.msk [tilespmem:v24+s1+$0x0], $0xffff;
	vm0 =	vlt.u32 v3, $0x20000;
	v3 =	vand.u32 $0x1FFFF, v14;
	[tilespmem:s4+$0x0] =	vst v7;
	v7 =	vsel vm1, v13, v0  }
0x129: {  	v62 =	vld.idx.msk [tilespmem:v25+s1+$0x0], $0xffff;
	vm1 =	vlt.u32 v4, $0x20000;
	v4 =	vand.u32 $0x1FFFF, v16;
	[tilespmem:s4+$0xFFFFFF20] =	vst v7;
	v7 =	vsel vm0, v15, v0  }
0x12a: {  	v63 =	vld.idx.msk [tilespmem:v26+s1+$0x0], $0xffff;
	vm0 =	vlt.u32 v5, $0x20000;
	v5 =	vand.u32 $0x1FFFF, v18;
	[tilespmem:s4+$0xFFFFFF30] =	vst v7;
	v7 =	vsel vm1, v17, v0  }
0x12b: {  	v1 =	vld.idx.msk [tilespmem:v1+s1+$0x0], $0xffff;
	vm1 =	vlt.u32 v6, $0x20000;
	v6 =	vand.u32 $0x1FFFF, v20;
	[tilespmem:s4+$0xFFFFFF40] =	vst v7;
	v7 =	vsel vm0, v19, v0  }
0x12c: {  	vm2 =	vlt.u32 v9, $0x20000;
	v2 =	vld.idx.msk [tilespmem:v2+s1+$0x0], $0xffff;
	vm0 =	vlt.u32 v8, $0x20000;
	[tilespmem:s4+$0xFFFFFF50] =	vst v7;
	v7 =	vsel vm1, v21, v0  }
0x12d: {  	vm4 =	vlt.u32 v10, $0x20000;
	vm5 =	vlt.u32 v11, $0x20000;
	v3 =	vld.idx.msk [tilespmem:v3+s1+$0x0], $0xffff;
	[tilespmem:s4+$0xFFFFFF60] =	vst v7;
	v7 =	vsel vm0, v23, v0  }
0x12e: {  	vm3 =	vlt.u32 v16, $0x20000;
	vm14 =	vlt.u32 v22, $0x20000;
	v4 =	vld.idx.msk [tilespmem:v4+s1+$0x0], $0xffff;
	[tilespmem:s4+$0xFFFFFF70] =	vst v7;
	v7 =	vsel vm2, v61, v0  }
0x12f: {  	vm1 =	vlt.u32 v14, $0x20000;
	vm0 =	vlt.u32 v12, $0x20000;
	v5 =	vld.idx.msk [tilespmem:v5+s1+$0x0], $0xffff;
	[tilespmem:s4+$0xFFFFFF80] =	vst v7;
	v7 =	vsel vm4, v62, v0  }
0x130: {  	s5 =	simm.s32 $0x0;
	s6 =	simm.s32 $0x1B8F0;
	vm2 =	vlt.u32 v18, $0x20000;
	vm4 =	vlt.u32 v20, $0x20000;
	v6 =	vld.idx.msk [tilespmem:v6+s1+$0x0], $0xffff;
	[tilespmem:s4+$0xFFFFFF90] =	vst v7;
	v7 =	vsel vm5, v63, v0  }
.LBB2_8:
0x131: {  	v8 =	vld [tilespmem:s6+$0x0];
	s5 =	sadd.s32 $0x10, s5;
	v1 =	vsel vm14, v1, v0;
	[tilespmem:s4+$0xFFFFFFA0] =	vst v7  }
0x132: {  	v7 =	vld [tilespmem:s6+$0xFFFFFF20];
	p0 =	slt.u32 s5, $0xF0;
	[tilespmem:s4+$0xFFFFFF10] =	vst v1;
	v1 =	vsel vm0, v2, v0  }
0x133: {  	v2 =	vld [tilespmem:s6+$0xFFFFFF30];
	[tilespmem:s4+$0xFFFFFFB0] =	vst v1;
	v1 =	vsel vm1, v3, v0  }
0x134: {  	v3 =	vld [tilespmem:s6+$0xFFFFFF40];
	[tilespmem:s4+$0xFFFFFFC0] =	vst v1;
	v1 =	vsel vm3, v4, v0  }
0x135: {  	v4 =	vld [tilespmem:s6+$0xFFFFFF50];
	[tilespmem:s4+$0xFFFFFFD0] =	vst v1;
	v1 =	vsel vm2, v5, v0  }
0x136: {  	v5 =	vld [tilespmem:s6+$0xFFFFFF60];
	v9 =	vand.u32 $0x1FFFF, v8;
	[tilespmem:s4+$0xFFFFFFE0] =	vst v1;
	v1 =	vsel vm4, v6, v0  }
0x137: {  	v6 =	vand.u32 $0x1FFFF, v7;
	vm5 =	vlt.u32 v7, $0x20000;
	v7 =	vld [tilespmem:s6+$0xFFFFFF70];
	[tilespmem:s4+$0xFFFFFFF0] =	vst v1  }
0x138: {  	v1 =	vand.u32 $0x1FFFF, v2;
	vm7 =	vlt.u32 v2, $0x20000;
	v2 =	vld [tilespmem:s6+$0xFFFFFF80]  }
0x139: {  	v10 =	vand.u32 $0x1FFFF, v3;
	vm8 =	vlt.u32 v3, $0x20000;
	v3 =	vld [tilespmem:s6+$0xFFFFFF90]  }
0x13a: {  	v11 =	vand.u32 $0x1FFFF, v4;
	vm6 =	vlt.u32 v4, $0x20000;
	v4 =	vld [tilespmem:s6+$0xFFFFFFA0]  }
0x13b: {  	v12 =	vand.u32 $0x1FFFF, v5;
	vm9 =	vlt.u32 v5, $0x20000;
	v5 =	vld.idx.msk [tilespmem:v9+s1+$0x0], $0xffff  }
0x13c: {  	v9 =	vand.u32 $0x1FFFF, v7;
	vm10 =	vlt.u32 v7, $0x20000;
	v7 =	vld [tilespmem:s6+$0xFFFFFFB0]  }
0x13d: {  	v13 =	vand.u32 $0x1FFFF, v2;
	vm11 =	vlt.u32 v2, $0x20000;
	v2 =	vld [tilespmem:s6+$0xFFFFFFC0]  }
0x13e: {  	v14 =	vand.u32 $0x1FFFF, v3;
	vm12 =	vlt.u32 v3, $0x20000;
	v3 =	vld [tilespmem:s6+$0xFFFFFFD0]  }
0x13f: {  	v15 =	vand.u32 $0x1FFFF, v4;
	vm13 =	vlt.u32 v4, $0x20000;
	v4 =	vld [tilespmem:s6+$0xFFFFFFE0]  }
0x140: {  	vm1 =	vlt.u32 v8, $0x20000;
	v16 =	vld [tilespmem:s6+$0xFFFFFFF0]  }
0x141: {  	s4 =	sadd.s32 $0x100, s4;
	v5 =	vsel vm1, v5, v0;
	v8 =	vld [tilespmem:s6+$0xFFFFFF10];
	v17 =	vand.u32 $0x1FFFF, v7;
	vm0 =	vlt.u32 v7, $0x20000  }
0x142: {  	v6 =	vld.idx.msk [tilespmem:v6+s1+$0x0], $0xffff;
	v7 =	vand.u32 $0x1FFFF, v2;
	vm1 =	vlt.u32 v2, $0x20000;
	[tilespmem:s4+$0x0] =	vst v5  }
0x143: {  	v1 =	vld.idx.msk [tilespmem:v1+s1+$0x0], $0xffff;
	v5 =	vand.u32 $0x1FFFF, v3;
	vm3 =	vlt.u32 v3, $0x20000  }
0x144: {  	v2 =	vld.idx.msk [tilespmem:v10+s1+$0x0], $0xffff;
	v10 =	vand.u32 $0x1FFFF, v4;
	vm2 =	vlt.u32 v4, $0x20000  }
0x145: {  	v3 =	vld.idx.msk [tilespmem:v11+s1+$0x0], $0xffff;
	v11 =	vand.u32 $0x1FFFF, v16;
	vm4 =	vlt.u32 v16, $0x20000  }
0x146: {  	v4 =	vand.u32 $0x1FFFF, v8;
	vm14 =	vlt.u32 v8, $0x20000;
	v8 =	vld.idx.msk [tilespmem:v12+s1+$0x0], $0xffff  }
0x147: {  	v9 =	vld.idx.msk [tilespmem:v9+s1+$0x0], $0xffff  }
0x148: {  	v6 =	vsel vm5, v6, v0;
	v12 =	vld.idx.msk [tilespmem:v13+s1+$0x0], $0xffff  }
0x149: {  	v1 =	vsel vm7, v1, v0;
	[tilespmem:s4+$0xFFFFFF20] =	vst v6;
	v6 =	vld.idx.msk [tilespmem:v14+s1+$0x0], $0xffff  }
0x14a: {  	v2 =	vsel vm8, v2, v0;
	[tilespmem:s4+$0xFFFFFF30] =	vst v1;
	v13 =	vld.idx.msk [tilespmem:v15+s1+$0x0], $0xffff  }
0x14b: {  	v1 =	vld.idx.msk [tilespmem:v4+s1+$0x0], $0xffff;
	[tilespmem:s4+$0xFFFFFF40] =	vst v2;
	v2 =	vsel vm6, v3, v0  }
.Ltmp3:
0x14c: {  	v3 =	vsel vm9, v8, v0;
	[tilespmem:s4+$0xFFFFFF50] =	vst v2;
	v2 =	vld.idx.msk [tilespmem:v17+s1+$0x0], $0xffff;
	(pc) =	sbr.rel @p0 .LBB2_8-.Ltmp3, $4  }
0x14d: {  	v4 =	vsel vm10, v9, v0;
	[tilespmem:s4+$0xFFFFFF60] =	vst v3;
	v3 =	vld.idx.msk [tilespmem:v7+s1+$0x0], $0xffff  }
0x14e: {  	v7 =	vsel vm11, v12, v0;
	[tilespmem:s4+$0xFFFFFF70] =	vst v4;
	v4 =	vld.idx.msk [tilespmem:v5+s1+$0x0], $0xffff  }
0x14f: {  	v6 =	vsel vm12, v6, v0;
	[tilespmem:s4+$0xFFFFFF80] =	vst v7;
	v5 =	vld.idx.msk [tilespmem:v10+s1+$0x0], $0xffff  }
0x150: {  	s6 =	sadd.s32 $0x100, s6;
	v7 =	vsel vm13, v13, v0;
	[tilespmem:s4+$0xFFFFFF90] =	vst v6;
	v6 =	vld.idx.msk [tilespmem:v11+s1+$0x0], $0xffff  }
0x151: {  	v1 =	vsel vm14, v1, v0;
	[tilespmem:s4+$0xFFFFFFA0] =	vst v7  }
0x152: {  	[tilespmem:s4+$0xFFFFFF10] =	vst v1;
	v1 =	vsel vm0, v2, v0  }
0x153: {  	[tilespmem:s4+$0xFFFFFFB0] =	vst v1;
	v1 =	vsel vm1, v3, v0  }
0x154: {  	[tilespmem:s4+$0xFFFFFFC0] =	vst v1;
	v1 =	vsel vm3, v4, v0  }
0x155: {  	[tilespmem:s4+$0xFFFFFFD0] =	vst v1;
	v1 =	vsel vm2, v5, v0  }
0x156: {  	v0 =	vsel vm4, v6, v0;
	[tilespmem:s4+$0xFFFFFFE0] =	vst v1  }
0x157: {  	[tilespmem:s4+$0xFFFFFFF0] =	vst v0  }
0x158: {  	[hbm4b:s7+s29] =	stream.strided.scatter [tilespmem:s0], [sflag:$0x2], $0x1000, s30, s29, $0x38;
	[tilespmem:$0x1E800] =	vst v63  }
0x159: {  	_ = 	snop  }
0x15a: {  	[tilespmem:s1], [sflag:$0x1] =	stream.strided.gather [hbm4b:s8+s29], $0x18700, s30, s29, $0x38;
	[tilespmem:$0x1E800] =	vst v63  }
0x15b: {  	_ =	swait.ge [sflag:s19], $0x1000  }
0x15c: {  	[sflag:s19] =	ssyncset.done $0x0  }
0x15d: {  	[sflag:s19] =	ssyncadd.s32 $0xFFFFF000  }
0x15e: {  	_ =	swait.ge [sflag:s19], $0x1000  }
0x15f: {  	[sflag:s19] =	ssyncset.done $0x0  }
0x160: {  	[sflag:s19] =	ssyncadd.s32 $0xFFFFF000  }
0x161: {  	_ =	swait.ge [sflag:s22], $0x18700  }
0x162: {  	[sflag:s22] =	ssyncset.done $0x0  }
0x163: {  	[sflag:s22] =	ssyncadd.s32 $0xFFFE7900  }
0x164: {  	s6 =	simm.s32 $0x18780;
	v0 =	vld.msk [tilespmem:s2+$0x1E701 ss:$0x0], $0xffff  }
0x165: {  	v1 =	vld [tilespmem:s6+$0x70]  }
0x166: {  	v2 =	vld [tilespmem:s6+$0xFFFFFF90]  }
0x167: {  	v3 =	vld [tilespmem:s6+$0xFFFFFFA0]  }
0x168: {  	v4 =	vld [tilespmem:s6+$0xFFFFFFB0]  }
0x169: {  	v5 =	vld [tilespmem:s6+$0xFFFFFFC0]  }
0x16a: {  	v6 =	vld [tilespmem:s6+$0xFFFFFFD0]  }
0x16b: {  	v8 =	vld [tilespmem:s6+$0xFFFFFFE0]  }
0x16c: {  	v9 =	vld [tilespmem:s6+$0xFFFFFFF0]  }
0x16d: {  	v10 =	vld [tilespmem:s6+$0x0]  }
0x16e: {  	v11 =	vld [tilespmem:s6+$0x10]  }
0x16f: {  	v12 =	vld [tilespmem:s6+$0x20]  }
0x170: {  	v14 =	vld [tilespmem:s6+$0x30];
	v7 =	vand.u32 $0x1FFFF, v1  }
0x171: {  	v16 =	vld [tilespmem:s6+$0x40];
	v13 =	vand.u32 $0x1FFFF, v2  }
0x172: {  	v18 =	vld [tilespmem:s6+$0x50];
	v15 =	vand.u32 $0x1FFFF, v3  }
0x173: {  	v20 =	vld [tilespmem:s6+$0x60];
	v17 =	vand.u32 $0x1FFFF, v4  }
0x174: {  	v22 =	vld [tilespmem:s6+$0xFFFFFF80];
	v19 =	vand.u32 $0x1FFFF, v5  }
0x175: {  	v21 =	vand.u32 $0x1FFFF, v6;
	v7 =	vld.idx.msk [tilespmem:v7+s1+$0x0], $0xffff  }
0x176: {  	v23 =	vand.u32 $0x1FFFF, v8;
	v13 =	vld.idx.msk [tilespmem:v13+s1+$0x0], $0xffff  }
0x177: {  	v24 =	vand.u32 $0x1FFFF, v9;
	v15 =	vld.idx.msk [tilespmem:v15+s1+$0x0], $0xffff  }
0x178: {  	v25 =	vand.u32 $0x1FFFF, v10;
	v17 =	vld.idx.msk [tilespmem:v17+s1+$0x0], $0xffff  }
0x179: {  	v26 =	vand.u32 $0x1FFFF, v11;
	v19 =	vld.idx.msk [tilespmem:v19+s1+$0x0], $0xffff  }
0x17a: {  	vm0 =	vlt.u32 v1, $0x20000;
	v1 =	vand.u32 $0x1FFFF, v22;
	v21 =	vld.idx.msk [tilespmem:v21+s1+$0x0], $0xffff  }
0x17b: {  	s4 =	simm.s32 $0x1C780;
	vm1 =	vlt.u32 v2, $0x20000;
	v2 =	vand.u32 $0x1FFFF, v12;
	v23 =	vld.idx.msk [tilespmem:v23+s1+$0x0], $0xffff;
	v7 =	vsel vm0, v7, v0  }
0x17c: {  	v61 =	vld.idx.msk [tilespmem:v24+s1+$0x0], $0xffff;
	vm0 =	vlt.u32 v3, $0x20000;
	v3 =	vand.u32 $0x1FFFF, v14;
	[tilespmem:s4+$0x70] =	vst v7;
	v7 =	vsel vm1, v13, v0  }
0x17d: {  	v62 =	vld.idx.msk [tilespmem:v25+s1+$0x0], $0xffff;
	vm1 =	vlt.u32 v4, $0x20000;
	v4 =	vand.u32 $0x1FFFF, v16;
	[tilespmem:s4+$0xFFFFFF90] =	vst v7;
	v7 =	vsel vm0, v15, v0  }
0x17e: {  	v63 =	vld.idx.msk [tilespmem:v26+s1+$0x0], $0xffff;
	vm0 =	vlt.u32 v5, $0x20000;
	v5 =	vand.u32 $0x1FFFF, v18;
	[tilespmem:s4+$0xFFFFFFA0] =	vst v7;
	v7 =	vsel vm1, v17, v0  }
0x17f: {  	v1 =	vld.idx.msk [tilespmem:v1+s1+$0x0], $0xffff;
	vm1 =	vlt.u32 v6, $0x20000;
	v6 =	vand.u32 $0x1FFFF, v20;
	[tilespmem:s4+$0xFFFFFFB0] =	vst v7;
	v7 =	vsel vm0, v19, v0  }
0x180: {  	vm2 =	vlt.u32 v9, $0x20000;
	v2 =	vld.idx.msk [tilespmem:v2+s1+$0x0], $0xffff;
	vm0 =	vlt.u32 v8, $0x20000;
	[tilespmem:s4+$0xFFFFFFC0] =	vst v7;
	v7 =	vsel vm1, v21, v0  }
0x181: {  	vm4 =	vlt.u32 v10, $0x20000;
	vm5 =	vlt.u32 v11, $0x20000;
	v3 =	vld.idx.msk [tilespmem:v3+s1+$0x0], $0xffff;
	[tilespmem:s4+$0xFFFFFFD0] =	vst v7;
	v7 =	vsel vm0, v23, v0  }
0x182: {  	vm3 =	vlt.u32 v16, $0x20000;
	vm14 =	vlt.u32 v22, $0x20000;
	v4 =	vld.idx.msk [tilespmem:v4+s1+$0x0], $0xffff;
	[tilespmem:s4+$0xFFFFFFE0] =	vst v7;
	v7 =	vsel vm2, v61, v0  }
0x183: {  	vm1 =	vlt.u32 v14, $0x20000;
	vm0 =	vlt.u32 v12, $0x20000;
	v5 =	vld.idx.msk [tilespmem:v5+s1+$0x0], $0xffff;
	[tilespmem:s4+$0xFFFFFFF0] =	vst v7;
	v7 =	vsel vm4, v62, v0  }
0x184: {  	s5 =	simm.s32 $0x0;
	s6 =	simm.s32 $0x18880;
	vm2 =	vlt.u32 v18, $0x20000;
	vm4 =	vlt.u32 v20, $0x20000;
	v6 =	vld.idx.msk [tilespmem:v6+s1+$0x0], $0xffff;
	[tilespmem:s4+$0x0] =	vst v7;
	v7 =	vsel vm5, v63, v0  }
.LBB2_10:
0x185: {  	v8 =	vld [tilespmem:s6+$0x70];
	s5 =	sadd.s32 $0x10, s5;
	v1 =	vsel vm14, v1, v0;
	[tilespmem:s4+$0x10] =	vst v7  }
0x186: {  	v7 =	vld [tilespmem:s6+$0xFFFFFF90];
	p0 =	slt.u32 s5, $0xF0;
	[tilespmem:s4+$0xFFFFFF80] =	vst v1;
	v1 =	vsel vm0, v2, v0  }
0x187: {  	v2 =	vld [tilespmem:s6+$0xFFFFFFA0];
	[tilespmem:s4+$0x20] =	vst v1;
	v1 =	vsel vm1, v3, v0  }
0x188: {  	v3 =	vld [tilespmem:s6+$0xFFFFFFB0];
	[tilespmem:s4+$0x30] =	vst v1;
	v1 =	vsel vm3, v4, v0  }
0x189: {  	v4 =	vld [tilespmem:s6+$0xFFFFFFC0];
	[tilespmem:s4+$0x40] =	vst v1;
	v1 =	vsel vm2, v5, v0  }
0x18a: {  	v5 =	vld [tilespmem:s6+$0xFFFFFFD0];
	v9 =	vand.u32 $0x1FFFF, v8;
	[tilespmem:s4+$0x50] =	vst v1;
	v1 =	vsel vm4, v6, v0  }
0x18b: {  	v6 =	vand.u32 $0x1FFFF, v7;
	vm5 =	vlt.u32 v7, $0x20000;
	v7 =	vld [tilespmem:s6+$0xFFFFFFE0];
	[tilespmem:s4+$0x60] =	vst v1  }
0x18c: {  	v1 =	vand.u32 $0x1FFFF, v2;
	vm7 =	vlt.u32 v2, $0x20000;
	v2 =	vld [tilespmem:s6+$0xFFFFFFF0]  }
0x18d: {  	v10 =	vand.u32 $0x1FFFF, v3;
	vm8 =	vlt.u32 v3, $0x20000;
	v3 =	vld [tilespmem:s6+$0x0]  }
0x18e: {  	v11 =	vand.u32 $0x1FFFF, v4;
	vm6 =	vlt.u32 v4, $0x20000;
	v4 =	vld [tilespmem:s6+$0x10]  }
0x18f: {  	v12 =	vand.u32 $0x1FFFF, v5;
	vm9 =	vlt.u32 v5, $0x20000;
	v5 =	vld.idx.msk [tilespmem:v9+s1+$0x0], $0xffff  }
0x190: {  	v9 =	vand.u32 $0x1FFFF, v7;
	vm10 =	vlt.u32 v7, $0x20000;
	v7 =	vld [tilespmem:s6+$0x20]  }
0x191: {  	v13 =	vand.u32 $0x1FFFF, v2;
	vm11 =	vlt.u32 v2, $0x20000;
	v2 =	vld [tilespmem:s6+$0x30]  }
0x192: {  	v14 =	vand.u32 $0x1FFFF, v3;
	vm12 =	vlt.u32 v3, $0x20000;
	v3 =	vld [tilespmem:s6+$0x40]  }
0x193: {  	v15 =	vand.u32 $0x1FFFF, v4;
	vm13 =	vlt.u32 v4, $0x20000;
	v4 =	vld [tilespmem:s6+$0x50]  }
0x194: {  	vm1 =	vlt.u32 v8, $0x20000;
	v16 =	vld [tilespmem:s6+$0x60]  }
0x195: {  	s4 =	sadd.s32 $0x100, s4;
	v5 =	vsel vm1, v5, v0;
	v8 =	vld [tilespmem:s6+$0xFFFFFF80];
	v17 =	vand.u32 $0x1FFFF, v7;
	vm0 =	vlt.u32 v7, $0x20000  }
0x196: {  	v6 =	vld.idx.msk [tilespmem:v6+s1+$0x0], $0xffff;
	v7 =	vand.u32 $0x1FFFF, v2;
	vm1 =	vlt.u32 v2, $0x20000;
	[tilespmem:s4+$0x70] =	vst v5  }
0x197: {  	v1 =	vld.idx.msk [tilespmem:v1+s1+$0x0], $0xffff;
	v5 =	vand.u32 $0x1FFFF, v3;
	vm3 =	vlt.u32 v3, $0x20000  }
0x198: {  	v2 =	vld.idx.msk [tilespmem:v10+s1+$0x0], $0xffff;
	v10 =	vand.u32 $0x1FFFF, v4;
	vm2 =	vlt.u32 v4, $0x20000  }
0x199: {  	v3 =	vld.idx.msk [tilespmem:v11+s1+$0x0], $0xffff;
	v11 =	vand.u32 $0x1FFFF, v16;
	vm4 =	vlt.u32 v16, $0x20000  }
0x19a: {  	v4 =	vand.u32 $0x1FFFF, v8;
	vm14 =	vlt.u32 v8, $0x20000;
	v8 =	vld.idx.msk [tilespmem:v12+s1+$0x0], $0xffff  }
0x19b: {  	v9 =	vld.idx.msk [tilespmem:v9+s1+$0x0], $0xffff  }
0x19c: {  	v6 =	vsel vm5, v6, v0;
	v12 =	vld.idx.msk [tilespmem:v13+s1+$0x0], $0xffff  }
0x19d: {  	v1 =	vsel vm7, v1, v0;
	[tilespmem:s4+$0xFFFFFF90] =	vst v6;
	v6 =	vld.idx.msk [tilespmem:v14+s1+$0x0], $0xffff  }
0x19e: {  	v2 =	vsel vm8, v2, v0;
	[tilespmem:s4+$0xFFFFFFA0] =	vst v1;
	v13 =	vld.idx.msk [tilespmem:v15+s1+$0x0], $0xffff  }
0x19f: {  	v1 =	vld.idx.msk [tilespmem:v4+s1+$0x0], $0xffff;
	[tilespmem:s4+$0xFFFFFFB0] =	vst v2;
	v2 =	vsel vm6, v3, v0  }
.Ltmp4:
0x1a0: {  	v3 =	vsel vm9, v8, v0;
	[tilespmem:s4+$0xFFFFFFC0] =	vst v2;
	v2 =	vld.idx.msk [tilespmem:v17+s1+$0x0], $0xffff;
	(pc) =	sbr.rel @p0 .LBB2_10-.Ltmp4, $4  }
0x1a1: {  	v4 =	vsel vm10, v9, v0;
	[tilespmem:s4+$0xFFFFFFD0] =	vst v3;
	v3 =	vld.idx.msk [tilespmem:v7+s1+$0x0], $0xffff  }
0x1a2: {  	v7 =	vsel vm11, v12, v0;
	[tilespmem:s4+$0xFFFFFFE0] =	vst v4;
	v4 =	vld.idx.msk [tilespmem:v5+s1+$0x0], $0xffff  }
0x1a3: {  	v6 =	vsel vm12, v6, v0;
	[tilespmem:s4+$0xFFFFFFF0] =	vst v7;
	v5 =	vld.idx.msk [tilespmem:v10+s1+$0x0], $0xffff  }
0x1a4: {  	s6 =	sadd.s32 $0x100, s6;
	v7 =	vsel vm13, v13, v0;
	[tilespmem:s4+$0x0] =	vst v6;
	v6 =	vld.idx.msk [tilespmem:v11+s1+$0x0], $0xffff  }
0x1a5: {  	v1 =	vsel vm14, v1, v0;
	[tilespmem:s4+$0x10] =	vst v7  }
0x1a6: {  	[tilespmem:s4+$0xFFFFFF80] =	vst v1;
	v1 =	vsel vm0, v2, v0  }
0x1a7: {  	[tilespmem:s4+$0x20] =	vst v1;
	v1 =	vsel vm1, v3, v0  }
0x1a8: {  	[tilespmem:s4+$0x30] =	vst v1;
	v1 =	vsel vm3, v4, v0  }
0x1a9: {  	[tilespmem:s4+$0x40] =	vst v1;
	v1 =	vsel vm2, v5, v0  }
0x1aa: {  	[tilespmem:s4+$0x50] =	vst v1;
	v1 =	vsel vm4, v6, v0  }
0x1ab: {  	s6 =	simm.s32 $0x197F0;
	[tilespmem:s4+$0x60] =	vst v1  }
0x1ac: {  	[hbm4b:s9+s29] =	stream.strided.scatter [tilespmem:s31], [sflag:$0x2], $0x1000, s30, s29, $0x38;
	[tilespmem:$0x1E800] =	vst v63  }
0x1ad: {  	v1 =	vld [tilespmem:s6+$0x0]  }
0x1ae: {  	v2 =	vld [tilespmem:s6+$0xFFFFFF20]  }
0x1af: {  	v3 =	vld [tilespmem:s6+$0xFFFFFF30]  }
0x1b0: {  	v4 =	vld [tilespmem:s6+$0xFFFFFF40]  }
0x1b1: {  	v5 =	vld [tilespmem:s6+$0xFFFFFF50]  }
0x1b2: {  	v6 =	vld [tilespmem:s6+$0xFFFFFF60]  }
0x1b3: {  	v8 =	vld [tilespmem:s6+$0xFFFFFF70]  }
0x1b4: {  	v9 =	vld [tilespmem:s6+$0xFFFFFF80]  }
0x1b5: {  	v10 =	vld [tilespmem:s6+$0xFFFFFF90]  }
0x1b6: {  	v11 =	vld [tilespmem:s6+$0xFFFFFFA0]  }
0x1b7: {  	v12 =	vld [tilespmem:s6+$0xFFFFFFB0]  }
0x1b8: {  	v14 =	vld [tilespmem:s6+$0xFFFFFFC0];
	v7 =	vand.u32 $0x1FFFF, v1  }
0x1b9: {  	v16 =	vld [tilespmem:s6+$0xFFFFFFD0];
	v13 =	vand.u32 $0x1FFFF, v2  }
0x1ba: {  	v18 =	vld [tilespmem:s6+$0xFFFFFFE0];
	v15 =	vand.u32 $0x1FFFF, v3  }
0x1bb: {  	v20 =	vld [tilespmem:s6+$0xFFFFFFF0];
	v17 =	vand.u32 $0x1FFFF, v4  }
0x1bc: {  	v22 =	vld [tilespmem:s6+$0xFFFFFF10];
	v19 =	vand.u32 $0x1FFFF, v5  }
0x1bd: {  	v21 =	vand.u32 $0x1FFFF, v6;
	v7 =	vld.idx.msk [tilespmem:v7+s1+$0x0], $0xffff  }
0x1be: {  	v23 =	vand.u32 $0x1FFFF, v8;
	v13 =	vld.idx.msk [tilespmem:v13+s1+$0x0], $0xffff  }
0x1bf: {  	v24 =	vand.u32 $0x1FFFF, v9;
	v15 =	vld.idx.msk [tilespmem:v15+s1+$0x0], $0xffff  }
0x1c0: {  	v25 =	vand.u32 $0x1FFFF, v10;
	v17 =	vld.idx.msk [tilespmem:v17+s1+$0x0], $0xffff  }
0x1c1: {  	v26 =	vand.u32 $0x1FFFF, v11;
	v19 =	vld.idx.msk [tilespmem:v19+s1+$0x0], $0xffff  }
0x1c2: {  	vm0 =	vlt.u32 v1, $0x20000;
	v1 =	vand.u32 $0x1FFFF, v22;
	v21 =	vld.idx.msk [tilespmem:v21+s1+$0x0], $0xffff  }
0x1c3: {  	s4 =	simm.s32 $0x1D7F0;
	vm1 =	vlt.u32 v2, $0x20000;
	v2 =	vand.u32 $0x1FFFF, v12;
	v23 =	vld.idx.msk [tilespmem:v23+s1+$0x0], $0xffff;
	v7 =	vsel vm0, v7, v0  }
0x1c4: {  	v61 =	vld.idx.msk [tilespmem:v24+s1+$0x0], $0xffff;
	vm0 =	vlt.u32 v3, $0x20000;
	v3 =	vand.u32 $0x1FFFF, v14;
	[tilespmem:s4+$0x0] =	vst v7;
	v7 =	vsel vm1, v13, v0  }
0x1c5: {  	v62 =	vld.idx.msk [tilespmem:v25+s1+$0x0], $0xffff;
	vm1 =	vlt.u32 v4, $0x20000;
	v4 =	vand.u32 $0x1FFFF, v16;
	[tilespmem:s4+$0xFFFFFF20] =	vst v7;
	v7 =	vsel vm0, v15, v0  }
0x1c6: {  	v63 =	vld.idx.msk [tilespmem:v26+s1+$0x0], $0xffff;
	vm0 =	vlt.u32 v5, $0x20000;
	v5 =	vand.u32 $0x1FFFF, v18;
	[tilespmem:s4+$0xFFFFFF30] =	vst v7;
	v7 =	vsel vm1, v17, v0  }
0x1c7: {  	v1 =	vld.idx.msk [tilespmem:v1+s1+$0x0], $0xffff;
	vm1 =	vlt.u32 v6, $0x20000;
	v6 =	vand.u32 $0x1FFFF, v20;
	[tilespmem:s4+$0xFFFFFF40] =	vst v7;
	v7 =	vsel vm0, v19, v0  }
0x1c8: {  	vm2 =	vlt.u32 v9, $0x20000;
	v2 =	vld.idx.msk [tilespmem:v2+s1+$0x0], $0xffff;
	vm0 =	vlt.u32 v8, $0x20000;
	[tilespmem:s4+$0xFFFFFF50] =	vst v7;
	v7 =	vsel vm1, v21, v0  }
0x1c9: {  	vm4 =	vlt.u32 v10, $0x20000;
	vm5 =	vlt.u32 v11, $0x20000;
	v3 =	vld.idx.msk [tilespmem:v3+s1+$0x0], $0xffff;
	[tilespmem:s4+$0xFFFFFF60] =	vst v7;
	v7 =	vsel vm0, v23, v0  }
0x1ca: {  	vm3 =	vlt.u32 v16, $0x20000;
	vm14 =	vlt.u32 v22, $0x20000;
	v4 =	vld.idx.msk [tilespmem:v4+s1+$0x0], $0xffff;
	[tilespmem:s4+$0xFFFFFF70] =	vst v7;
	v7 =	vsel vm2, v61, v0  }
0x1cb: {  	vm1 =	vlt.u32 v14, $0x20000;
	vm0 =	vlt.u32 v12, $0x20000;
	v5 =	vld.idx.msk [tilespmem:v5+s1+$0x0], $0xffff;
	[tilespmem:s4+$0xFFFFFF80] =	vst v7;
	v7 =	vsel vm4, v62, v0  }
0x1cc: {  	s5 =	simm.s32 $0x0;
	s6 =	simm.s32 $0x198F0;
	vm2 =	vlt.u32 v18, $0x20000;
	vm4 =	vlt.u32 v20, $0x20000;
	v6 =	vld.idx.msk [tilespmem:v6+s1+$0x0], $0xffff;
	[tilespmem:s4+$0xFFFFFF90] =	vst v7;
	v7 =	vsel vm5, v63, v0  }
.LBB2_12:
0x1cd: {  	v8 =	vld [tilespmem:s6+$0x0];
	s5 =	sadd.s32 $0x10, s5;
	v1 =	vsel vm14, v1, v0;
	[tilespmem:s4+$0xFFFFFFA0] =	vst v7  }
0x1ce: {  	v7 =	vld [tilespmem:s6+$0xFFFFFF20];
	p0 =	slt.u32 s5, $0xF0;
	[tilespmem:s4+$0xFFFFFF10] =	vst v1;
	v1 =	vsel vm0, v2, v0  }
0x1cf: {  	v2 =	vld [tilespmem:s6+$0xFFFFFF30];
	[tilespmem:s4+$0xFFFFFFB0] =	vst v1;
	v1 =	vsel vm1, v3, v0  }
0x1d0: {  	v3 =	vld [tilespmem:s6+$0xFFFFFF40];
	[tilespmem:s4+$0xFFFFFFC0] =	vst v1;
	v1 =	vsel vm3, v4, v0  }
0x1d1: {  	v4 =	vld [tilespmem:s6+$0xFFFFFF50];
	[tilespmem:s4+$0xFFFFFFD0] =	vst v1;
	v1 =	vsel vm2, v5, v0  }
0x1d2: {  	v5 =	vld [tilespmem:s6+$0xFFFFFF60];
	v9 =	vand.u32 $0x1FFFF, v8;
	[tilespmem:s4+$0xFFFFFFE0] =	vst v1;
	v1 =	vsel vm4, v6, v0  }
0x1d3: {  	v6 =	vand.u32 $0x1FFFF, v7;
	vm5 =	vlt.u32 v7, $0x20000;
	v7 =	vld [tilespmem:s6+$0xFFFFFF70];
	[tilespmem:s4+$0xFFFFFFF0] =	vst v1  }
0x1d4: {  	v1 =	vand.u32 $0x1FFFF, v2;
	vm7 =	vlt.u32 v2, $0x20000;
	v2 =	vld [tilespmem:s6+$0xFFFFFF80]  }
0x1d5: {  	v10 =	vand.u32 $0x1FFFF, v3;
	vm8 =	vlt.u32 v3, $0x20000;
	v3 =	vld [tilespmem:s6+$0xFFFFFF90]  }
0x1d6: {  	v11 =	vand.u32 $0x1FFFF, v4;
	vm6 =	vlt.u32 v4, $0x20000;
	v4 =	vld [tilespmem:s6+$0xFFFFFFA0]  }
0x1d7: {  	v12 =	vand.u32 $0x1FFFF, v5;
	vm9 =	vlt.u32 v5, $0x20000;
	v5 =	vld.idx.msk [tilespmem:v9+s1+$0x0], $0xffff  }
0x1d8: {  	v9 =	vand.u32 $0x1FFFF, v7;
	vm10 =	vlt.u32 v7, $0x20000;
	v7 =	vld [tilespmem:s6+$0xFFFFFFB0]  }
0x1d9: {  	v13 =	vand.u32 $0x1FFFF, v2;
	vm11 =	vlt.u32 v2, $0x20000;
	v2 =	vld [tilespmem:s6+$0xFFFFFFC0]  }
0x1da: {  	v14 =	vand.u32 $0x1FFFF, v3;
	vm12 =	vlt.u32 v3, $0x20000;
	v3 =	vld [tilespmem:s6+$0xFFFFFFD0]  }
0x1db: {  	v15 =	vand.u32 $0x1FFFF, v4;
	vm13 =	vlt.u32 v4, $0x20000;
	v4 =	vld [tilespmem:s6+$0xFFFFFFE0]  }
0x1dc: {  	vm1 =	vlt.u32 v8, $0x20000;
	v16 =	vld [tilespmem:s6+$0xFFFFFFF0]  }
0x1dd: {  	s4 =	sadd.s32 $0x100, s4;
	v5 =	vsel vm1, v5, v0;
	v8 =	vld [tilespmem:s6+$0xFFFFFF10];
	v17 =	vand.u32 $0x1FFFF, v7;
	vm0 =	vlt.u32 v7, $0x20000  }
0x1de: {  	v6 =	vld.idx.msk [tilespmem:v6+s1+$0x0], $0xffff;
	v7 =	vand.u32 $0x1FFFF, v2;
	vm1 =	vlt.u32 v2, $0x20000;
	[tilespmem:s4+$0x0] =	vst v5  }
0x1df: {  	v1 =	vld.idx.msk [tilespmem:v1+s1+$0x0], $0xffff;
	v5 =	vand.u32 $0x1FFFF, v3;
	vm3 =	vlt.u32 v3, $0x20000  }
0x1e0: {  	v2 =	vld.idx.msk [tilespmem:v10+s1+$0x0], $0xffff;
	v10 =	vand.u32 $0x1FFFF, v4;
	vm2 =	vlt.u32 v4, $0x20000  }
0x1e1: {  	v3 =	vld.idx.msk [tilespmem:v11+s1+$0x0], $0xffff;
	v11 =	vand.u32 $0x1FFFF, v16;
	vm4 =	vlt.u32 v16, $0x20000  }
0x1e2: {  	v4 =	vand.u32 $0x1FFFF, v8;
	vm14 =	vlt.u32 v8, $0x20000;
	v8 =	vld.idx.msk [tilespmem:v12+s1+$0x0], $0xffff  }
0x1e3: {  	v9 =	vld.idx.msk [tilespmem:v9+s1+$0x0], $0xffff  }
0x1e4: {  	v6 =	vsel vm5, v6, v0;
	v12 =	vld.idx.msk [tilespmem:v13+s1+$0x0], $0xffff  }
0x1e5: {  	v1 =	vsel vm7, v1, v0;
	[tilespmem:s4+$0xFFFFFF20] =	vst v6;
	v6 =	vld.idx.msk [tilespmem:v14+s1+$0x0], $0xffff  }
0x1e6: {  	v2 =	vsel vm8, v2, v0;
	[tilespmem:s4+$0xFFFFFF30] =	vst v1;
	v13 =	vld.idx.msk [tilespmem:v15+s1+$0x0], $0xffff  }
0x1e7: {  	v1 =	vld.idx.msk [tilespmem:v4+s1+$0x0], $0xffff;
	[tilespmem:s4+$0xFFFFFF40] =	vst v2;
	v2 =	vsel vm6, v3, v0  }
.Ltmp5:
0x1e8: {  	v3 =	vsel vm9, v8, v0;
	[tilespmem:s4+$0xFFFFFF50] =	vst v2;
	v2 =	vld.idx.msk [tilespmem:v17+s1+$0x0], $0xffff;
	(pc) =	sbr.rel @p0 .LBB2_12-.Ltmp5, $4  }
0x1e9: {  	v4 =	vsel vm10, v9, v0;
	[tilespmem:s4+$0xFFFFFF60] =	vst v3;
	v3 =	vld.idx.msk [tilespmem:v7+s1+$0x0], $0xffff  }
0x1ea: {  	v7 =	vsel vm11, v12, v0;
	[tilespmem:s4+$0xFFFFFF70] =	vst v4;
	v4 =	vld.idx.msk [tilespmem:v5+s1+$0x0], $0xffff  }
0x1eb: {  	v6 =	vsel vm12, v6, v0;
	[tilespmem:s4+$0xFFFFFF80] =	vst v7;
	v5 =	vld.idx.msk [tilespmem:v10+s1+$0x0], $0xffff  }
0x1ec: {  	s6 =	sadd.s32 $0x100, s6;
	v7 =	vsel vm13, v13, v0;
	[tilespmem:s4+$0xFFFFFF90] =	vst v6;
	v6 =	vld.idx.msk [tilespmem:v11+s1+$0x0], $0xffff  }
0x1ed: {  	v1 =	vsel vm14, v1, v0;
	[tilespmem:s4+$0xFFFFFFA0] =	vst v7  }
0x1ee: {  	[tilespmem:s4+$0xFFFFFF10] =	vst v1;
	v1 =	vsel vm0, v2, v0  }
0x1ef: {  	[tilespmem:s4+$0xFFFFFFB0] =	vst v1;
	v1 =	vsel vm1, v3, v0  }
0x1f0: {  	[tilespmem:s4+$0xFFFFFFC0] =	vst v1;
	v1 =	vsel vm3, v4, v0  }
0x1f1: {  	[tilespmem:s4+$0xFFFFFFD0] =	vst v1;
	v1 =	vsel vm2, v5, v0  }
0x1f2: {  	[tilespmem:s4+$0xFFFFFFE0] =	vst v1;
	v1 =	vsel vm4, v6, v0  }
0x1f3: {  	[tilespmem:s4+$0xFFFFFFF0] =	vst v1  }
0x1f4: {  	[hbm4b:s10+s29] =	stream.strided.scatter [tilespmem:s0], [sflag:$0x2], $0x1000, s30, s29, $0x38;
	[tilespmem:$0x1E800] =	vst v63  }
0x1f5: {  	_ =	swait.ge [sflag:s19], $0x1000  }
0x1f6: {  	[sflag:s19] =	ssyncset.done $0x0  }
0x1f7: {  	s6 =	simm.s32 $0x1A7F0;
	[sflag:s19] =	ssyncadd.s32 $0xFFFFF000  }
0x1f8: {  	v1 =	vld [tilespmem:s6+$0x0]  }
0x1f9: {  	v2 =	vld [tilespmem:s6+$0xFFFFFF20]  }
0x1fa: {  	v3 =	vld [tilespmem:s6+$0xFFFFFF30]  }
0x1fb: {  	v4 =	vld [tilespmem:s6+$0xFFFFFF40]  }
0x1fc: {  	v5 =	vld [tilespmem:s6+$0xFFFFFF50]  }
0x1fd: {  	v6 =	vld [tilespmem:s6+$0xFFFFFF60]  }
0x1fe: {  	v8 =	vld [tilespmem:s6+$0xFFFFFF70]  }
0x1ff: {  	v9 =	vld [tilespmem:s6+$0xFFFFFF80]  }
0x200: {  	v10 =	vld [tilespmem:s6+$0xFFFFFF90]  }
0x201: {  	v11 =	vld [tilespmem:s6+$0xFFFFFFA0]  }
0x202: {  	v12 =	vld [tilespmem:s6+$0xFFFFFFB0]  }
0x203: {  	v14 =	vld [tilespmem:s6+$0xFFFFFFC0];
	v7 =	vand.u32 $0x1FFFF, v1  }
0x204: {  	v16 =	vld [tilespmem:s6+$0xFFFFFFD0];
	v13 =	vand.u32 $0x1FFFF, v2  }
0x205: {  	v18 =	vld [tilespmem:s6+$0xFFFFFFE0];
	v15 =	vand.u32 $0x1FFFF, v3  }
0x206: {  	v20 =	vld [tilespmem:s6+$0xFFFFFFF0];
	v17 =	vand.u32 $0x1FFFF, v4  }
0x207: {  	v22 =	vld [tilespmem:s6+$0xFFFFFF10];
	v19 =	vand.u32 $0x1FFFF, v5  }
0x208: {  	v21 =	vand.u32 $0x1FFFF, v6;
	v7 =	vld.idx.msk [tilespmem:v7+s1+$0x0], $0xffff  }
0x209: {  	v23 =	vand.u32 $0x1FFFF, v8;
	v13 =	vld.idx.msk [tilespmem:v13+s1+$0x0], $0xffff  }
0x20a: {  	v24 =	vand.u32 $0x1FFFF, v9;
	v15 =	vld.idx.msk [tilespmem:v15+s1+$0x0], $0xffff  }
0x20b: {  	v25 =	vand.u32 $0x1FFFF, v10;
	v17 =	vld.idx.msk [tilespmem:v17+s1+$0x0], $0xffff  }
0x20c: {  	v26 =	vand.u32 $0x1FFFF, v11;
	v19 =	vld.idx.msk [tilespmem:v19+s1+$0x0], $0xffff  }
0x20d: {  	vm0 =	vlt.u32 v1, $0x20000;
	v1 =	vand.u32 $0x1FFFF, v22;
	v21 =	vld.idx.msk [tilespmem:v21+s1+$0x0], $0xffff  }
0x20e: {  	s4 =	simm.s32 $0x1C780;
	vm1 =	vlt.u32 v2, $0x20000;
	v2 =	vand.u32 $0x1FFFF, v12;
	v23 =	vld.idx.msk [tilespmem:v23+s1+$0x0], $0xffff;
	v7 =	vsel vm0, v7, v0  }
0x20f: {  	v61 =	vld.idx.msk [tilespmem:v24+s1+$0x0], $0xffff;
	vm0 =	vlt.u32 v3, $0x20000;
	v3 =	vand.u32 $0x1FFFF, v14;
	[tilespmem:s4+$0x70] =	vst v7;
	v7 =	vsel vm1, v13, v0  }
0x210: {  	v62 =	vld.idx.msk [tilespmem:v25+s1+$0x0], $0xffff;
	vm1 =	vlt.u32 v4, $0x20000;
	v4 =	vand.u32 $0x1FFFF, v16;
	[tilespmem:s4+$0xFFFFFF90] =	vst v7;
	v7 =	vsel vm0, v15, v0  }
0x211: {  	v63 =	vld.idx.msk [tilespmem:v26+s1+$0x0], $0xffff;
	vm0 =	vlt.u32 v5, $0x20000;
	v5 =	vand.u32 $0x1FFFF, v18;
	[tilespmem:s4+$0xFFFFFFA0] =	vst v7;
	v7 =	vsel vm1, v17, v0  }
0x212: {  	v1 =	vld.idx.msk [tilespmem:v1+s1+$0x0], $0xffff;
	vm1 =	vlt.u32 v6, $0x20000;
	v6 =	vand.u32 $0x1FFFF, v20;
	[tilespmem:s4+$0xFFFFFFB0] =	vst v7;
	v7 =	vsel vm0, v19, v0  }
0x213: {  	vm2 =	vlt.u32 v9, $0x20000;
	v2 =	vld.idx.msk [tilespmem:v2+s1+$0x0], $0xffff;
	vm0 =	vlt.u32 v8, $0x20000;
	[tilespmem:s4+$0xFFFFFFC0] =	vst v7;
	v7 =	vsel vm1, v21, v0  }
0x214: {  	vm4 =	vlt.u32 v10, $0x20000;
	vm5 =	vlt.u32 v11, $0x20000;
	v3 =	vld.idx.msk [tilespmem:v3+s1+$0x0], $0xffff;
	[tilespmem:s4+$0xFFFFFFD0] =	vst v7;
	v7 =	vsel vm0, v23, v0  }
0x215: {  	vm3 =	vlt.u32 v16, $0x20000;
	vm14 =	vlt.u32 v22, $0x20000;
	v4 =	vld.idx.msk [tilespmem:v4+s1+$0x0], $0xffff;
	[tilespmem:s4+$0xFFFFFFE0] =	vst v7;
	v7 =	vsel vm2, v61, v0  }
0x216: {  	vm1 =	vlt.u32 v14, $0x20000;
	vm0 =	vlt.u32 v12, $0x20000;
	v5 =	vld.idx.msk [tilespmem:v5+s1+$0x0], $0xffff;
	[tilespmem:s4+$0xFFFFFFF0] =	vst v7;
	v7 =	vsel vm4, v62, v0  }
0x217: {  	s5 =	simm.s32 $0x0;
	s6 =	simm.s32 $0x1A8F0;
	vm2 =	vlt.u32 v18, $0x20000;
	vm4 =	vlt.u32 v20, $0x20000;
	v6 =	vld.idx.msk [tilespmem:v6+s1+$0x0], $0xffff;
	[tilespmem:s4+$0x0] =	vst v7;
	v7 =	vsel vm5, v63, v0  }
.LBB2_14:
0x218: {  	v8 =	vld [tilespmem:s6+$0x0];
	s5 =	sadd.s32 $0x10, s5;
	v1 =	vsel vm14, v1, v0;
	[tilespmem:s4+$0x10] =	vst v7  }
0x219: {  	v7 =	vld [tilespmem:s6+$0xFFFFFF20];
	p0 =	slt.u32 s5, $0xF0;
	[tilespmem:s4+$0xFFFFFF80] =	vst v1;
	v1 =	vsel vm0, v2, v0  }
0x21a: {  	v2 =	vld [tilespmem:s6+$0xFFFFFF30];
	[tilespmem:s4+$0x20] =	vst v1;
	v1 =	vsel vm1, v3, v0  }
0x21b: {  	v3 =	vld [tilespmem:s6+$0xFFFFFF40];
	[tilespmem:s4+$0x30] =	vst v1;
	v1 =	vsel vm3, v4, v0  }
0x21c: {  	v4 =	vld [tilespmem:s6+$0xFFFFFF50];
	[tilespmem:s4+$0x40] =	vst v1;
	v1 =	vsel vm2, v5, v0  }
0x21d: {  	v5 =	vld [tilespmem:s6+$0xFFFFFF60];
	v9 =	vand.u32 $0x1FFFF, v8;
	[tilespmem:s4+$0x50] =	vst v1;
	v1 =	vsel vm4, v6, v0  }
0x21e: {  	v6 =	vand.u32 $0x1FFFF, v7;
	vm5 =	vlt.u32 v7, $0x20000;
	v7 =	vld [tilespmem:s6+$0xFFFFFF70];
	[tilespmem:s4+$0x60] =	vst v1  }
0x21f: {  	v1 =	vand.u32 $0x1FFFF, v2;
	vm7 =	vlt.u32 v2, $0x20000;
	v2 =	vld [tilespmem:s6+$0xFFFFFF80]  }
0x220: {  	v10 =	vand.u32 $0x1FFFF, v3;
	vm8 =	vlt.u32 v3, $0x20000;
	v3 =	vld [tilespmem:s6+$0xFFFFFF90]  }
0x221: {  	v11 =	vand.u32 $0x1FFFF, v4;
	vm6 =	vlt.u32 v4, $0x20000;
	v4 =	vld [tilespmem:s6+$0xFFFFFFA0]  }
0x222: {  	v12 =	vand.u32 $0x1FFFF, v5;
	vm9 =	vlt.u32 v5, $0x20000;
	v5 =	vld.idx.msk [tilespmem:v9+s1+$0x0], $0xffff  }
0x223: {  	v9 =	vand.u32 $0x1FFFF, v7;
	vm10 =	vlt.u32 v7, $0x20000;
	v7 =	vld [tilespmem:s6+$0xFFFFFFB0]  }
0x224: {  	v13 =	vand.u32 $0x1FFFF, v2;
	vm11 =	vlt.u32 v2, $0x20000;
	v2 =	vld [tilespmem:s6+$0xFFFFFFC0]  }
0x225: {  	v14 =	vand.u32 $0x1FFFF, v3;
	vm12 =	vlt.u32 v3, $0x20000;
	v3 =	vld [tilespmem:s6+$0xFFFFFFD0]  }
0x226: {  	v15 =	vand.u32 $0x1FFFF, v4;
	vm13 =	vlt.u32 v4, $0x20000;
	v4 =	vld [tilespmem:s6+$0xFFFFFFE0]  }
0x227: {  	vm1 =	vlt.u32 v8, $0x20000;
	v16 =	vld [tilespmem:s6+$0xFFFFFFF0]  }
0x228: {  	s4 =	sadd.s32 $0x100, s4;
	v5 =	vsel vm1, v5, v0;
	v8 =	vld [tilespmem:s6+$0xFFFFFF10];
	v17 =	vand.u32 $0x1FFFF, v7;
	vm0 =	vlt.u32 v7, $0x20000  }
0x229: {  	v6 =	vld.idx.msk [tilespmem:v6+s1+$0x0], $0xffff;
	v7 =	vand.u32 $0x1FFFF, v2;
	vm1 =	vlt.u32 v2, $0x20000;
	[tilespmem:s4+$0x70] =	vst v5  }
0x22a: {  	v1 =	vld.idx.msk [tilespmem:v1+s1+$0x0], $0xffff;
	v5 =	vand.u32 $0x1FFFF, v3;
	vm3 =	vlt.u32 v3, $0x20000  }
0x22b: {  	v2 =	vld.idx.msk [tilespmem:v10+s1+$0x0], $0xffff;
	v10 =	vand.u32 $0x1FFFF, v4;
	vm2 =	vlt.u32 v4, $0x20000  }
0x22c: {  	v3 =	vld.idx.msk [tilespmem:v11+s1+$0x0], $0xffff;
	v11 =	vand.u32 $0x1FFFF, v16;
	vm4 =	vlt.u32 v16, $0x20000  }
0x22d: {  	v4 =	vand.u32 $0x1FFFF, v8;
	vm14 =	vlt.u32 v8, $0x20000;
	v8 =	vld.idx.msk [tilespmem:v12+s1+$0x0], $0xffff  }
0x22e: {  	v9 =	vld.idx.msk [tilespmem:v9+s1+$0x0], $0xffff  }
0x22f: {  	v6 =	vsel vm5, v6, v0;
	v12 =	vld.idx.msk [tilespmem:v13+s1+$0x0], $0xffff  }
0x230: {  	v1 =	vsel vm7, v1, v0;
	[tilespmem:s4+$0xFFFFFF90] =	vst v6;
	v6 =	vld.idx.msk [tilespmem:v14+s1+$0x0], $0xffff  }
0x231: {  	v2 =	vsel vm8, v2, v0;
	[tilespmem:s4+$0xFFFFFFA0] =	vst v1;
	v13 =	vld.idx.msk [tilespmem:v15+s1+$0x0], $0xffff  }
0x232: {  	v1 =	vld.idx.msk [tilespmem:v4+s1+$0x0], $0xffff;
	[tilespmem:s4+$0xFFFFFFB0] =	vst v2;
	v2 =	vsel vm6, v3, v0  }
.Ltmp6:
0x233: {  	v3 =	vsel vm9, v8, v0;
	[tilespmem:s4+$0xFFFFFFC0] =	vst v2;
	v2 =	vld.idx.msk [tilespmem:v17+s1+$0x0], $0xffff;
	(pc) =	sbr.rel @p0 .LBB2_14-.Ltmp6, $4  }
0x234: {  	v4 =	vsel vm10, v9, v0;
	[tilespmem:s4+$0xFFFFFFD0] =	vst v3;
	v3 =	vld.idx.msk [tilespmem:v7+s1+$0x0], $0xffff  }
0x235: {  	v7 =	vsel vm11, v12, v0;
	[tilespmem:s4+$0xFFFFFFE0] =	vst v4;
	v4 =	vld.idx.msk [tilespmem:v5+s1+$0x0], $0xffff  }
0x236: {  	v6 =	vsel vm12, v6, v0;
	[tilespmem:s4+$0xFFFFFFF0] =	vst v7;
	v5 =	vld.idx.msk [tilespmem:v10+s1+$0x0], $0xffff  }
0x237: {  	s6 =	sadd.s32 $0x100, s6;
	v7 =	vsel vm13, v13, v0;
	[tilespmem:s4+$0x0] =	vst v6;
	v6 =	vld.idx.msk [tilespmem:v11+s1+$0x0], $0xffff  }
0x238: {  	v1 =	vsel vm14, v1, v0;
	[tilespmem:s4+$0x10] =	vst v7  }
0x239: {  	[tilespmem:s4+$0xFFFFFF80] =	vst v1;
	v1 =	vsel vm0, v2, v0  }
0x23a: {  	[tilespmem:s4+$0x20] =	vst v1;
	v1 =	vsel vm1, v3, v0  }
0x23b: {  	[tilespmem:s4+$0x30] =	vst v1;
	v1 =	vsel vm3, v4, v0  }
0x23c: {  	[tilespmem:s4+$0x40] =	vst v1;
	v1 =	vsel vm2, v5, v0  }
0x23d: {  	[tilespmem:s4+$0x50] =	vst v1;
	v1 =	vsel vm4, v6, v0  }
0x23e: {  	[tilespmem:s4+$0x60] =	vst v1  }
0x23f: {  	[hbm4b:s13+s29] =	stream.strided.scatter [tilespmem:s31], [sflag:$0x2], $0x1000, s30, s29, $0x38;
	[tilespmem:$0x1E800] =	vst v63  }
0x240: {  	_ =	swait.ge [sflag:s19], $0x1000  }
0x241: {  	[sflag:s19] =	ssyncset.done $0x0  }
0x242: {  	s6 =	simm.s32 $0x1B7F0;
	[sflag:s19] =	ssyncadd.s32 $0xFFFFF000  }
0x243: {  	v1 =	vld [tilespmem:s6+$0x0]  }
0x244: {  	v2 =	vld [tilespmem:s6+$0xFFFFFF20]  }
0x245: {  	v3 =	vld [tilespmem:s6+$0xFFFFFF30]  }
0x246: {  	v4 =	vld [tilespmem:s6+$0xFFFFFF40]  }
0x247: {  	v5 =	vld [tilespmem:s6+$0xFFFFFF50]  }
0x248: {  	v6 =	vld [tilespmem:s6+$0xFFFFFF60]  }
0x249: {  	v8 =	vld [tilespmem:s6+$0xFFFFFF70]  }
0x24a: {  	v9 =	vld [tilespmem:s6+$0xFFFFFF80]  }
0x24b: {  	v10 =	vld [tilespmem:s6+$0xFFFFFF90]  }
0x24c: {  	v11 =	vld [tilespmem:s6+$0xFFFFFFA0]  }
0x24d: {  	v12 =	vld [tilespmem:s6+$0xFFFFFFB0]  }
0x24e: {  	v14 =	vld [tilespmem:s6+$0xFFFFFFC0];
	v7 =	vand.u32 $0x1FFFF, v1  }
0x24f: {  	v16 =	vld [tilespmem:s6+$0xFFFFFFD0];
	v13 =	vand.u32 $0x1FFFF, v2  }
0x250: {  	v18 =	vld [tilespmem:s6+$0xFFFFFFE0];
	v15 =	vand.u32 $0x1FFFF, v3  }
0x251: {  	v20 =	vld [tilespmem:s6+$0xFFFFFFF0];
	v17 =	vand.u32 $0x1FFFF, v4  }
0x252: {  	v22 =	vld [tilespmem:s6+$0xFFFFFF10];
	v19 =	vand.u32 $0x1FFFF, v5  }
0x253: {  	v21 =	vand.u32 $0x1FFFF, v6;
	v7 =	vld.idx.msk [tilespmem:v7+s1+$0x0], $0xffff  }
0x254: {  	v23 =	vand.u32 $0x1FFFF, v8;
	v13 =	vld.idx.msk [tilespmem:v13+s1+$0x0], $0xffff  }
0x255: {  	v24 =	vand.u32 $0x1FFFF, v9;
	v15 =	vld.idx.msk [tilespmem:v15+s1+$0x0], $0xffff  }
0x256: {  	v25 =	vand.u32 $0x1FFFF, v10;
	v17 =	vld.idx.msk [tilespmem:v17+s1+$0x0], $0xffff  }
0x257: {  	v26 =	vand.u32 $0x1FFFF, v11;
	v19 =	vld.idx.msk [tilespmem:v19+s1+$0x0], $0xffff  }
0x258: {  	vm0 =	vlt.u32 v1, $0x20000;
	v1 =	vand.u32 $0x1FFFF, v22;
	v21 =	vld.idx.msk [tilespmem:v21+s1+$0x0], $0xffff  }
0x259: {  	s4 =	simm.s32 $0x1D7F0;
	vm1 =	vlt.u32 v2, $0x20000;
	v2 =	vand.u32 $0x1FFFF, v12;
	v23 =	vld.idx.msk [tilespmem:v23+s1+$0x0], $0xffff;
	v7 =	vsel vm0, v7, v0  }
0x25a: {  	v61 =	vld.idx.msk [tilespmem:v24+s1+$0x0], $0xffff;
	vm0 =	vlt.u32 v3, $0x20000;
	v3 =	vand.u32 $0x1FFFF, v14;
	[tilespmem:s4+$0x0] =	vst v7;
	v7 =	vsel vm1, v13, v0  }
0x25b: {  	v62 =	vld.idx.msk [tilespmem:v25+s1+$0x0], $0xffff;
	vm1 =	vlt.u32 v4, $0x20000;
	v4 =	vand.u32 $0x1FFFF, v16;
	[tilespmem:s4+$0xFFFFFF20] =	vst v7;
	v7 =	vsel vm0, v15, v0  }
0x25c: {  	v63 =	vld.idx.msk [tilespmem:v26+s1+$0x0], $0xffff;
	vm0 =	vlt.u32 v5, $0x20000;
	v5 =	vand.u32 $0x1FFFF, v18;
	[tilespmem:s4+$0xFFFFFF30] =	vst v7;
	v7 =	vsel vm1, v17, v0  }
0x25d: {  	v1 =	vld.idx.msk [tilespmem:v1+s1+$0x0], $0xffff;
	vm1 =	vlt.u32 v6, $0x20000;
	v6 =	vand.u32 $0x1FFFF, v20;
	[tilespmem:s4+$0xFFFFFF40] =	vst v7;
	v7 =	vsel vm0, v19, v0  }
0x25e: {  	vm2 =	vlt.u32 v9, $0x20000;
	v2 =	vld.idx.msk [tilespmem:v2+s1+$0x0], $0xffff;
	vm0 =	vlt.u32 v8, $0x20000;
	[tilespmem:s4+$0xFFFFFF50] =	vst v7;
	v7 =	vsel vm1, v21, v0  }
0x25f: {  	vm4 =	vlt.u32 v10, $0x20000;
	vm5 =	vlt.u32 v11, $0x20000;
	v3 =	vld.idx.msk [tilespmem:v3+s1+$0x0], $0xffff;
	[tilespmem:s4+$0xFFFFFF60] =	vst v7;
	v7 =	vsel vm0, v23, v0  }
0x260: {  	vm3 =	vlt.u32 v16, $0x20000;
	vm14 =	vlt.u32 v22, $0x20000;
	v4 =	vld.idx.msk [tilespmem:v4+s1+$0x0], $0xffff;
	[tilespmem:s4+$0xFFFFFF70] =	vst v7;
	v7 =	vsel vm2, v61, v0  }
0x261: {  	vm1 =	vlt.u32 v14, $0x20000;
	vm0 =	vlt.u32 v12, $0x20000;
	v5 =	vld.idx.msk [tilespmem:v5+s1+$0x0], $0xffff;
	[tilespmem:s4+$0xFFFFFF80] =	vst v7;
	v7 =	vsel vm4, v62, v0  }
0x262: {  	s5 =	simm.s32 $0x0;
	s6 =	simm.s32 $0x1B8F0;
	vm2 =	vlt.u32 v18, $0x20000;
	vm4 =	vlt.u32 v20, $0x20000;
	v6 =	vld.idx.msk [tilespmem:v6+s1+$0x0], $0xffff;
	[tilespmem:s4+$0xFFFFFF90] =	vst v7;
	v7 =	vsel vm5, v63, v0  }
.LBB2_16:
0x263: {  	v8 =	vld [tilespmem:s6+$0x0];
	s5 =	sadd.s32 $0x10, s5;
	v1 =	vsel vm14, v1, v0;
	[tilespmem:s4+$0xFFFFFFA0] =	vst v7  }
0x264: {  	v7 =	vld [tilespmem:s6+$0xFFFFFF20];
	p0 =	slt.u32 s5, $0xF0;
	[tilespmem:s4+$0xFFFFFF10] =	vst v1;
	v1 =	vsel vm0, v2, v0  }
0x265: {  	v2 =	vld [tilespmem:s6+$0xFFFFFF30];
	[tilespmem:s4+$0xFFFFFFB0] =	vst v1;
	v1 =	vsel vm1, v3, v0  }
0x266: {  	v3 =	vld [tilespmem:s6+$0xFFFFFF40];
	[tilespmem:s4+$0xFFFFFFC0] =	vst v1;
	v1 =	vsel vm3, v4, v0  }
0x267: {  	v4 =	vld [tilespmem:s6+$0xFFFFFF50];
	[tilespmem:s4+$0xFFFFFFD0] =	vst v1;
	v1 =	vsel vm2, v5, v0  }
0x268: {  	v5 =	vld [tilespmem:s6+$0xFFFFFF60];
	v9 =	vand.u32 $0x1FFFF, v8;
	[tilespmem:s4+$0xFFFFFFE0] =	vst v1;
	v1 =	vsel vm4, v6, v0  }
0x269: {  	v6 =	vand.u32 $0x1FFFF, v7;
	vm5 =	vlt.u32 v7, $0x20000;
	v7 =	vld [tilespmem:s6+$0xFFFFFF70];
	[tilespmem:s4+$0xFFFFFFF0] =	vst v1  }
0x26a: {  	v1 =	vand.u32 $0x1FFFF, v2;
	vm7 =	vlt.u32 v2, $0x20000;
	v2 =	vld [tilespmem:s6+$0xFFFFFF80]  }
0x26b: {  	v10 =	vand.u32 $0x1FFFF, v3;
	vm8 =	vlt.u32 v3, $0x20000;
	v3 =	vld [tilespmem:s6+$0xFFFFFF90]  }
0x26c: {  	v11 =	vand.u32 $0x1FFFF, v4;
	vm6 =	vlt.u32 v4, $0x20000;
	v4 =	vld [tilespmem:s6+$0xFFFFFFA0]  }
0x26d: {  	v12 =	vand.u32 $0x1FFFF, v5;
	vm9 =	vlt.u32 v5, $0x20000;
	v5 =	vld.idx.msk [tilespmem:v9+s1+$0x0], $0xffff  }
0x26e: {  	v9 =	vand.u32 $0x1FFFF, v7;
	vm10 =	vlt.u32 v7, $0x20000;
	v7 =	vld [tilespmem:s6+$0xFFFFFFB0]  }
0x26f: {  	v13 =	vand.u32 $0x1FFFF, v2;
	vm11 =	vlt.u32 v2, $0x20000;
	v2 =	vld [tilespmem:s6+$0xFFFFFFC0]  }
0x270: {  	v14 =	vand.u32 $0x1FFFF, v3;
	vm12 =	vlt.u32 v3, $0x20000;
	v3 =	vld [tilespmem:s6+$0xFFFFFFD0]  }
0x271: {  	v15 =	vand.u32 $0x1FFFF, v4;
	vm13 =	vlt.u32 v4, $0x20000;
	v4 =	vld [tilespmem:s6+$0xFFFFFFE0]  }
0x272: {  	vm1 =	vlt.u32 v8, $0x20000;
	v16 =	vld [tilespmem:s6+$0xFFFFFFF0]  }
0x273: {  	s4 =	sadd.s32 $0x100, s4;
	v5 =	vsel vm1, v5, v0;
	v8 =	vld [tilespmem:s6+$0xFFFFFF10];
	v17 =	vand.u32 $0x1FFFF, v7;
	vm0 =	vlt.u32 v7, $0x20000  }
0x274: {  	v6 =	vld.idx.msk [tilespmem:v6+s1+$0x0], $0xffff;
	v7 =	vand.u32 $0x1FFFF, v2;
	vm1 =	vlt.u32 v2, $0x20000;
	[tilespmem:s4+$0x0] =	vst v5  }
0x275: {  	v1 =	vld.idx.msk [tilespmem:v1+s1+$0x0], $0xffff;
	v5 =	vand.u32 $0x1FFFF, v3;
	vm3 =	vlt.u32 v3, $0x20000  }
0x276: {  	v2 =	vld.idx.msk [tilespmem:v10+s1+$0x0], $0xffff;
	v10 =	vand.u32 $0x1FFFF, v4;
	vm2 =	vlt.u32 v4, $0x20000  }
0x277: {  	v3 =	vld.idx.msk [tilespmem:v11+s1+$0x0], $0xffff;
	v11 =	vand.u32 $0x1FFFF, v16;
	vm4 =	vlt.u32 v16, $0x20000  }
0x278: {  	v4 =	vand.u32 $0x1FFFF, v8;
	vm14 =	vlt.u32 v8, $0x20000;
	v8 =	vld.idx.msk [tilespmem:v12+s1+$0x0], $0xffff  }
0x279: {  	v9 =	vld.idx.msk [tilespmem:v9+s1+$0x0], $0xffff  }
0x27a: {  	v6 =	vsel vm5, v6, v0;
	v12 =	vld.idx.msk [tilespmem:v13+s1+$0x0], $0xffff  }
0x27b: {  	v1 =	vsel vm7, v1, v0;
	[tilespmem:s4+$0xFFFFFF20] =	vst v6;
	v6 =	vld.idx.msk [tilespmem:v14+s1+$0x0], $0xffff  }
0x27c: {  	v2 =	vsel vm8, v2, v0;
	[tilespmem:s4+$0xFFFFFF30] =	vst v1;
	v13 =	vld.idx.msk [tilespmem:v15+s1+$0x0], $0xffff  }
0x27d: {  	v1 =	vld.idx.msk [tilespmem:v4+s1+$0x0], $0xffff;
	[tilespmem:s4+$0xFFFFFF40] =	vst v2;
	v2 =	vsel vm6, v3, v0  }
.Ltmp7:
0x27e: {  	v3 =	vsel vm9, v8, v0;
	[tilespmem:s4+$0xFFFFFF50] =	vst v2;
	v2 =	vld.idx.msk [tilespmem:v17+s1+$0x0], $0xffff;
	(pc) =	sbr.rel @p0 .LBB2_16-.Ltmp7, $4  }
0x27f: {  	v4 =	vsel vm10, v9, v0;
	[tilespmem:s4+$0xFFFFFF60] =	vst v3;
	v3 =	vld.idx.msk [tilespmem:v7+s1+$0x0], $0xffff  }
0x280: {  	v7 =	vsel vm11, v12, v0;
	[tilespmem:s4+$0xFFFFFF70] =	vst v4;
	v4 =	vld.idx.msk [tilespmem:v5+s1+$0x0], $0xffff  }
0x281: {  	v6 =	vsel vm12, v6, v0;
	[tilespmem:s4+$0xFFFFFF80] =	vst v7;
	v5 =	vld.idx.msk [tilespmem:v10+s1+$0x0], $0xffff  }
0x282: {  	s6 =	sadd.s32 $0x100, s6;
	v7 =	vsel vm13, v13, v0;
	[tilespmem:s4+$0xFFFFFF90] =	vst v6;
	v6 =	vld.idx.msk [tilespmem:v11+s1+$0x0], $0xffff  }
0x283: {  	v1 =	vsel vm14, v1, v0;
	[tilespmem:s4+$0xFFFFFFA0] =	vst v7  }
0x284: {  	[tilespmem:s4+$0xFFFFFF10] =	vst v1;
	v1 =	vsel vm0, v2, v0  }
0x285: {  	[tilespmem:s4+$0xFFFFFFB0] =	vst v1;
	v1 =	vsel vm1, v3, v0  }
0x286: {  	[tilespmem:s4+$0xFFFFFFC0] =	vst v1;
	v1 =	vsel vm3, v4, v0  }
0x287: {  	[tilespmem:s4+$0xFFFFFFD0] =	vst v1;
	v1 =	vsel vm2, v5, v0  }
0x288: {  	v0 =	vsel vm4, v6, v0;
	[tilespmem:s4+$0xFFFFFFE0] =	vst v1  }
0x289: {  	[tilespmem:s4+$0xFFFFFFF0] =	vst v0  }
0x28a: {  	[hbm4b:s14+s29] =	stream.strided.scatter [tilespmem:s0], [sflag:$0x2], $0x1000, s30, s29, $0x38;
	[tilespmem:$0x1E800] =	vst v63  }
0x28b: {  	_ = 	snop  }
0x28c: {  	[tilespmem:s1], [sflag:$0x1] =	stream.strided.gather [hbm4b:s11+s29], $0x18700, s30, s29, $0x38;
	[tilespmem:$0x1E800] =	vst v63  }
0x28d: {  	_ =	swait.ge [sflag:s19], $0x1000  }
0x28e: {  	[sflag:s19] =	ssyncset.done $0x0  }
0x28f: {  	[sflag:s19] =	ssyncadd.s32 $0xFFFFF000  }
0x290: {  	_ =	swait.ge [sflag:s19], $0x1000  }
0x291: {  	[sflag:s19] =	ssyncset.done $0x0  }
0x292: {  	[sflag:s19] =	ssyncadd.s32 $0xFFFFF000  }
0x293: {  	_ =	swait.ge [sflag:s22], $0x18700  }
0x294: {  	[sflag:s22] =	ssyncset.done $0x0  }
0x295: {  	s5 =	sor.u32 $0x1E740, s2;
	[sflag:s22] =	ssyncadd.s32 $0xFFFE7900  }
0x296: {  	s6 =	simm.s32 $0x18780;
	v0 =	vld.msk [tilespmem:s5+$0x0 ss:$0x0], $0xffff  }
0x297: {  	v1 =	vld [tilespmem:s6+$0x70]  }
0x298: {  	v2 =	vld [tilespmem:s6+$0xFFFFFF90]  }
0x299: {  	v3 =	vld [tilespmem:s6+$0xFFFFFFA0]  }
0x29a: {  	v4 =	vld [tilespmem:s6+$0xFFFFFFB0]  }
0x29b: {  	v5 =	vld [tilespmem:s6+$0xFFFFFFC0]  }
0x29c: {  	v6 =	vld [tilespmem:s6+$0xFFFFFFD0]  }
0x29d: {  	v8 =	vld [tilespmem:s6+$0xFFFFFFE0]  }
0x29e: {  	v9 =	vld [tilespmem:s6+$0xFFFFFFF0]  }
0x29f: {  	v10 =	vld [tilespmem:s6+$0x0]  }
0x2a0: {  	v11 =	vld [tilespmem:s6+$0x10]  }
0x2a1: {  	v12 =	vld [tilespmem:s6+$0x20]  }
0x2a2: {  	v14 =	vld [tilespmem:s6+$0x30];
	v7 =	vand.u32 $0x1FFFF, v1  }
0x2a3: {  	v16 =	vld [tilespmem:s6+$0x40];
	v13 =	vand.u32 $0x1FFFF, v2  }
0x2a4: {  	v18 =	vld [tilespmem:s6+$0x50];
	v15 =	vand.u32 $0x1FFFF, v3  }
0x2a5: {  	v20 =	vld [tilespmem:s6+$0x60];
	v17 =	vand.u32 $0x1FFFF, v4  }
0x2a6: {  	v22 =	vld [tilespmem:s6+$0xFFFFFF80];
	v19 =	vand.u32 $0x1FFFF, v5  }
0x2a7: {  	v21 =	vand.u32 $0x1FFFF, v6;
	v7 =	vld.idx.msk [tilespmem:v7+s1+$0x0], $0xffff  }
0x2a8: {  	v23 =	vand.u32 $0x1FFFF, v8;
	v13 =	vld.idx.msk [tilespmem:v13+s1+$0x0], $0xffff  }
0x2a9: {  	v24 =	vand.u32 $0x1FFFF, v9;
	v15 =	vld.idx.msk [tilespmem:v15+s1+$0x0], $0xffff  }
0x2aa: {  	v25 =	vand.u32 $0x1FFFF, v10;
	v17 =	vld.idx.msk [tilespmem:v17+s1+$0x0], $0xffff  }
0x2ab: {  	v26 =	vand.u32 $0x1FFFF, v11;
	v19 =	vld.idx.msk [tilespmem:v19+s1+$0x0], $0xffff  }
0x2ac: {  	vm0 =	vlt.u32 v1, $0x20000;
	v1 =	vand.u32 $0x1FFFF, v22;
	v21 =	vld.idx.msk [tilespmem:v21+s1+$0x0], $0xffff  }
0x2ad: {  	s4 =	simm.s32 $0x1C780;
	vm1 =	vlt.u32 v2, $0x20000;
	v2 =	vand.u32 $0x1FFFF, v12;
	v23 =	vld.idx.msk [tilespmem:v23+s1+$0x0], $0xffff;
	v7 =	vsel vm0, v7, v0  }
0x2ae: {  	v61 =	vld.idx.msk [tilespmem:v24+s1+$0x0], $0xffff;
	vm0 =	vlt.u32 v3, $0x20000;
	v3 =	vand.u32 $0x1FFFF, v14;
	[tilespmem:s4+$0x70] =	vst v7;
	v7 =	vsel vm1, v13, v0  }
0x2af: {  	v62 =	vld.idx.msk [tilespmem:v25+s1+$0x0], $0xffff;
	vm1 =	vlt.u32 v4, $0x20000;
	v4 =	vand.u32 $0x1FFFF, v16;
	[tilespmem:s4+$0xFFFFFF90] =	vst v7;
	v7 =	vsel vm0, v15, v0  }
0x2b0: {  	v63 =	vld.idx.msk [tilespmem:v26+s1+$0x0], $0xffff;
	vm0 =	vlt.u32 v5, $0x20000;
	v5 =	vand.u32 $0x1FFFF, v18;
	[tilespmem:s4+$0xFFFFFFA0] =	vst v7;
	v7 =	vsel vm1, v17, v0  }
0x2b1: {  	v1 =	vld.idx.msk [tilespmem:v1+s1+$0x0], $0xffff;
	vm1 =	vlt.u32 v6, $0x20000;
	v6 =	vand.u32 $0x1FFFF, v20;
	[tilespmem:s4+$0xFFFFFFB0] =	vst v7;
	v7 =	vsel vm0, v19, v0  }
0x2b2: {  	vm2 =	vlt.u32 v9, $0x20000;
	v2 =	vld.idx.msk [tilespmem:v2+s1+$0x0], $0xffff;
	vm0 =	vlt.u32 v8, $0x20000;
	[tilespmem:s4+$0xFFFFFFC0] =	vst v7;
	v7 =	vsel vm1, v21, v0  }
0x2b3: {  	vm4 =	vlt.u32 v10, $0x20000;
	vm5 =	vlt.u32 v11, $0x20000;
	v3 =	vld.idx.msk [tilespmem:v3+s1+$0x0], $0xffff;
	[tilespmem:s4+$0xFFFFFFD0] =	vst v7;
	v7 =	vsel vm0, v23, v0  }
0x2b4: {  	vm3 =	vlt.u32 v16, $0x20000;
	vm14 =	vlt.u32 v22, $0x20000;
	v4 =	vld.idx.msk [tilespmem:v4+s1+$0x0], $0xffff;
	[tilespmem:s4+$0xFFFFFFE0] =	vst v7;
	v7 =	vsel vm2, v61, v0  }
0x2b5: {  	vm1 =	vlt.u32 v14, $0x20000;
	vm0 =	vlt.u32 v12, $0x20000;
	v5 =	vld.idx.msk [tilespmem:v5+s1+$0x0], $0xffff;
	[tilespmem:s4+$0xFFFFFFF0] =	vst v7;
	v7 =	vsel vm4, v62, v0  }
0x2b6: {  	s5 =	simm.s32 $0x0;
	s6 =	simm.s32 $0x18880;
	vm2 =	vlt.u32 v18, $0x20000;
	vm4 =	vlt.u32 v20, $0x20000;
	v6 =	vld.idx.msk [tilespmem:v6+s1+$0x0], $0xffff;
	[tilespmem:s4+$0x0] =	vst v7;
	v7 =	vsel vm5, v63, v0  }
.LBB2_18:
0x2b7: {  	v8 =	vld [tilespmem:s6+$0x70];
	s5 =	sadd.s32 $0x10, s5;
	v1 =	vsel vm14, v1, v0;
	[tilespmem:s4+$0x10] =	vst v7  }
0x2b8: {  	v7 =	vld [tilespmem:s6+$0xFFFFFF90];
	p0 =	slt.u32 s5, $0xF0;
	[tilespmem:s4+$0xFFFFFF80] =	vst v1;
	v1 =	vsel vm0, v2, v0  }
0x2b9: {  	v2 =	vld [tilespmem:s6+$0xFFFFFFA0];
	[tilespmem:s4+$0x20] =	vst v1;
	v1 =	vsel vm1, v3, v0  }
0x2ba: {  	v3 =	vld [tilespmem:s6+$0xFFFFFFB0];
	[tilespmem:s4+$0x30] =	vst v1;
	v1 =	vsel vm3, v4, v0  }
0x2bb: {  	v4 =	vld [tilespmem:s6+$0xFFFFFFC0];
	[tilespmem:s4+$0x40] =	vst v1;
	v1 =	vsel vm2, v5, v0  }
0x2bc: {  	v5 =	vld [tilespmem:s6+$0xFFFFFFD0];
	v9 =	vand.u32 $0x1FFFF, v8;
	[tilespmem:s4+$0x50] =	vst v1;
	v1 =	vsel vm4, v6, v0  }
0x2bd: {  	v6 =	vand.u32 $0x1FFFF, v7;
	vm5 =	vlt.u32 v7, $0x20000;
	v7 =	vld [tilespmem:s6+$0xFFFFFFE0];
	[tilespmem:s4+$0x60] =	vst v1  }
0x2be: {  	v1 =	vand.u32 $0x1FFFF, v2;
	vm7 =	vlt.u32 v2, $0x20000;
	v2 =	vld [tilespmem:s6+$0xFFFFFFF0]  }
0x2bf: {  	v10 =	vand.u32 $0x1FFFF, v3;
	vm8 =	vlt.u32 v3, $0x20000;
	v3 =	vld [tilespmem:s6+$0x0]  }
0x2c0: {  	v11 =	vand.u32 $0x1FFFF, v4;
	vm6 =	vlt.u32 v4, $0x20000;
	v4 =	vld [tilespmem:s6+$0x10]  }
0x2c1: {  	v12 =	vand.u32 $0x1FFFF, v5;
	vm9 =	vlt.u32 v5, $0x20000;
	v5 =	vld.idx.msk [tilespmem:v9+s1+$0x0], $0xffff  }
0x2c2: {  	v9 =	vand.u32 $0x1FFFF, v7;
	vm10 =	vlt.u32 v7, $0x20000;
	v7 =	vld [tilespmem:s6+$0x20]  }
0x2c3: {  	v13 =	vand.u32 $0x1FFFF, v2;
	vm11 =	vlt.u32 v2, $0x20000;
	v2 =	vld [tilespmem:s6+$0x30]  }
0x2c4: {  	v14 =	vand.u32 $0x1FFFF, v3;
	vm12 =	vlt.u32 v3, $0x20000;
	v3 =	vld [tilespmem:s6+$0x40]  }
0x2c5: {  	v15 =	vand.u32 $0x1FFFF, v4;
	vm13 =	vlt.u32 v4, $0x20000;
	v4 =	vld [tilespmem:s6+$0x50]  }
0x2c6: {  	vm1 =	vlt.u32 v8, $0x20000;
	v16 =	vld [tilespmem:s6+$0x60]  }
0x2c7: {  	s4 =	sadd.s32 $0x100, s4;
	v5 =	vsel vm1, v5, v0;
	v8 =	vld [tilespmem:s6+$0xFFFFFF80];
	v17 =	vand.u32 $0x1FFFF, v7;
	vm0 =	vlt.u32 v7, $0x20000  }
0x2c8: {  	v6 =	vld.idx.msk [tilespmem:v6+s1+$0x0], $0xffff;
	v7 =	vand.u32 $0x1FFFF, v2;
	vm1 =	vlt.u32 v2, $0x20000;
	[tilespmem:s4+$0x70] =	vst v5  }
0x2c9: {  	v1 =	vld.idx.msk [tilespmem:v1+s1+$0x0], $0xffff;
	v5 =	vand.u32 $0x1FFFF, v3;
	vm3 =	vlt.u32 v3, $0x20000  }
0x2ca: {  	v2 =	vld.idx.msk [tilespmem:v10+s1+$0x0], $0xffff;
	v10 =	vand.u32 $0x1FFFF, v4;
	vm2 =	vlt.u32 v4, $0x20000  }
0x2cb: {  	v3 =	vld.idx.msk [tilespmem:v11+s1+$0x0], $0xffff;
	v11 =	vand.u32 $0x1FFFF, v16;
	vm4 =	vlt.u32 v16, $0x20000  }
0x2cc: {  	v4 =	vand.u32 $0x1FFFF, v8;
	vm14 =	vlt.u32 v8, $0x20000;
	v8 =	vld.idx.msk [tilespmem:v12+s1+$0x0], $0xffff  }
0x2cd: {  	v9 =	vld.idx.msk [tilespmem:v9+s1+$0x0], $0xffff  }
0x2ce: {  	v6 =	vsel vm5, v6, v0;
	v12 =	vld.idx.msk [tilespmem:v13+s1+$0x0], $0xffff  }
0x2cf: {  	v1 =	vsel vm7, v1, v0;
	[tilespmem:s4+$0xFFFFFF90] =	vst v6;
	v6 =	vld.idx.msk [tilespmem:v14+s1+$0x0], $0xffff  }
0x2d0: {  	v2 =	vsel vm8, v2, v0;
	[tilespmem:s4+$0xFFFFFFA0] =	vst v1;
	v13 =	vld.idx.msk [tilespmem:v15+s1+$0x0], $0xffff  }
0x2d1: {  	v1 =	vld.idx.msk [tilespmem:v4+s1+$0x0], $0xffff;
	[tilespmem:s4+$0xFFFFFFB0] =	vst v2;
	v2 =	vsel vm6, v3, v0  }
.Ltmp8:
0x2d2: {  	v3 =	vsel vm9, v8, v0;
	[tilespmem:s4+$0xFFFFFFC0] =	vst v2;
	v2 =	vld.idx.msk [tilespmem:v17+s1+$0x0], $0xffff;
	(pc) =	sbr.rel @p0 .LBB2_18-.Ltmp8, $4  }
0x2d3: {  	v4 =	vsel vm10, v9, v0;
	[tilespmem:s4+$0xFFFFFFD0] =	vst v3;
	v3 =	vld.idx.msk [tilespmem:v7+s1+$0x0], $0xffff  }
0x2d4: {  	v7 =	vsel vm11, v12, v0;
	[tilespmem:s4+$0xFFFFFFE0] =	vst v4;
	v4 =	vld.idx.msk [tilespmem:v5+s1+$0x0], $0xffff  }
0x2d5: {  	v6 =	vsel vm12, v6, v0;
	[tilespmem:s4+$0xFFFFFFF0] =	vst v7;
	v5 =	vld.idx.msk [tilespmem:v10+s1+$0x0], $0xffff  }
0x2d6: {  	s6 =	sadd.s32 $0x100, s6;
	v7 =	vsel vm13, v13, v0;
	[tilespmem:s4+$0x0] =	vst v6;
	v6 =	vld.idx.msk [tilespmem:v11+s1+$0x0], $0xffff  }
0x2d7: {  	v1 =	vsel vm14, v1, v0;
	[tilespmem:s4+$0x10] =	vst v7  }
0x2d8: {  	[tilespmem:s4+$0xFFFFFF80] =	vst v1;
	v1 =	vsel vm0, v2, v0  }
0x2d9: {  	[tilespmem:s4+$0x20] =	vst v1;
	v1 =	vsel vm1, v3, v0  }
0x2da: {  	[tilespmem:s4+$0x30] =	vst v1;
	v1 =	vsel vm3, v4, v0  }
0x2db: {  	[tilespmem:s4+$0x40] =	vst v1;
	v1 =	vsel vm2, v5, v0  }
0x2dc: {  	[tilespmem:s4+$0x50] =	vst v1;
	v1 =	vsel vm4, v6, v0  }
0x2dd: {  	s6 =	simm.s32 $0x197F0;
	[tilespmem:s4+$0x60] =	vst v1  }
0x2de: {  	[hbm4b:s15+s29] =	stream.strided.scatter [tilespmem:s31], [sflag:$0x2], $0x1000, s30, s29, $0x38;
	[tilespmem:$0x1E800] =	vst v63  }
0x2df: {  	v1 =	vld [tilespmem:s6+$0x0]  }
0x2e0: {  	v2 =	vld [tilespmem:s6+$0xFFFFFF20]  }
0x2e1: {  	v3 =	vld [tilespmem:s6+$0xFFFFFF30]  }
0x2e2: {  	v4 =	vld [tilespmem:s6+$0xFFFFFF40]  }
0x2e3: {  	v5 =	vld [tilespmem:s6+$0xFFFFFF50]  }
0x2e4: {  	v6 =	vld [tilespmem:s6+$0xFFFFFF60]  }
0x2e5: {  	v8 =	vld [tilespmem:s6+$0xFFFFFF70]  }
0x2e6: {  	v9 =	vld [tilespmem:s6+$0xFFFFFF80]  }
0x2e7: {  	v10 =	vld [tilespmem:s6+$0xFFFFFF90]  }
0x2e8: {  	v11 =	vld [tilespmem:s6+$0xFFFFFFA0]  }
0x2e9: {  	v12 =	vld [tilespmem:s6+$0xFFFFFFB0]  }
0x2ea: {  	v14 =	vld [tilespmem:s6+$0xFFFFFFC0];
	v7 =	vand.u32 $0x1FFFF, v1  }
0x2eb: {  	v16 =	vld [tilespmem:s6+$0xFFFFFFD0];
	v13 =	vand.u32 $0x1FFFF, v2  }
0x2ec: {  	v18 =	vld [tilespmem:s6+$0xFFFFFFE0];
	v15 =	vand.u32 $0x1FFFF, v3  }
0x2ed: {  	v20 =	vld [tilespmem:s6+$0xFFFFFFF0];
	v17 =	vand.u32 $0x1FFFF, v4  }
0x2ee: {  	v22 =	vld [tilespmem:s6+$0xFFFFFF10];
	v19 =	vand.u32 $0x1FFFF, v5  }
0x2ef: {  	v21 =	vand.u32 $0x1FFFF, v6;
	v7 =	vld.idx.msk [tilespmem:v7+s1+$0x0], $0xffff  }
0x2f0: {  	v23 =	vand.u32 $0x1FFFF, v8;
	v13 =	vld.idx.msk [tilespmem:v13+s1+$0x0], $0xffff  }
0x2f1: {  	v24 =	vand.u32 $0x1FFFF, v9;
	v15 =	vld.idx.msk [tilespmem:v15+s1+$0x0], $0xffff  }
0x2f2: {  	v25 =	vand.u32 $0x1FFFF, v10;
	v17 =	vld.idx.msk [tilespmem:v17+s1+$0x0], $0xffff  }
0x2f3: {  	v26 =	vand.u32 $0x1FFFF, v11;
	v19 =	vld.idx.msk [tilespmem:v19+s1+$0x0], $0xffff  }
0x2f4: {  	vm0 =	vlt.u32 v1, $0x20000;
	v1 =	vand.u32 $0x1FFFF, v22;
	v21 =	vld.idx.msk [tilespmem:v21+s1+$0x0], $0xffff  }
0x2f5: {  	s4 =	simm.s32 $0x1D7F0;
	vm1 =	vlt.u32 v2, $0x20000;
	v2 =	vand.u32 $0x1FFFF, v12;
	v23 =	vld.idx.msk [tilespmem:v23+s1+$0x0], $0xffff;
	v7 =	vsel vm0, v7, v0  }
0x2f6: {  	v61 =	vld.idx.msk [tilespmem:v24+s1+$0x0], $0xffff;
	vm0 =	vlt.u32 v3, $0x20000;
	v3 =	vand.u32 $0x1FFFF, v14;
	[tilespmem:s4+$0x0] =	vst v7;
	v7 =	vsel vm1, v13, v0  }
0x2f7: {  	v62 =	vld.idx.msk [tilespmem:v25+s1+$0x0], $0xffff;
	vm1 =	vlt.u32 v4, $0x20000;
	v4 =	vand.u32 $0x1FFFF, v16;
	[tilespmem:s4+$0xFFFFFF20] =	vst v7;
	v7 =	vsel vm0, v15, v0  }
0x2f8: {  	v63 =	vld.idx.msk [tilespmem:v26+s1+$0x0], $0xffff;
	vm0 =	vlt.u32 v5, $0x20000;
	v5 =	vand.u32 $0x1FFFF, v18;
	[tilespmem:s4+$0xFFFFFF30] =	vst v7;
	v7 =	vsel vm1, v17, v0  }
0x2f9: {  	v1 =	vld.idx.msk [tilespmem:v1+s1+$0x0], $0xffff;
	vm1 =	vlt.u32 v6, $0x20000;
	v6 =	vand.u32 $0x1FFFF, v20;
	[tilespmem:s4+$0xFFFFFF40] =	vst v7;
	v7 =	vsel vm0, v19, v0  }
0x2fa: {  	vm2 =	vlt.u32 v9, $0x20000;
	v2 =	vld.idx.msk [tilespmem:v2+s1+$0x0], $0xffff;
	vm0 =	vlt.u32 v8, $0x20000;
	[tilespmem:s4+$0xFFFFFF50] =	vst v7;
	v7 =	vsel vm1, v21, v0  }
0x2fb: {  	vm4 =	vlt.u32 v10, $0x20000;
	vm5 =	vlt.u32 v11, $0x20000;
	v3 =	vld.idx.msk [tilespmem:v3+s1+$0x0], $0xffff;
	[tilespmem:s4+$0xFFFFFF60] =	vst v7;
	v7 =	vsel vm0, v23, v0  }
0x2fc: {  	vm3 =	vlt.u32 v16, $0x20000;
	vm14 =	vlt.u32 v22, $0x20000;
	v4 =	vld.idx.msk [tilespmem:v4+s1+$0x0], $0xffff;
	[tilespmem:s4+$0xFFFFFF70] =	vst v7;
	v7 =	vsel vm2, v61, v0  }
0x2fd: {  	vm1 =	vlt.u32 v14, $0x20000;
	vm0 =	vlt.u32 v12, $0x20000;
	v5 =	vld.idx.msk [tilespmem:v5+s1+$0x0], $0xffff;
	[tilespmem:s4+$0xFFFFFF80] =	vst v7;
	v7 =	vsel vm4, v62, v0  }
0x2fe: {  	s5 =	simm.s32 $0x0;
	s6 =	simm.s32 $0x198F0;
	vm2 =	vlt.u32 v18, $0x20000;
	vm4 =	vlt.u32 v20, $0x20000;
	v6 =	vld.idx.msk [tilespmem:v6+s1+$0x0], $0xffff;
	[tilespmem:s4+$0xFFFFFF90] =	vst v7;
	v7 =	vsel vm5, v63, v0  }
.LBB2_20:
0x2ff: {  	v8 =	vld [tilespmem:s6+$0x0];
	s5 =	sadd.s32 $0x10, s5;
	v1 =	vsel vm14, v1, v0;
	[tilespmem:s4+$0xFFFFFFA0] =	vst v7  }
0x300: {  	v7 =	vld [tilespmem:s6+$0xFFFFFF20];
	p0 =	slt.u32 s5, $0xF0;
	[tilespmem:s4+$0xFFFFFF10] =	vst v1;
	v1 =	vsel vm0, v2, v0  }
0x301: {  	v2 =	vld [tilespmem:s6+$0xFFFFFF30];
	[tilespmem:s4+$0xFFFFFFB0] =	vst v1;
	v1 =	vsel vm1, v3, v0  }
0x302: {  	v3 =	vld [tilespmem:s6+$0xFFFFFF40];
	[tilespmem:s4+$0xFFFFFFC0] =	vst v1;
	v1 =	vsel vm3, v4, v0  }
0x303: {  	v4 =	vld [tilespmem:s6+$0xFFFFFF50];
	[tilespmem:s4+$0xFFFFFFD0] =	vst v1;
	v1 =	vsel vm2, v5, v0  }
0x304: {  	v5 =	vld [tilespmem:s6+$0xFFFFFF60];
	v9 =	vand.u32 $0x1FFFF, v8;
	[tilespmem:s4+$0xFFFFFFE0] =	vst v1;
	v1 =	vsel vm4, v6, v0  }
0x305: {  	v6 =	vand.u32 $0x1FFFF, v7;
	vm5 =	vlt.u32 v7, $0x20000;
	v7 =	vld [tilespmem:s6+$0xFFFFFF70];
	[tilespmem:s4+$0xFFFFFFF0] =	vst v1  }
0x306: {  	v1 =	vand.u32 $0x1FFFF, v2;
	vm7 =	vlt.u32 v2, $0x20000;
	v2 =	vld [tilespmem:s6+$0xFFFFFF80]  }
0x307: {  	v10 =	vand.u32 $0x1FFFF, v3;
	vm8 =	vlt.u32 v3, $0x20000;
	v3 =	vld [tilespmem:s6+$0xFFFFFF90]  }
0x308: {  	v11 =	vand.u32 $0x1FFFF, v4;
	vm6 =	vlt.u32 v4, $0x20000;
	v4 =	vld [tilespmem:s6+$0xFFFFFFA0]  }
0x309: {  	v12 =	vand.u32 $0x1FFFF, v5;
	vm9 =	vlt.u32 v5, $0x20000;
	v5 =	vld.idx.msk [tilespmem:v9+s1+$0x0], $0xffff  }
0x30a: {  	v9 =	vand.u32 $0x1FFFF, v7;
	vm10 =	vlt.u32 v7, $0x20000;
	v7 =	vld [tilespmem:s6+$0xFFFFFFB0]  }
0x30b: {  	v13 =	vand.u32 $0x1FFFF, v2;
	vm11 =	vlt.u32 v2, $0x20000;
	v2 =	vld [tilespmem:s6+$0xFFFFFFC0]  }
0x30c: {  	v14 =	vand.u32 $0x1FFFF, v3;
	vm12 =	vlt.u32 v3, $0x20000;
	v3 =	vld [tilespmem:s6+$0xFFFFFFD0]  }
0x30d: {  	v15 =	vand.u32 $0x1FFFF, v4;
	vm13 =	vlt.u32 v4, $0x20000;
	v4 =	vld [tilespmem:s6+$0xFFFFFFE0]  }
0x30e: {  	vm1 =	vlt.u32 v8, $0x20000;
	v16 =	vld [tilespmem:s6+$0xFFFFFFF0]  }
0x30f: {  	s4 =	sadd.s32 $0x100, s4;
	v5 =	vsel vm1, v5, v0;
	v8 =	vld [tilespmem:s6+$0xFFFFFF10];
	v17 =	vand.u32 $0x1FFFF, v7;
	vm0 =	vlt.u32 v7, $0x20000  }
0x310: {  	v6 =	vld.idx.msk [tilespmem:v6+s1+$0x0], $0xffff;
	v7 =	vand.u32 $0x1FFFF, v2;
	vm1 =	vlt.u32 v2, $0x20000;
	[tilespmem:s4+$0x0] =	vst v5  }
0x311: {  	v1 =	vld.idx.msk [tilespmem:v1+s1+$0x0], $0xffff;
	v5 =	vand.u32 $0x1FFFF, v3;
	vm3 =	vlt.u32 v3, $0x20000  }
0x312: {  	v2 =	vld.idx.msk [tilespmem:v10+s1+$0x0], $0xffff;
	v10 =	vand.u32 $0x1FFFF, v4;
	vm2 =	vlt.u32 v4, $0x20000  }
0x313: {  	v3 =	vld.idx.msk [tilespmem:v11+s1+$0x0], $0xffff;
	v11 =	vand.u32 $0x1FFFF, v16;
	vm4 =	vlt.u32 v16, $0x20000  }
0x314: {  	v4 =	vand.u32 $0x1FFFF, v8;
	vm14 =	vlt.u32 v8, $0x20000;
	v8 =	vld.idx.msk [tilespmem:v12+s1+$0x0], $0xffff  }
0x315: {  	v9 =	vld.idx.msk [tilespmem:v9+s1+$0x0], $0xffff  }
0x316: {  	v6 =	vsel vm5, v6, v0;
	v12 =	vld.idx.msk [tilespmem:v13+s1+$0x0], $0xffff  }
0x317: {  	v1 =	vsel vm7, v1, v0;
	[tilespmem:s4+$0xFFFFFF20] =	vst v6;
	v6 =	vld.idx.msk [tilespmem:v14+s1+$0x0], $0xffff  }
0x318: {  	v2 =	vsel vm8, v2, v0;
	[tilespmem:s4+$0xFFFFFF30] =	vst v1;
	v13 =	vld.idx.msk [tilespmem:v15+s1+$0x0], $0xffff  }
0x319: {  	v1 =	vld.idx.msk [tilespmem:v4+s1+$0x0], $0xffff;
	[tilespmem:s4+$0xFFFFFF40] =	vst v2;
	v2 =	vsel vm6, v3, v0  }
.Ltmp9:
0x31a: {  	v3 =	vsel vm9, v8, v0;
	[tilespmem:s4+$0xFFFFFF50] =	vst v2;
	v2 =	vld.idx.msk [tilespmem:v17+s1+$0x0], $0xffff;
	(pc) =	sbr.rel @p0 .LBB2_20-.Ltmp9, $4  }
0x31b: {  	v4 =	vsel vm10, v9, v0;
	[tilespmem:s4+$0xFFFFFF60] =	vst v3;
	v3 =	vld.idx.msk [tilespmem:v7+s1+$0x0], $0xffff  }
0x31c: {  	v7 =	vsel vm11, v12, v0;
	[tilespmem:s4+$0xFFFFFF70] =	vst v4;
	v4 =	vld.idx.msk [tilespmem:v5+s1+$0x0], $0xffff  }
0x31d: {  	v6 =	vsel vm12, v6, v0;
	[tilespmem:s4+$0xFFFFFF80] =	vst v7;
	v5 =	vld.idx.msk [tilespmem:v10+s1+$0x0], $0xffff  }
0x31e: {  	s6 =	sadd.s32 $0x100, s6;
	v7 =	vsel vm13, v13, v0;
	[tilespmem:s4+$0xFFFFFF90] =	vst v6;
	v6 =	vld.idx.msk [tilespmem:v11+s1+$0x0], $0xffff  }
0x31f: {  	v1 =	vsel vm14, v1, v0;
	[tilespmem:s4+$0xFFFFFFA0] =	vst v7  }
0x320: {  	[tilespmem:s4+$0xFFFFFF10] =	vst v1;
	v1 =	vsel vm0, v2, v0  }
0x321: {  	[tilespmem:s4+$0xFFFFFFB0] =	vst v1;
	v1 =	vsel vm1, v3, v0  }
0x322: {  	[tilespmem:s4+$0xFFFFFFC0] =	vst v1;
	v1 =	vsel vm3, v4, v0  }
0x323: {  	[tilespmem:s4+$0xFFFFFFD0] =	vst v1;
	v1 =	vsel vm2, v5, v0  }
0x324: {  	[tilespmem:s4+$0xFFFFFFE0] =	vst v1;
	v1 =	vsel vm4, v6, v0  }
0x325: {  	[tilespmem:s4+$0xFFFFFFF0] =	vst v1  }
0x326: {  	[hbm4b:s16+s29] =	stream.strided.scatter [tilespmem:s0], [sflag:$0x2], $0x1000, s30, s29, $0x38;
	[tilespmem:$0x1E800] =	vst v63  }
0x327: {  	_ =	swait.ge [sflag:s19], $0x1000  }
0x328: {  	[sflag:s19] =	ssyncset.done $0x0  }
0x329: {  	s6 =	simm.s32 $0x1A7F0;
	[sflag:s19] =	ssyncadd.s32 $0xFFFFF000  }
0x32a: {  	v1 =	vld [tilespmem:s6+$0x0]  }
0x32b: {  	v2 =	vld [tilespmem:s6+$0xFFFFFF20]  }
0x32c: {  	v3 =	vld [tilespmem:s6+$0xFFFFFF30]  }
0x32d: {  	v4 =	vld [tilespmem:s6+$0xFFFFFF40]  }
0x32e: {  	v5 =	vld [tilespmem:s6+$0xFFFFFF50]  }
0x32f: {  	v6 =	vld [tilespmem:s6+$0xFFFFFF60]  }
0x330: {  	v8 =	vld [tilespmem:s6+$0xFFFFFF70]  }
0x331: {  	v9 =	vld [tilespmem:s6+$0xFFFFFF80]  }
0x332: {  	v10 =	vld [tilespmem:s6+$0xFFFFFF90]  }
0x333: {  	v11 =	vld [tilespmem:s6+$0xFFFFFFA0]  }
0x334: {  	v12 =	vld [tilespmem:s6+$0xFFFFFFB0]  }
0x335: {  	v14 =	vld [tilespmem:s6+$0xFFFFFFC0];
	v7 =	vand.u32 $0x1FFFF, v1  }
0x336: {  	v16 =	vld [tilespmem:s6+$0xFFFFFFD0];
	v13 =	vand.u32 $0x1FFFF, v2  }
0x337: {  	v18 =	vld [tilespmem:s6+$0xFFFFFFE0];
	v15 =	vand.u32 $0x1FFFF, v3  }
0x338: {  	v20 =	vld [tilespmem:s6+$0xFFFFFFF0];
	v17 =	vand.u32 $0x1FFFF, v4  }
0x339: {  	v22 =	vld [tilespmem:s6+$0xFFFFFF10];
	v19 =	vand.u32 $0x1FFFF, v5  }
0x33a: {  	v21 =	vand.u32 $0x1FFFF, v6;
	v7 =	vld.idx.msk [tilespmem:v7+s1+$0x0], $0xffff  }
0x33b: {  	v23 =	vand.u32 $0x1FFFF, v8;
	v13 =	vld.idx.msk [tilespmem:v13+s1+$0x0], $0xffff  }
0x33c: {  	v24 =	vand.u32 $0x1FFFF, v9;
	v15 =	vld.idx.msk [tilespmem:v15+s1+$0x0], $0xffff  }
0x33d: {  	v25 =	vand.u32 $0x1FFFF, v10;
	v17 =	vld.idx.msk [tilespmem:v17+s1+$0x0], $0xffff  }
0x33e: {  	v26 =	vand.u32 $0x1FFFF, v11;
	v19 =	vld.idx.msk [tilespmem:v19+s1+$0x0], $0xffff  }
0x33f: {  	vm0 =	vlt.u32 v1, $0x20000;
	v1 =	vand.u32 $0x1FFFF, v22;
	v21 =	vld.idx.msk [tilespmem:v21+s1+$0x0], $0xffff  }
0x340: {  	s4 =	simm.s32 $0x1C780;
	vm1 =	vlt.u32 v2, $0x20000;
	v2 =	vand.u32 $0x1FFFF, v12;
	v23 =	vld.idx.msk [tilespmem:v23+s1+$0x0], $0xffff;
	v7 =	vsel vm0, v7, v0  }
0x341: {  	v61 =	vld.idx.msk [tilespmem:v24+s1+$0x0], $0xffff;
	vm0 =	vlt.u32 v3, $0x20000;
	v3 =	vand.u32 $0x1FFFF, v14;
	[tilespmem:s4+$0x70] =	vst v7;
	v7 =	vsel vm1, v13, v0  }
0x342: {  	v62 =	vld.idx.msk [tilespmem:v25+s1+$0x0], $0xffff;
	vm1 =	vlt.u32 v4, $0x20000;
	v4 =	vand.u32 $0x1FFFF, v16;
	[tilespmem:s4+$0xFFFFFF90] =	vst v7;
	v7 =	vsel vm0, v15, v0  }
0x343: {  	v63 =	vld.idx.msk [tilespmem:v26+s1+$0x0], $0xffff;
	vm0 =	vlt.u32 v5, $0x20000;
	v5 =	vand.u32 $0x1FFFF, v18;
	[tilespmem:s4+$0xFFFFFFA0] =	vst v7;
	v7 =	vsel vm1, v17, v0  }
0x344: {  	v1 =	vld.idx.msk [tilespmem:v1+s1+$0x0], $0xffff;
	vm1 =	vlt.u32 v6, $0x20000;
	v6 =	vand.u32 $0x1FFFF, v20;
	[tilespmem:s4+$0xFFFFFFB0] =	vst v7;
	v7 =	vsel vm0, v19, v0  }
0x345: {  	vm2 =	vlt.u32 v9, $0x20000;
	v2 =	vld.idx.msk [tilespmem:v2+s1+$0x0], $0xffff;
	vm0 =	vlt.u32 v8, $0x20000;
	[tilespmem:s4+$0xFFFFFFC0] =	vst v7;
	v7 =	vsel vm1, v21, v0  }
0x346: {  	vm4 =	vlt.u32 v10, $0x20000;
	vm5 =	vlt.u32 v11, $0x20000;
	v3 =	vld.idx.msk [tilespmem:v3+s1+$0x0], $0xffff;
	[tilespmem:s4+$0xFFFFFFD0] =	vst v7;
	v7 =	vsel vm0, v23, v0  }
0x347: {  	vm3 =	vlt.u32 v16, $0x20000;
	vm14 =	vlt.u32 v22, $0x20000;
	v4 =	vld.idx.msk [tilespmem:v4+s1+$0x0], $0xffff;
	[tilespmem:s4+$0xFFFFFFE0] =	vst v7;
	v7 =	vsel vm2, v61, v0  }
0x348: {  	vm1 =	vlt.u32 v14, $0x20000;
	vm0 =	vlt.u32 v12, $0x20000;
	v5 =	vld.idx.msk [tilespmem:v5+s1+$0x0], $0xffff;
	[tilespmem:s4+$0xFFFFFFF0] =	vst v7;
	v7 =	vsel vm4, v62, v0  }
0x349: {  	s5 =	simm.s32 $0x0;
	s6 =	simm.s32 $0x1A8F0;
	vm2 =	vlt.u32 v18, $0x20000;
	vm4 =	vlt.u32 v20, $0x20000;
	v6 =	vld.idx.msk [tilespmem:v6+s1+$0x0], $0xffff;
	[tilespmem:s4+$0x0] =	vst v7;
	v7 =	vsel vm5, v63, v0  }
.LBB2_22:
0x34a: {  	v8 =	vld [tilespmem:s6+$0x0];
	s5 =	sadd.s32 $0x10, s5;
	v1 =	vsel vm14, v1, v0;
	[tilespmem:s4+$0x10] =	vst v7  }
0x34b: {  	v7 =	vld [tilespmem:s6+$0xFFFFFF20];
	p0 =	slt.u32 s5, $0xF0;
	[tilespmem:s4+$0xFFFFFF80] =	vst v1;
	v1 =	vsel vm0, v2, v0  }
0x34c: {  	v2 =	vld [tilespmem:s6+$0xFFFFFF30];
	[tilespmem:s4+$0x20] =	vst v1;
	v1 =	vsel vm1, v3, v0  }
0x34d: {  	v3 =	vld [tilespmem:s6+$0xFFFFFF40];
	[tilespmem:s4+$0x30] =	vst v1;
	v1 =	vsel vm3, v4, v0  }
0x34e: {  	v4 =	vld [tilespmem:s6+$0xFFFFFF50];
	[tilespmem:s4+$0x40] =	vst v1;
	v1 =	vsel vm2, v5, v0  }
0x34f: {  	v5 =	vld [tilespmem:s6+$0xFFFFFF60];
	v9 =	vand.u32 $0x1FFFF, v8;
	[tilespmem:s4+$0x50] =	vst v1;
	v1 =	vsel vm4, v6, v0  }
0x350: {  	v6 =	vand.u32 $0x1FFFF, v7;
	vm5 =	vlt.u32 v7, $0x20000;
	v7 =	vld [tilespmem:s6+$0xFFFFFF70];
	[tilespmem:s4+$0x60] =	vst v1  }
0x351: {  	v1 =	vand.u32 $0x1FFFF, v2;
	vm7 =	vlt.u32 v2, $0x20000;
	v2 =	vld [tilespmem:s6+$0xFFFFFF80]  }
0x352: {  	v10 =	vand.u32 $0x1FFFF, v3;
	vm8 =	vlt.u32 v3, $0x20000;
	v3 =	vld [tilespmem:s6+$0xFFFFFF90]  }
0x353: {  	v11 =	vand.u32 $0x1FFFF, v4;
	vm6 =	vlt.u32 v4, $0x20000;
	v4 =	vld [tilespmem:s6+$0xFFFFFFA0]  }
0x354: {  	v12 =	vand.u32 $0x1FFFF, v5;
	vm9 =	vlt.u32 v5, $0x20000;
	v5 =	vld.idx.msk [tilespmem:v9+s1+$0x0], $0xffff  }
0x355: {  	v9 =	vand.u32 $0x1FFFF, v7;
	vm10 =	vlt.u32 v7, $0x20000;
	v7 =	vld [tilespmem:s6+$0xFFFFFFB0]  }
0x356: {  	v13 =	vand.u32 $0x1FFFF, v2;
	vm11 =	vlt.u32 v2, $0x20000;
	v2 =	vld [tilespmem:s6+$0xFFFFFFC0]  }
0x357: {  	v14 =	vand.u32 $0x1FFFF, v3;
	vm12 =	vlt.u32 v3, $0x20000;
	v3 =	vld [tilespmem:s6+$0xFFFFFFD0]  }
0x358: {  	v15 =	vand.u32 $0x1FFFF, v4;
	vm13 =	vlt.u32 v4, $0x20000;
	v4 =	vld [tilespmem:s6+$0xFFFFFFE0]  }
0x359: {  	vm1 =	vlt.u32 v8, $0x20000;
	v16 =	vld [tilespmem:s6+$0xFFFFFFF0]  }
0x35a: {  	s4 =	sadd.s32 $0x100, s4;
	v5 =	vsel vm1, v5, v0;
	v8 =	vld [tilespmem:s6+$0xFFFFFF10];
	v17 =	vand.u32 $0x1FFFF, v7;
	vm0 =	vlt.u32 v7, $0x20000  }
0x35b: {  	v6 =	vld.idx.msk [tilespmem:v6+s1+$0x0], $0xffff;
	v7 =	vand.u32 $0x1FFFF, v2;
	vm1 =	vlt.u32 v2, $0x20000;
	[tilespmem:s4+$0x70] =	vst v5  }
0x35c: {  	v1 =	vld.idx.msk [tilespmem:v1+s1+$0x0], $0xffff;
	v5 =	vand.u32 $0x1FFFF, v3;
	vm3 =	vlt.u32 v3, $0x20000  }
0x35d: {  	v2 =	vld.idx.msk [tilespmem:v10+s1+$0x0], $0xffff;
	v10 =	vand.u32 $0x1FFFF, v4;
	vm2 =	vlt.u32 v4, $0x20000  }
0x35e: {  	v3 =	vld.idx.msk [tilespmem:v11+s1+$0x0], $0xffff;
	v11 =	vand.u32 $0x1FFFF, v16;
	vm4 =	vlt.u32 v16, $0x20000  }
0x35f: {  	v4 =	vand.u32 $0x1FFFF, v8;
	vm14 =	vlt.u32 v8, $0x20000;
	v8 =	vld.idx.msk [tilespmem:v12+s1+$0x0], $0xffff  }
0x360: {  	v9 =	vld.idx.msk [tilespmem:v9+s1+$0x0], $0xffff  }
0x361: {  	v6 =	vsel vm5, v6, v0;
	v12 =	vld.idx.msk [tilespmem:v13+s1+$0x0], $0xffff  }
0x362: {  	v1 =	vsel vm7, v1, v0;
	[tilespmem:s4+$0xFFFFFF90] =	vst v6;
	v6 =	vld.idx.msk [tilespmem:v14+s1+$0x0], $0xffff  }
0x363: {  	v2 =	vsel vm8, v2, v0;
	[tilespmem:s4+$0xFFFFFFA0] =	vst v1;
	v13 =	vld.idx.msk [tilespmem:v15+s1+$0x0], $0xffff  }
0x364: {  	v1 =	vld.idx.msk [tilespmem:v4+s1+$0x0], $0xffff;
	[tilespmem:s4+$0xFFFFFFB0] =	vst v2;
	v2 =	vsel vm6, v3, v0  }
.Ltmp10:
0x365: {  	v3 =	vsel vm9, v8, v0;
	[tilespmem:s4+$0xFFFFFFC0] =	vst v2;
	v2 =	vld.idx.msk [tilespmem:v17+s1+$0x0], $0xffff;
	(pc) =	sbr.rel @p0 .LBB2_22-.Ltmp10, $4  }
0x366: {  	v4 =	vsel vm10, v9, v0;
	[tilespmem:s4+$0xFFFFFFD0] =	vst v3;
	v3 =	vld.idx.msk [tilespmem:v7+s1+$0x0], $0xffff  }
0x367: {  	v7 =	vsel vm11, v12, v0;
	[tilespmem:s4+$0xFFFFFFE0] =	vst v4;
	v4 =	vld.idx.msk [tilespmem:v5+s1+$0x0], $0xffff  }
0x368: {  	v6 =	vsel vm12, v6, v0;
	[tilespmem:s4+$0xFFFFFFF0] =	vst v7;
	v5 =	vld.idx.msk [tilespmem:v10+s1+$0x0], $0xffff  }
0x369: {  	s6 =	sadd.s32 $0x100, s6;
	v7 =	vsel vm13, v13, v0;
	[tilespmem:s4+$0x0] =	vst v6;
	v6 =	vld.idx.msk [tilespmem:v11+s1+$0x0], $0xffff  }
0x36a: {  	v1 =	vsel vm14, v1, v0;
	[tilespmem:s4+$0x10] =	vst v7  }
0x36b: {  	[tilespmem:s4+$0xFFFFFF80] =	vst v1;
	v1 =	vsel vm0, v2, v0  }
0x36c: {  	[tilespmem:s4+$0x20] =	vst v1;
	v1 =	vsel vm1, v3, v0  }
0x36d: {  	[tilespmem:s4+$0x30] =	vst v1;
	v1 =	vsel vm3, v4, v0  }
0x36e: {  	[tilespmem:s4+$0x40] =	vst v1;
	v1 =	vsel vm2, v5, v0  }
0x36f: {  	[tilespmem:s4+$0x50] =	vst v1;
	v1 =	vsel vm4, v6, v0  }
0x370: {  	[tilespmem:s4+$0x60] =	vst v1  }
0x371: {  	[hbm4b:s17+s29] =	stream.strided.scatter [tilespmem:s31], [sflag:$0x2], $0x1000, s30, s29, $0x38;
	[tilespmem:$0x1E800] =	vst v63  }
0x372: {  	_ =	swait.ge [sflag:s19], $0x1000  }
0x373: {  	[sflag:s19] =	ssyncset.done $0x0  }
0x374: {  	s6 =	simm.s32 $0x1B7F0;
	[sflag:s19] =	ssyncadd.s32 $0xFFFFF000  }
0x375: {  	v1 =	vld [tilespmem:s6+$0x0]  }
0x376: {  	v2 =	vld [tilespmem:s6+$0xFFFFFF20]  }
0x377: {  	v3 =	vld [tilespmem:s6+$0xFFFFFF30]  }
0x378: {  	v4 =	vld [tilespmem:s6+$0xFFFFFF40]  }
0x379: {  	v5 =	vld [tilespmem:s6+$0xFFFFFF50]  }
0x37a: {  	v6 =	vld [tilespmem:s6+$0xFFFFFF60]  }
0x37b: {  	v8 =	vld [tilespmem:s6+$0xFFFFFF70]  }
0x37c: {  	v9 =	vld [tilespmem:s6+$0xFFFFFF80]  }
0x37d: {  	v10 =	vld [tilespmem:s6+$0xFFFFFF90]  }
0x37e: {  	v11 =	vld [tilespmem:s6+$0xFFFFFFA0]  }
0x37f: {  	v12 =	vld [tilespmem:s6+$0xFFFFFFB0]  }
0x380: {  	v14 =	vld [tilespmem:s6+$0xFFFFFFC0];
	v7 =	vand.u32 $0x1FFFF, v1  }
0x381: {  	v16 =	vld [tilespmem:s6+$0xFFFFFFD0];
	v13 =	vand.u32 $0x1FFFF, v2  }
0x382: {  	v18 =	vld [tilespmem:s6+$0xFFFFFFE0];
	v15 =	vand.u32 $0x1FFFF, v3  }
0x383: {  	v20 =	vld [tilespmem:s6+$0xFFFFFFF0];
	v17 =	vand.u32 $0x1FFFF, v4  }
0x384: {  	v22 =	vld [tilespmem:s6+$0xFFFFFF10];
	v19 =	vand.u32 $0x1FFFF, v5  }
0x385: {  	v21 =	vand.u32 $0x1FFFF, v6;
	v7 =	vld.idx.msk [tilespmem:v7+s1+$0x0], $0xffff  }
0x386: {  	v23 =	vand.u32 $0x1FFFF, v8;
	v13 =	vld.idx.msk [tilespmem:v13+s1+$0x0], $0xffff  }
0x387: {  	v24 =	vand.u32 $0x1FFFF, v9;
	v15 =	vld.idx.msk [tilespmem:v15+s1+$0x0], $0xffff  }
0x388: {  	v25 =	vand.u32 $0x1FFFF, v10;
	v17 =	vld.idx.msk [tilespmem:v17+s1+$0x0], $0xffff  }
0x389: {  	v26 =	vand.u32 $0x1FFFF, v11;
	v19 =	vld.idx.msk [tilespmem:v19+s1+$0x0], $0xffff  }
0x38a: {  	vm0 =	vlt.u32 v1, $0x20000;
	v1 =	vand.u32 $0x1FFFF, v22;
	v21 =	vld.idx.msk [tilespmem:v21+s1+$0x0], $0xffff  }
0x38b: {  	s4 =	simm.s32 $0x1D7F0;
	vm1 =	vlt.u32 v2, $0x20000;
	v2 =	vand.u32 $0x1FFFF, v12;
	v23 =	vld.idx.msk [tilespmem:v23+s1+$0x0], $0xffff;
	v7 =	vsel vm0, v7, v0  }
0x38c: {  	v61 =	vld.idx.msk [tilespmem:v24+s1+$0x0], $0xffff;
	vm0 =	vlt.u32 v3, $0x20000;
	v3 =	vand.u32 $0x1FFFF, v14;
	[tilespmem:s4+$0x0] =	vst v7;
	v7 =	vsel vm1, v13, v0  }
0x38d: {  	v62 =	vld.idx.msk [tilespmem:v25+s1+$0x0], $0xffff;
	vm1 =	vlt.u32 v4, $0x20000;
	v4 =	vand.u32 $0x1FFFF, v16;
	[tilespmem:s4+$0xFFFFFF20] =	vst v7;
	v7 =	vsel vm0, v15, v0  }
0x38e: {  	v63 =	vld.idx.msk [tilespmem:v26+s1+$0x0], $0xffff;
	vm0 =	vlt.u32 v5, $0x20000;
	v5 =	vand.u32 $0x1FFFF, v18;
	[tilespmem:s4+$0xFFFFFF30] =	vst v7;
	v7 =	vsel vm1, v17, v0  }
0x38f: {  	v1 =	vld.idx.msk [tilespmem:v1+s1+$0x0], $0xffff;
	vm1 =	vlt.u32 v6, $0x20000;
	v6 =	vand.u32 $0x1FFFF, v20;
	[tilespmem:s4+$0xFFFFFF40] =	vst v7;
	v7 =	vsel vm0, v19, v0  }
0x390: {  	vm2 =	vlt.u32 v9, $0x20000;
	v2 =	vld.idx.msk [tilespmem:v2+s1+$0x0], $0xffff;
	vm0 =	vlt.u32 v8, $0x20000;
	[tilespmem:s4+$0xFFFFFF50] =	vst v7;
	v7 =	vsel vm1, v21, v0  }
0x391: {  	vm4 =	vlt.u32 v10, $0x20000;
	vm5 =	vlt.u32 v11, $0x20000;
	v3 =	vld.idx.msk [tilespmem:v3+s1+$0x0], $0xffff;
	[tilespmem:s4+$0xFFFFFF60] =	vst v7;
	v7 =	vsel vm0, v23, v0  }
0x392: {  	vm3 =	vlt.u32 v16, $0x20000;
	vm14 =	vlt.u32 v22, $0x20000;
	v4 =	vld.idx.msk [tilespmem:v4+s1+$0x0], $0xffff;
	[tilespmem:s4+$0xFFFFFF70] =	vst v7;
	v7 =	vsel vm2, v61, v0  }
0x393: {  	vm1 =	vlt.u32 v14, $0x20000;
	vm0 =	vlt.u32 v12, $0x20000;
	v5 =	vld.idx.msk [tilespmem:v5+s1+$0x0], $0xffff;
	[tilespmem:s4+$0xFFFFFF80] =	vst v7;
	v7 =	vsel vm4, v62, v0  }
0x394: {  	s5 =	simm.s32 $0x0;
	s6 =	simm.s32 $0x1B8F0;
	vm2 =	vlt.u32 v18, $0x20000;
	vm4 =	vlt.u32 v20, $0x20000;
	v6 =	vld.idx.msk [tilespmem:v6+s1+$0x0], $0xffff;
	[tilespmem:s4+$0xFFFFFF90] =	vst v7;
	v7 =	vsel vm5, v63, v0  }
.LBB2_24:
0x395: {  	v8 =	vld [tilespmem:s6+$0x0];
	s5 =	sadd.s32 $0x10, s5;
	v1 =	vsel vm14, v1, v0;
	[tilespmem:s4+$0xFFFFFFA0] =	vst v7  }
0x396: {  	v7 =	vld [tilespmem:s6+$0xFFFFFF20];
	p0 =	slt.u32 s5, $0xF0;
	[tilespmem:s4+$0xFFFFFF10] =	vst v1;
	v1 =	vsel vm0, v2, v0  }
0x397: {  	v2 =	vld [tilespmem:s6+$0xFFFFFF30];
	[tilespmem:s4+$0xFFFFFFB0] =	vst v1;
	v1 =	vsel vm1, v3, v0  }
0x398: {  	v3 =	vld [tilespmem:s6+$0xFFFFFF40];
	[tilespmem:s4+$0xFFFFFFC0] =	vst v1;
	v1 =	vsel vm3, v4, v0  }
0x399: {  	v4 =	vld [tilespmem:s6+$0xFFFFFF50];
	[tilespmem:s4+$0xFFFFFFD0] =	vst v1;
	v1 =	vsel vm2, v5, v0  }
0x39a: {  	v5 =	vld [tilespmem:s6+$0xFFFFFF60];
	v9 =	vand.u32 $0x1FFFF, v8;
	[tilespmem:s4+$0xFFFFFFE0] =	vst v1;
	v1 =	vsel vm4, v6, v0  }
0x39b: {  	v6 =	vand.u32 $0x1FFFF, v7;
	vm5 =	vlt.u32 v7, $0x20000;
	v7 =	vld [tilespmem:s6+$0xFFFFFF70];
	[tilespmem:s4+$0xFFFFFFF0] =	vst v1  }
0x39c: {  	v1 =	vand.u32 $0x1FFFF, v2;
	vm7 =	vlt.u32 v2, $0x20000;
	v2 =	vld [tilespmem:s6+$0xFFFFFF80]  }
0x39d: {  	v10 =	vand.u32 $0x1FFFF, v3;
	vm8 =	vlt.u32 v3, $0x20000;
	v3 =	vld [tilespmem:s6+$0xFFFFFF90]  }
0x39e: {  	v11 =	vand.u32 $0x1FFFF, v4;
	vm6 =	vlt.u32 v4, $0x20000;
	v4 =	vld [tilespmem:s6+$0xFFFFFFA0]  }
0x39f: {  	v12 =	vand.u32 $0x1FFFF, v5;
	vm9 =	vlt.u32 v5, $0x20000;
	v5 =	vld.idx.msk [tilespmem:v9+s1+$0x0], $0xffff  }
0x3a0: {  	v9 =	vand.u32 $0x1FFFF, v7;
	vm10 =	vlt.u32 v7, $0x20000;
	v7 =	vld [tilespmem:s6+$0xFFFFFFB0]  }
0x3a1: {  	v13 =	vand.u32 $0x1FFFF, v2;
	vm11 =	vlt.u32 v2, $0x20000;
	v2 =	vld [tilespmem:s6+$0xFFFFFFC0]  }
0x3a2: {  	v14 =	vand.u32 $0x1FFFF, v3;
	vm12 =	vlt.u32 v3, $0x20000;
	v3 =	vld [tilespmem:s6+$0xFFFFFFD0]  }
0x3a3: {  	v15 =	vand.u32 $0x1FFFF, v4;
	vm13 =	vlt.u32 v4, $0x20000;
	v4 =	vld [tilespmem:s6+$0xFFFFFFE0]  }
0x3a4: {  	vm1 =	vlt.u32 v8, $0x20000;
	v16 =	vld [tilespmem:s6+$0xFFFFFFF0]  }
0x3a5: {  	s4 =	sadd.s32 $0x100, s4;
	v5 =	vsel vm1, v5, v0;
	v8 =	vld [tilespmem:s6+$0xFFFFFF10];
	v17 =	vand.u32 $0x1FFFF, v7;
	vm0 =	vlt.u32 v7, $0x20000  }
0x3a6: {  	v6 =	vld.idx.msk [tilespmem:v6+s1+$0x0], $0xffff;
	v7 =	vand.u32 $0x1FFFF, v2;
	vm1 =	vlt.u32 v2, $0x20000;
	[tilespmem:s4+$0x0] =	vst v5  }
0x3a7: {  	v1 =	vld.idx.msk [tilespmem:v1+s1+$0x0], $0xffff;
	v5 =	vand.u32 $0x1FFFF, v3;
	vm3 =	vlt.u32 v3, $0x20000  }
0x3a8: {  	v2 =	vld.idx.msk [tilespmem:v10+s1+$0x0], $0xffff;
	v10 =	vand.u32 $0x1FFFF, v4;
	vm2 =	vlt.u32 v4, $0x20000  }
0x3a9: {  	v3 =	vld.idx.msk [tilespmem:v11+s1+$0x0], $0xffff;
	v11 =	vand.u32 $0x1FFFF, v16;
	vm4 =	vlt.u32 v16, $0x20000  }
0x3aa: {  	v4 =	vand.u32 $0x1FFFF, v8;
	vm14 =	vlt.u32 v8, $0x20000;
	v8 =	vld.idx.msk [tilespmem:v12+s1+$0x0], $0xffff  }
0x3ab: {  	v9 =	vld.idx.msk [tilespmem:v9+s1+$0x0], $0xffff  }
0x3ac: {  	v6 =	vsel vm5, v6, v0;
	v12 =	vld.idx.msk [tilespmem:v13+s1+$0x0], $0xffff  }
0x3ad: {  	v1 =	vsel vm7, v1, v0;
	[tilespmem:s4+$0xFFFFFF20] =	vst v6;
	v6 =	vld.idx.msk [tilespmem:v14+s1+$0x0], $0xffff  }
0x3ae: {  	v2 =	vsel vm8, v2, v0;
	[tilespmem:s4+$0xFFFFFF30] =	vst v1;
	v13 =	vld.idx.msk [tilespmem:v15+s1+$0x0], $0xffff  }
0x3af: {  	v1 =	vld.idx.msk [tilespmem:v4+s1+$0x0], $0xffff;
	[tilespmem:s4+$0xFFFFFF40] =	vst v2;
	v2 =	vsel vm6, v3, v0  }
.Ltmp11:
0x3b0: {  	v3 =	vsel vm9, v8, v0;
	[tilespmem:s4+$0xFFFFFF50] =	vst v2;
	v2 =	vld.idx.msk [tilespmem:v17+s1+$0x0], $0xffff;
	(pc) =	sbr.rel @p0 .LBB2_24-.Ltmp11, $4  }
0x3b1: {  	v4 =	vsel vm10, v9, v0;
	[tilespmem:s4+$0xFFFFFF60] =	vst v3;
	v3 =	vld.idx.msk [tilespmem:v7+s1+$0x0], $0xffff  }
0x3b2: {  	v7 =	vsel vm11, v12, v0;
	[tilespmem:s4+$0xFFFFFF70] =	vst v4;
	v4 =	vld.idx.msk [tilespmem:v5+s1+$0x0], $0xffff  }
0x3b3: {  	v6 =	vsel vm12, v6, v0;
	[tilespmem:s4+$0xFFFFFF80] =	vst v7;
	v5 =	vld.idx.msk [tilespmem:v10+s1+$0x0], $0xffff  }
0x3b4: {  	s6 =	sadd.s32 $0x100, s6;
	v7 =	vsel vm13, v13, v0;
	[tilespmem:s4+$0xFFFFFF90] =	vst v6;
	v6 =	vld.idx.msk [tilespmem:v11+s1+$0x0], $0xffff  }
0x3b5: {  	v1 =	vsel vm14, v1, v0;
	[tilespmem:s4+$0xFFFFFFA0] =	vst v7  }
0x3b6: {  	[tilespmem:s4+$0xFFFFFF10] =	vst v1;
	v1 =	vsel vm0, v2, v0  }
0x3b7: {  	[tilespmem:s4+$0xFFFFFFB0] =	vst v1;
	v1 =	vsel vm1, v3, v0  }
0x3b8: {  	[tilespmem:s4+$0xFFFFFFC0] =	vst v1;
	v1 =	vsel vm3, v4, v0  }
0x3b9: {  	[tilespmem:s4+$0xFFFFFFD0] =	vst v1;
	v1 =	vsel vm2, v5, v0  }
0x3ba: {  	v0 =	vsel vm4, v6, v0;
	[tilespmem:s4+$0xFFFFFFE0] =	vst v1  }
0x3bb: {  	[tilespmem:s4+$0xFFFFFFF0] =	vst v0  }
0x3bc: {  	[hbm4b:s20+s29] =	stream.strided.scatter [tilespmem:s0], [sflag:$0x2], $0x1000, s30, s29, $0x38;
	[tilespmem:$0x1E800] =	vst v63  }
0x3bd: {  	_ = 	snop  }
0x3be: {  	[tilespmem:s1], [sflag:$0x1] =	stream.strided.gather [hbm4b:s12+s29], $0x18700, s30, s29, $0x38;
	[tilespmem:$0x1E800] =	vst v63  }
0x3bf: {  	_ =	swait.ge [sflag:s19], $0x1000  }
0x3c0: {  	[sflag:s19] =	ssyncset.done $0x0  }
0x3c1: {  	[sflag:s19] =	ssyncadd.s32 $0xFFFFF000  }
0x3c2: {  	_ =	swait.ge [sflag:s19], $0x1000  }
0x3c3: {  	[sflag:s19] =	ssyncset.done $0x0  }
0x3c4: {  	[sflag:s19] =	ssyncadd.s32 $0xFFFFF000  }
0x3c5: {  	_ =	swait.ge [sflag:s22], $0x18700  }
0x3c6: {  	[sflag:s22] =	ssyncset.done $0x0  }
0x3c7: {  	[sflag:s22] =	ssyncadd.s32 $0xFFFE7900  }
0x3c8: {  	s6 =	simm.s32 $0x18780;
	v0 =	vld.msk [tilespmem:s2+$0x1E741 ss:$0x0], $0xffff  }
0x3c9: {  	v1 =	vld [tilespmem:s6+$0x70]  }
0x3ca: {  	v2 =	vld [tilespmem:s6+$0xFFFFFF90]  }
0x3cb: {  	v3 =	vld [tilespmem:s6+$0xFFFFFFA0]  }
0x3cc: {  	v4 =	vld [tilespmem:s6+$0xFFFFFFB0]  }
0x3cd: {  	v5 =	vld [tilespmem:s6+$0xFFFFFFC0]  }
0x3ce: {  	v6 =	vld [tilespmem:s6+$0xFFFFFFD0]  }
0x3cf: {  	v8 =	vld [tilespmem:s6+$0xFFFFFFE0]  }
0x3d0: {  	v9 =	vld [tilespmem:s6+$0xFFFFFFF0]  }
0x3d1: {  	v10 =	vld [tilespmem:s6+$0x0]  }
0x3d2: {  	v11 =	vld [tilespmem:s6+$0x10]  }
0x3d3: {  	v12 =	vld [tilespmem:s6+$0x20]  }
0x3d4: {  	v14 =	vld [tilespmem:s6+$0x30];
	v7 =	vand.u32 $0x1FFFF, v1  }
0x3d5: {  	v16 =	vld [tilespmem:s6+$0x40];
	v13 =	vand.u32 $0x1FFFF, v2  }
0x3d6: {  	v18 =	vld [tilespmem:s6+$0x50];
	v15 =	vand.u32 $0x1FFFF, v3  }
0x3d7: {  	v20 =	vld [tilespmem:s6+$0x60];
	v17 =	vand.u32 $0x1FFFF, v4  }
0x3d8: {  	v22 =	vld [tilespmem:s6+$0xFFFFFF80];
	v19 =	vand.u32 $0x1FFFF, v5  }
0x3d9: {  	v21 =	vand.u32 $0x1FFFF, v6;
	v7 =	vld.idx.msk [tilespmem:v7+s1+$0x0], $0xffff  }
0x3da: {  	v23 =	vand.u32 $0x1FFFF, v8;
	v13 =	vld.idx.msk [tilespmem:v13+s1+$0x0], $0xffff  }
0x3db: {  	v24 =	vand.u32 $0x1FFFF, v9;
	v15 =	vld.idx.msk [tilespmem:v15+s1+$0x0], $0xffff  }
0x3dc: {  	v25 =	vand.u32 $0x1FFFF, v10;
	v17 =	vld.idx.msk [tilespmem:v17+s1+$0x0], $0xffff  }
0x3dd: {  	v26 =	vand.u32 $0x1FFFF, v11;
	v19 =	vld.idx.msk [tilespmem:v19+s1+$0x0], $0xffff  }
0x3de: {  	vm0 =	vlt.u32 v1, $0x20000;
	v1 =	vand.u32 $0x1FFFF, v22;
	v21 =	vld.idx.msk [tilespmem:v21+s1+$0x0], $0xffff  }
0x3df: {  	s4 =	simm.s32 $0x1C780;
	vm1 =	vlt.u32 v2, $0x20000;
	v2 =	vand.u32 $0x1FFFF, v12;
	v23 =	vld.idx.msk [tilespmem:v23+s1+$0x0], $0xffff;
	v7 =	vsel vm0, v7, v0  }
0x3e0: {  	v61 =	vld.idx.msk [tilespmem:v24+s1+$0x0], $0xffff;
	vm0 =	vlt.u32 v3, $0x20000;
	v3 =	vand.u32 $0x1FFFF, v14;
	[tilespmem:s4+$0x70] =	vst v7;
	v7 =	vsel vm1, v13, v0  }
0x3e1: {  	v62 =	vld.idx.msk [tilespmem:v25+s1+$0x0], $0xffff;
	vm1 =	vlt.u32 v4, $0x20000;
	v4 =	vand.u32 $0x1FFFF, v16;
	[tilespmem:s4+$0xFFFFFF90] =	vst v7;
	v7 =	vsel vm0, v15, v0  }
0x3e2: {  	v63 =	vld.idx.msk [tilespmem:v26+s1+$0x0], $0xffff;
	vm0 =	vlt.u32 v5, $0x20000;
	v5 =	vand.u32 $0x1FFFF, v18;
	[tilespmem:s4+$0xFFFFFFA0] =	vst v7;
	v7 =	vsel vm1, v17, v0  }
0x3e3: {  	v1 =	vld.idx.msk [tilespmem:v1+s1+$0x0], $0xffff;
	vm1 =	vlt.u32 v6, $0x20000;
	v6 =	vand.u32 $0x1FFFF, v20;
	[tilespmem:s4+$0xFFFFFFB0] =	vst v7;
	v7 =	vsel vm0, v19, v0  }
0x3e4: {  	vm2 =	vlt.u32 v9, $0x20000;
	v2 =	vld.idx.msk [tilespmem:v2+s1+$0x0], $0xffff;
	vm0 =	vlt.u32 v8, $0x20000;
	[tilespmem:s4+$0xFFFFFFC0] =	vst v7;
	v7 =	vsel vm1, v21, v0  }
0x3e5: {  	vm4 =	vlt.u32 v10, $0x20000;
	vm5 =	vlt.u32 v11, $0x20000;
	v3 =	vld.idx.msk [tilespmem:v3+s1+$0x0], $0xffff;
	[tilespmem:s4+$0xFFFFFFD0] =	vst v7;
	v7 =	vsel vm0, v23, v0  }
0x3e6: {  	vm3 =	vlt.u32 v16, $0x20000;
	vm14 =	vlt.u32 v22, $0x20000;
	v4 =	vld.idx.msk [tilespmem:v4+s1+$0x0], $0xffff;
	[tilespmem:s4+$0xFFFFFFE0] =	vst v7;
	v7 =	vsel vm2, v61, v0  }
0x3e7: {  	vm1 =	vlt.u32 v14, $0x20000;
	vm0 =	vlt.u32 v12, $0x20000;
	v5 =	vld.idx.msk [tilespmem:v5+s1+$0x0], $0xffff;
	[tilespmem:s4+$0xFFFFFFF0] =	vst v7;
	v7 =	vsel vm4, v62, v0  }
0x3e8: {  	s5 =	simm.s32 $0x0;
	s6 =	simm.s32 $0x18880;
	vm2 =	vlt.u32 v18, $0x20000;
	vm4 =	vlt.u32 v20, $0x20000;
	v6 =	vld.idx.msk [tilespmem:v6+s1+$0x0], $0xffff;
	[tilespmem:s4+$0x0] =	vst v7;
	v7 =	vsel vm5, v63, v0  }
.LBB2_26:
0x3e9: {  	v8 =	vld [tilespmem:s6+$0x70];
	s5 =	sadd.s32 $0x10, s5;
	v1 =	vsel vm14, v1, v0;
	[tilespmem:s4+$0x10] =	vst v7  }
0x3ea: {  	v7 =	vld [tilespmem:s6+$0xFFFFFF90];
	p0 =	slt.u32 s5, $0xF0;
	[tilespmem:s4+$0xFFFFFF80] =	vst v1;
	v1 =	vsel vm0, v2, v0  }
0x3eb: {  	v2 =	vld [tilespmem:s6+$0xFFFFFFA0];
	[tilespmem:s4+$0x20] =	vst v1;
	v1 =	vsel vm1, v3, v0  }
0x3ec: {  	v3 =	vld [tilespmem:s6+$0xFFFFFFB0];
	[tilespmem:s4+$0x30] =	vst v1;
	v1 =	vsel vm3, v4, v0  }
0x3ed: {  	v4 =	vld [tilespmem:s6+$0xFFFFFFC0];
	[tilespmem:s4+$0x40] =	vst v1;
	v1 =	vsel vm2, v5, v0  }
0x3ee: {  	v5 =	vld [tilespmem:s6+$0xFFFFFFD0];
	v9 =	vand.u32 $0x1FFFF, v8;
	[tilespmem:s4+$0x50] =	vst v1;
	v1 =	vsel vm4, v6, v0  }
0x3ef: {  	v6 =	vand.u32 $0x1FFFF, v7;
	vm5 =	vlt.u32 v7, $0x20000;
	v7 =	vld [tilespmem:s6+$0xFFFFFFE0];
	[tilespmem:s4+$0x60] =	vst v1  }
0x3f0: {  	v1 =	vand.u32 $0x1FFFF, v2;
	vm7 =	vlt.u32 v2, $0x20000;
	v2 =	vld [tilespmem:s6+$0xFFFFFFF0]  }
0x3f1: {  	v10 =	vand.u32 $0x1FFFF, v3;
	vm8 =	vlt.u32 v3, $0x20000;
	v3 =	vld [tilespmem:s6+$0x0]  }
0x3f2: {  	v11 =	vand.u32 $0x1FFFF, v4;
	vm6 =	vlt.u32 v4, $0x20000;
	v4 =	vld [tilespmem:s6+$0x10]  }
0x3f3: {  	v12 =	vand.u32 $0x1FFFF, v5;
	vm9 =	vlt.u32 v5, $0x20000;
	v5 =	vld.idx.msk [tilespmem:v9+s1+$0x0], $0xffff  }
0x3f4: {  	v9 =	vand.u32 $0x1FFFF, v7;
	vm10 =	vlt.u32 v7, $0x20000;
	v7 =	vld [tilespmem:s6+$0x20]  }
0x3f5: {  	v13 =	vand.u32 $0x1FFFF, v2;
	vm11 =	vlt.u32 v2, $0x20000;
	v2 =	vld [tilespmem:s6+$0x30]  }
0x3f6: {  	v14 =	vand.u32 $0x1FFFF, v3;
	vm12 =	vlt.u32 v3, $0x20000;
	v3 =	vld [tilespmem:s6+$0x40]  }
0x3f7: {  	v15 =	vand.u32 $0x1FFFF, v4;
	vm13 =	vlt.u32 v4, $0x20000;
	v4 =	vld [tilespmem:s6+$0x50]  }
0x3f8: {  	vm1 =	vlt.u32 v8, $0x20000;
	v16 =	vld [tilespmem:s6+$0x60]  }
0x3f9: {  	s4 =	sadd.s32 $0x100, s4;
	v5 =	vsel vm1, v5, v0;
	v8 =	vld [tilespmem:s6+$0xFFFFFF80];
	v17 =	vand.u32 $0x1FFFF, v7;
	vm0 =	vlt.u32 v7, $0x20000  }
0x3fa: {  	v6 =	vld.idx.msk [tilespmem:v6+s1+$0x0], $0xffff;
	v7 =	vand.u32 $0x1FFFF, v2;
	vm1 =	vlt.u32 v2, $0x20000;
	[tilespmem:s4+$0x70] =	vst v5  }
0x3fb: {  	v1 =	vld.idx.msk [tilespmem:v1+s1+$0x0], $0xffff;
	v5 =	vand.u32 $0x1FFFF, v3;
	vm3 =	vlt.u32 v3, $0x20000  }
0x3fc: {  	v2 =	vld.idx.msk [tilespmem:v10+s1+$0x0], $0xffff;
	v10 =	vand.u32 $0x1FFFF, v4;
	vm2 =	vlt.u32 v4, $0x20000  }
0x3fd: {  	v3 =	vld.idx.msk [tilespmem:v11+s1+$0x0], $0xffff;
	v11 =	vand.u32 $0x1FFFF, v16;
	vm4 =	vlt.u32 v16, $0x20000  }
0x3fe: {  	v4 =	vand.u32 $0x1FFFF, v8;
	vm14 =	vlt.u32 v8, $0x20000;
	v8 =	vld.idx.msk [tilespmem:v12+s1+$0x0], $0xffff  }
0x3ff: {  	v9 =	vld.idx.msk [tilespmem:v9+s1+$0x0], $0xffff  }
0x400: {  	v6 =	vsel vm5, v6, v0;
	v12 =	vld.idx.msk [tilespmem:v13+s1+$0x0], $0xffff  }
0x401: {  	v1 =	vsel vm7, v1, v0;
	[tilespmem:s4+$0xFFFFFF90] =	vst v6;
	v6 =	vld.idx.msk [tilespmem:v14+s1+$0x0], $0xffff  }
0x402: {  	v2 =	vsel vm8, v2, v0;
	[tilespmem:s4+$0xFFFFFFA0] =	vst v1;
	v13 =	vld.idx.msk [tilespmem:v15+s1+$0x0], $0xffff  }
0x403: {  	v1 =	vld.idx.msk [tilespmem:v4+s1+$0x0], $0xffff;
	[tilespmem:s4+$0xFFFFFFB0] =	vst v2;
	v2 =	vsel vm6, v3, v0  }
.Ltmp12:
0x404: {  	v3 =	vsel vm9, v8, v0;
	[tilespmem:s4+$0xFFFFFFC0] =	vst v2;
	v2 =	vld.idx.msk [tilespmem:v17+s1+$0x0], $0xffff;
	(pc) =	sbr.rel @p0 .LBB2_26-.Ltmp12, $4  }
0x405: {  	v4 =	vsel vm10, v9, v0;
	[tilespmem:s4+$0xFFFFFFD0] =	vst v3;
	v3 =	vld.idx.msk [tilespmem:v7+s1+$0x0], $0xffff  }
0x406: {  	v7 =	vsel vm11, v12, v0;
	[tilespmem:s4+$0xFFFFFFE0] =	vst v4;
	v4 =	vld.idx.msk [tilespmem:v5+s1+$0x0], $0xffff  }
0x407: {  	v6 =	vsel vm12, v6, v0;
	[tilespmem:s4+$0xFFFFFFF0] =	vst v7;
	v5 =	vld.idx.msk [tilespmem:v10+s1+$0x0], $0xffff  }
0x408: {  	s6 =	sadd.s32 $0x100, s6;
	v7 =	vsel vm13, v13, v0;
	[tilespmem:s4+$0x0] =	vst v6;
	v6 =	vld.idx.msk [tilespmem:v11+s1+$0x0], $0xffff  }
0x409: {  	v1 =	vsel vm14, v1, v0;
	[tilespmem:s4+$0x10] =	vst v7  }
0x40a: {  	[tilespmem:s4+$0xFFFFFF80] =	vst v1;
	v1 =	vsel vm0, v2, v0  }
0x40b: {  	[tilespmem:s4+$0x20] =	vst v1;
	v1 =	vsel vm1, v3, v0  }
0x40c: {  	[tilespmem:s4+$0x30] =	vst v1;
	v1 =	vsel vm3, v4, v0  }
0x40d: {  	[tilespmem:s4+$0x40] =	vst v1;
	v1 =	vsel vm2, v5, v0  }
0x40e: {  	[tilespmem:s4+$0x50] =	vst v1;
	v1 =	vsel vm4, v6, v0  }
0x40f: {  	s6 =	simm.s32 $0x197F0;
	[tilespmem:s4+$0x60] =	vst v1  }
0x410: {  	[hbm4b:s21+s29] =	stream.strided.scatter [tilespmem:s31], [sflag:$0x2], $0x1000, s30, s29, $0x38;
	[tilespmem:$0x1E800] =	vst v63  }
0x411: {  	v1 =	vld [tilespmem:s6+$0x0]  }
0x412: {  	v2 =	vld [tilespmem:s6+$0xFFFFFF20]  }
0x413: {  	v3 =	vld [tilespmem:s6+$0xFFFFFF30]  }
0x414: {  	v4 =	vld [tilespmem:s6+$0xFFFFFF40]  }
0x415: {  	v5 =	vld [tilespmem:s6+$0xFFFFFF50]  }
0x416: {  	v6 =	vld [tilespmem:s6+$0xFFFFFF60]  }
0x417: {  	v8 =	vld [tilespmem:s6+$0xFFFFFF70]  }
0x418: {  	v9 =	vld [tilespmem:s6+$0xFFFFFF80]  }
0x419: {  	v10 =	vld [tilespmem:s6+$0xFFFFFF90]  }
0x41a: {  	v11 =	vld [tilespmem:s6+$0xFFFFFFA0]  }
0x41b: {  	v12 =	vld [tilespmem:s6+$0xFFFFFFB0]  }
0x41c: {  	v14 =	vld [tilespmem:s6+$0xFFFFFFC0];
	v7 =	vand.u32 $0x1FFFF, v1  }
0x41d: {  	v16 =	vld [tilespmem:s6+$0xFFFFFFD0];
	v13 =	vand.u32 $0x1FFFF, v2  }
0x41e: {  	v18 =	vld [tilespmem:s6+$0xFFFFFFE0];
	v15 =	vand.u32 $0x1FFFF, v3  }
0x41f: {  	v20 =	vld [tilespmem:s6+$0xFFFFFFF0];
	v17 =	vand.u32 $0x1FFFF, v4  }
0x420: {  	v22 =	vld [tilespmem:s6+$0xFFFFFF10];
	v19 =	vand.u32 $0x1FFFF, v5  }
0x421: {  	v21 =	vand.u32 $0x1FFFF, v6;
	v7 =	vld.idx.msk [tilespmem:v7+s1+$0x0], $0xffff  }
0x422: {  	v23 =	vand.u32 $0x1FFFF, v8;
	v13 =	vld.idx.msk [tilespmem:v13+s1+$0x0], $0xffff  }
0x423: {  	v24 =	vand.u32 $0x1FFFF, v9;
	v15 =	vld.idx.msk [tilespmem:v15+s1+$0x0], $0xffff  }
0x424: {  	v25 =	vand.u32 $0x1FFFF, v10;
	v17 =	vld.idx.msk [tilespmem:v17+s1+$0x0], $0xffff  }
0x425: {  	v26 =	vand.u32 $0x1FFFF, v11;
	v19 =	vld.idx.msk [tilespmem:v19+s1+$0x0], $0xffff  }
0x426: {  	vm0 =	vlt.u32 v1, $0x20000;
	v1 =	vand.u32 $0x1FFFF, v22;
	v21 =	vld.idx.msk [tilespmem:v21+s1+$0x0], $0xffff  }
0x427: {  	s4 =	simm.s32 $0x1D7F0;
	vm1 =	vlt.u32 v2, $0x20000;
	v2 =	vand.u32 $0x1FFFF, v12;
	v23 =	vld.idx.msk [tilespmem:v23+s1+$0x0], $0xffff;
	v7 =	vsel vm0, v7, v0  }
0x428: {  	v61 =	vld.idx.msk [tilespmem:v24+s1+$0x0], $0xffff;
	vm0 =	vlt.u32 v3, $0x20000;
	v3 =	vand.u32 $0x1FFFF, v14;
	[tilespmem:s4+$0x0] =	vst v7;
	v7 =	vsel vm1, v13, v0  }
0x429: {  	v62 =	vld.idx.msk [tilespmem:v25+s1+$0x0], $0xffff;
	vm1 =	vlt.u32 v4, $0x20000;
	v4 =	vand.u32 $0x1FFFF, v16;
	[tilespmem:s4+$0xFFFFFF20] =	vst v7;
	v7 =	vsel vm0, v15, v0  }
0x42a: {  	v63 =	vld.idx.msk [tilespmem:v26+s1+$0x0], $0xffff;
	vm0 =	vlt.u32 v5, $0x20000;
	v5 =	vand.u32 $0x1FFFF, v18;
	[tilespmem:s4+$0xFFFFFF30] =	vst v7;
	v7 =	vsel vm1, v17, v0  }
0x42b: {  	v1 =	vld.idx.msk [tilespmem:v1+s1+$0x0], $0xffff;
	vm1 =	vlt.u32 v6, $0x20000;
	v6 =	vand.u32 $0x1FFFF, v20;
	[tilespmem:s4+$0xFFFFFF40] =	vst v7;
	v7 =	vsel vm0, v19, v0  }
0x42c: {  	vm2 =	vlt.u32 v9, $0x20000;
	v2 =	vld.idx.msk [tilespmem:v2+s1+$0x0], $0xffff;
	vm0 =	vlt.u32 v8, $0x20000;
	[tilespmem:s4+$0xFFFFFF50] =	vst v7;
	v7 =	vsel vm1, v21, v0  }
0x42d: {  	vm4 =	vlt.u32 v10, $0x20000;
	vm5 =	vlt.u32 v11, $0x20000;
	v3 =	vld.idx.msk [tilespmem:v3+s1+$0x0], $0xffff;
	[tilespmem:s4+$0xFFFFFF60] =	vst v7;
	v7 =	vsel vm0, v23, v0  }
0x42e: {  	vm3 =	vlt.u32 v16, $0x20000;
	vm14 =	vlt.u32 v22, $0x20000;
	v4 =	vld.idx.msk [tilespmem:v4+s1+$0x0], $0xffff;
	[tilespmem:s4+$0xFFFFFF70] =	vst v7;
	v7 =	vsel vm2, v61, v0  }
0x42f: {  	vm1 =	vlt.u32 v14, $0x20000;
	vm0 =	vlt.u32 v12, $0x20000;
	v5 =	vld.idx.msk [tilespmem:v5+s1+$0x0], $0xffff;
	[tilespmem:s4+$0xFFFFFF80] =	vst v7;
	v7 =	vsel vm4, v62, v0  }
0x430: {  	s5 =	simm.s32 $0x0;
	s6 =	simm.s32 $0x198F0;
	vm2 =	vlt.u32 v18, $0x20000;
	vm4 =	vlt.u32 v20, $0x20000;
	v6 =	vld.idx.msk [tilespmem:v6+s1+$0x0], $0xffff;
	[tilespmem:s4+$0xFFFFFF90] =	vst v7;
	v7 =	vsel vm5, v63, v0  }
.LBB2_28:
0x431: {  	v8 =	vld [tilespmem:s6+$0x0];
	s5 =	sadd.s32 $0x10, s5;
	v1 =	vsel vm14, v1, v0;
	[tilespmem:s4+$0xFFFFFFA0] =	vst v7  }
0x432: {  	v7 =	vld [tilespmem:s6+$0xFFFFFF20];
	p0 =	slt.u32 s5, $0xF0;
	[tilespmem:s4+$0xFFFFFF10] =	vst v1;
	v1 =	vsel vm0, v2, v0  }
0x433: {  	v2 =	vld [tilespmem:s6+$0xFFFFFF30];
	[tilespmem:s4+$0xFFFFFFB0] =	vst v1;
	v1 =	vsel vm1, v3, v0  }
0x434: {  	v3 =	vld [tilespmem:s6+$0xFFFFFF40];
	[tilespmem:s4+$0xFFFFFFC0] =	vst v1;
	v1 =	vsel vm3, v4, v0  }
0x435: {  	v4 =	vld [tilespmem:s6+$0xFFFFFF50];
	[tilespmem:s4+$0xFFFFFFD0] =	vst v1;
	v1 =	vsel vm2, v5, v0  }
0x436: {  	v5 =	vld [tilespmem:s6+$0xFFFFFF60];
	v9 =	vand.u32 $0x1FFFF, v8;
	[tilespmem:s4+$0xFFFFFFE0] =	vst v1;
	v1 =	vsel vm4, v6, v0  }
0x437: {  	v6 =	vand.u32 $0x1FFFF, v7;
	vm5 =	vlt.u32 v7, $0x20000;
	v7 =	vld [tilespmem:s6+$0xFFFFFF70];
	[tilespmem:s4+$0xFFFFFFF0] =	vst v1  }
0x438: {  	v1 =	vand.u32 $0x1FFFF, v2;
	vm7 =	vlt.u32 v2, $0x20000;
	v2 =	vld [tilespmem:s6+$0xFFFFFF80]  }
0x439: {  	v10 =	vand.u32 $0x1FFFF, v3;
	vm8 =	vlt.u32 v3, $0x20000;
	v3 =	vld [tilespmem:s6+$0xFFFFFF90]  }
0x43a: {  	v11 =	vand.u32 $0x1FFFF, v4;
	vm6 =	vlt.u32 v4, $0x20000;
	v4 =	vld [tilespmem:s6+$0xFFFFFFA0]  }
0x43b: {  	v12 =	vand.u32 $0x1FFFF, v5;
	vm9 =	vlt.u32 v5, $0x20000;
	v5 =	vld.idx.msk [tilespmem:v9+s1+$0x0], $0xffff  }
0x43c: {  	v9 =	vand.u32 $0x1FFFF, v7;
	vm10 =	vlt.u32 v7, $0x20000;
	v7 =	vld [tilespmem:s6+$0xFFFFFFB0]  }
0x43d: {  	v13 =	vand.u32 $0x1FFFF, v2;
	vm11 =	vlt.u32 v2, $0x20000;
	v2 =	vld [tilespmem:s6+$0xFFFFFFC0]  }
0x43e: {  	v14 =	vand.u32 $0x1FFFF, v3;
	vm12 =	vlt.u32 v3, $0x20000;
	v3 =	vld [tilespmem:s6+$0xFFFFFFD0]  }
0x43f: {  	v15 =	vand.u32 $0x1FFFF, v4;
	vm13 =	vlt.u32 v4, $0x20000;
	v4 =	vld [tilespmem:s6+$0xFFFFFFE0]  }
0x440: {  	vm1 =	vlt.u32 v8, $0x20000;
	v16 =	vld [tilespmem:s6+$0xFFFFFFF0]  }
0x441: {  	s4 =	sadd.s32 $0x100, s4;
	v5 =	vsel vm1, v5, v0;
	v8 =	vld [tilespmem:s6+$0xFFFFFF10];
	v17 =	vand.u32 $0x1FFFF, v7;
	vm0 =	vlt.u32 v7, $0x20000  }
0x442: {  	v6 =	vld.idx.msk [tilespmem:v6+s1+$0x0], $0xffff;
	v7 =	vand.u32 $0x1FFFF, v2;
	vm1 =	vlt.u32 v2, $0x20000;
	[tilespmem:s4+$0x0] =	vst v5  }
0x443: {  	v1 =	vld.idx.msk [tilespmem:v1+s1+$0x0], $0xffff;
	v5 =	vand.u32 $0x1FFFF, v3;
	vm3 =	vlt.u32 v3, $0x20000  }
0x444: {  	v2 =	vld.idx.msk [tilespmem:v10+s1+$0x0], $0xffff;
	v10 =	vand.u32 $0x1FFFF, v4;
	vm2 =	vlt.u32 v4, $0x20000  }
0x445: {  	v3 =	vld.idx.msk [tilespmem:v11+s1+$0x0], $0xffff;
	v11 =	vand.u32 $0x1FFFF, v16;
	vm4 =	vlt.u32 v16, $0x20000  }
0x446: {  	v4 =	vand.u32 $0x1FFFF, v8;
	vm14 =	vlt.u32 v8, $0x20000;
	v8 =	vld.idx.msk [tilespmem:v12+s1+$0x0], $0xffff  }
0x447: {  	v9 =	vld.idx.msk [tilespmem:v9+s1+$0x0], $0xffff  }
0x448: {  	v6 =	vsel vm5, v6, v0;
	v12 =	vld.idx.msk [tilespmem:v13+s1+$0x0], $0xffff  }
0x449: {  	v1 =	vsel vm7, v1, v0;
	[tilespmem:s4+$0xFFFFFF20] =	vst v6;
	v6 =	vld.idx.msk [tilespmem:v14+s1+$0x0], $0xffff  }
0x44a: {  	v2 =	vsel vm8, v2, v0;
	[tilespmem:s4+$0xFFFFFF30] =	vst v1;
	v13 =	vld.idx.msk [tilespmem:v15+s1+$0x0], $0xffff  }
0x44b: {  	v1 =	vld.idx.msk [tilespmem:v4+s1+$0x0], $0xffff;
	[tilespmem:s4+$0xFFFFFF40] =	vst v2;
	v2 =	vsel vm6, v3, v0  }
.Ltmp13:
0x44c: {  	v3 =	vsel vm9, v8, v0;
	[tilespmem:s4+$0xFFFFFF50] =	vst v2;
	v2 =	vld.idx.msk [tilespmem:v17+s1+$0x0], $0xffff;
	(pc) =	sbr.rel @p0 .LBB2_28-.Ltmp13, $4  }
0x44d: {  	v4 =	vsel vm10, v9, v0;
	[tilespmem:s4+$0xFFFFFF60] =	vst v3;
	v3 =	vld.idx.msk [tilespmem:v7+s1+$0x0], $0xffff  }
0x44e: {  	v7 =	vsel vm11, v12, v0;
	[tilespmem:s4+$0xFFFFFF70] =	vst v4;
	v4 =	vld.idx.msk [tilespmem:v5+s1+$0x0], $0xffff  }
0x44f: {  	v6 =	vsel vm12, v6, v0;
	[tilespmem:s4+$0xFFFFFF80] =	vst v7;
	v5 =	vld.idx.msk [tilespmem:v10+s1+$0x0], $0xffff  }
0x450: {  	s6 =	sadd.s32 $0x100, s6;
	v7 =	vsel vm13, v13, v0;
	[tilespmem:s4+$0xFFFFFF90] =	vst v6;
	v6 =	vld.idx.msk [tilespmem:v11+s1+$0x0], $0xffff  }
0x451: {  	v1 =	vsel vm14, v1, v0;
	[tilespmem:s4+$0xFFFFFFA0] =	vst v7  }
0x452: {  	[tilespmem:s4+$0xFFFFFF10] =	vst v1;
	v1 =	vsel vm0, v2, v0  }
0x453: {  	[tilespmem:s4+$0xFFFFFFB0] =	vst v1;
	v1 =	vsel vm1, v3, v0  }
0x454: {  	[tilespmem:s4+$0xFFFFFFC0] =	vst v1;
	v1 =	vsel vm3, v4, v0  }
0x455: {  	[tilespmem:s4+$0xFFFFFFD0] =	vst v1;
	v1 =	vsel vm2, v5, v0  }
0x456: {  	[tilespmem:s4+$0xFFFFFFE0] =	vst v1;
	v1 =	vsel vm4, v6, v0  }
0x457: {  	[tilespmem:s4+$0xFFFFFFF0] =	vst v1  }
0x458: {  	[hbm4b:s23+s29] =	stream.strided.scatter [tilespmem:s0], [sflag:$0x2], $0x1000, s30, s29, $0x38;
	[tilespmem:$0x1E800] =	vst v63  }
0x459: {  	_ =	swait.ge [sflag:s19], $0x1000  }
0x45a: {  	[sflag:s19] =	ssyncset.done $0x0  }
0x45b: {  	s6 =	simm.s32 $0x1A7F0;
	[sflag:s19] =	ssyncadd.s32 $0xFFFFF000  }
0x45c: {  	v1 =	vld [tilespmem:s6+$0x0]  }
0x45d: {  	v2 =	vld [tilespmem:s6+$0xFFFFFF20]  }
0x45e: {  	v3 =	vld [tilespmem:s6+$0xFFFFFF30]  }
0x45f: {  	v4 =	vld [tilespmem:s6+$0xFFFFFF40]  }
0x460: {  	v5 =	vld [tilespmem:s6+$0xFFFFFF50]  }
0x461: {  	v6 =	vld [tilespmem:s6+$0xFFFFFF60]  }
0x462: {  	v8 =	vld [tilespmem:s6+$0xFFFFFF70]  }
0x463: {  	v9 =	vld [tilespmem:s6+$0xFFFFFF80]  }
0x464: {  	v10 =	vld [tilespmem:s6+$0xFFFFFF90]  }
0x465: {  	v11 =	vld [tilespmem:s6+$0xFFFFFFA0]  }
0x466: {  	v12 =	vld [tilespmem:s6+$0xFFFFFFB0]  }
0x467: {  	v14 =	vld [tilespmem:s6+$0xFFFFFFC0];
	v7 =	vand.u32 $0x1FFFF, v1  }
0x468: {  	v16 =	vld [tilespmem:s6+$0xFFFFFFD0];
	v13 =	vand.u32 $0x1FFFF, v2  }
0x469: {  	v18 =	vld [tilespmem:s6+$0xFFFFFFE0];
	v15 =	vand.u32 $0x1FFFF, v3  }
0x46a: {  	v20 =	vld [tilespmem:s6+$0xFFFFFFF0];
	v17 =	vand.u32 $0x1FFFF, v4  }
0x46b: {  	v22 =	vld [tilespmem:s6+$0xFFFFFF10];
	v19 =	vand.u32 $0x1FFFF, v5  }
0x46c: {  	v21 =	vand.u32 $0x1FFFF, v6;
	v7 =	vld.idx.msk [tilespmem:v7+s1+$0x0], $0xffff  }
0x46d: {  	v23 =	vand.u32 $0x1FFFF, v8;
	v13 =	vld.idx.msk [tilespmem:v13+s1+$0x0], $0xffff  }
0x46e: {  	v24 =	vand.u32 $0x1FFFF, v9;
	v15 =	vld.idx.msk [tilespmem:v15+s1+$0x0], $0xffff  }
0x46f: {  	v25 =	vand.u32 $0x1FFFF, v10;
	v17 =	vld.idx.msk [tilespmem:v17+s1+$0x0], $0xffff  }
0x470: {  	v26 =	vand.u32 $0x1FFFF, v11;
	v19 =	vld.idx.msk [tilespmem:v19+s1+$0x0], $0xffff  }
0x471: {  	vm0 =	vlt.u32 v1, $0x20000;
	v1 =	vand.u32 $0x1FFFF, v22;
	v21 =	vld.idx.msk [tilespmem:v21+s1+$0x0], $0xffff  }
0x472: {  	s4 =	simm.s32 $0x1C780;
	vm1 =	vlt.u32 v2, $0x20000;
	v2 =	vand.u32 $0x1FFFF, v12;
	v23 =	vld.idx.msk [tilespmem:v23+s1+$0x0], $0xffff;
	v7 =	vsel vm0, v7, v0  }
0x473: {  	v61 =	vld.idx.msk [tilespmem:v24+s1+$0x0], $0xffff;
	vm0 =	vlt.u32 v3, $0x20000;
	v3 =	vand.u32 $0x1FFFF, v14;
	[tilespmem:s4+$0x70] =	vst v7;
	v7 =	vsel vm1, v13, v0  }
0x474: {  	v62 =	vld.idx.msk [tilespmem:v25+s1+$0x0], $0xffff;
	vm1 =	vlt.u32 v4, $0x20000;
	v4 =	vand.u32 $0x1FFFF, v16;
	[tilespmem:s4+$0xFFFFFF90] =	vst v7;
	v7 =	vsel vm0, v15, v0  }
0x475: {  	v63 =	vld.idx.msk [tilespmem:v26+s1+$0x0], $0xffff;
	vm0 =	vlt.u32 v5, $0x20000;
	v5 =	vand.u32 $0x1FFFF, v18;
	[tilespmem:s4+$0xFFFFFFA0] =	vst v7;
	v7 =	vsel vm1, v17, v0  }
0x476: {  	v1 =	vld.idx.msk [tilespmem:v1+s1+$0x0], $0xffff;
	vm1 =	vlt.u32 v6, $0x20000;
	v6 =	vand.u32 $0x1FFFF, v20;
	[tilespmem:s4+$0xFFFFFFB0] =	vst v7;
	v7 =	vsel vm0, v19, v0  }
0x477: {  	vm2 =	vlt.u32 v9, $0x20000;
	v2 =	vld.idx.msk [tilespmem:v2+s1+$0x0], $0xffff;
	vm0 =	vlt.u32 v8, $0x20000;
	[tilespmem:s4+$0xFFFFFFC0] =	vst v7;
	v7 =	vsel vm1, v21, v0  }
0x478: {  	vm4 =	vlt.u32 v10, $0x20000;
	vm5 =	vlt.u32 v11, $0x20000;
	v3 =	vld.idx.msk [tilespmem:v3+s1+$0x0], $0xffff;
	[tilespmem:s4+$0xFFFFFFD0] =	vst v7;
	v7 =	vsel vm0, v23, v0  }
0x479: {  	vm3 =	vlt.u32 v16, $0x20000;
	vm14 =	vlt.u32 v22, $0x20000;
	v4 =	vld.idx.msk [tilespmem:v4+s1+$0x0], $0xffff;
	[tilespmem:s4+$0xFFFFFFE0] =	vst v7;
	v7 =	vsel vm2, v61, v0  }
0x47a: {  	vm1 =	vlt.u32 v14, $0x20000;
	vm0 =	vlt.u32 v12, $0x20000;
	v5 =	vld.idx.msk [tilespmem:v5+s1+$0x0], $0xffff;
	[tilespmem:s4+$0xFFFFFFF0] =	vst v7;
	v7 =	vsel vm4, v62, v0  }
0x47b: {  	s5 =	simm.s32 $0x0;
	s6 =	simm.s32 $0x1A8F0;
	vm2 =	vlt.u32 v18, $0x20000;
	vm4 =	vlt.u32 v20, $0x20000;
	v6 =	vld.idx.msk [tilespmem:v6+s1+$0x0], $0xffff;
	[tilespmem:s4+$0x0] =	vst v7;
	v7 =	vsel vm5, v63, v0  }
.LBB2_30:
0x47c: {  	v8 =	vld [tilespmem:s6+$0x0];
	s5 =	sadd.s32 $0x10, s5;
	v1 =	vsel vm14, v1, v0;
	[tilespmem:s4+$0x10] =	vst v7  }
0x47d: {  	v7 =	vld [tilespmem:s6+$0xFFFFFF20];
	p0 =	slt.u32 s5, $0xF0;
	[tilespmem:s4+$0xFFFFFF80] =	vst v1;
	v1 =	vsel vm0, v2, v0  }
0x47e: {  	v2 =	vld [tilespmem:s6+$0xFFFFFF30];
	[tilespmem:s4+$0x20] =	vst v1;
	v1 =	vsel vm1, v3, v0  }
0x47f: {  	v3 =	vld [tilespmem:s6+$0xFFFFFF40];
	[tilespmem:s4+$0x30] =	vst v1;
	v1 =	vsel vm3, v4, v0  }
0x480: {  	v4 =	vld [tilespmem:s6+$0xFFFFFF50];
	[tilespmem:s4+$0x40] =	vst v1;
	v1 =	vsel vm2, v5, v0  }
0x481: {  	v5 =	vld [tilespmem:s6+$0xFFFFFF60];
	v9 =	vand.u32 $0x1FFFF, v8;
	[tilespmem:s4+$0x50] =	vst v1;
	v1 =	vsel vm4, v6, v0  }
0x482: {  	v6 =	vand.u32 $0x1FFFF, v7;
	vm5 =	vlt.u32 v7, $0x20000;
	v7 =	vld [tilespmem:s6+$0xFFFFFF70];
	[tilespmem:s4+$0x60] =	vst v1  }
0x483: {  	v1 =	vand.u32 $0x1FFFF, v2;
	vm7 =	vlt.u32 v2, $0x20000;
	v2 =	vld [tilespmem:s6+$0xFFFFFF80]  }
0x484: {  	v10 =	vand.u32 $0x1FFFF, v3;
	vm8 =	vlt.u32 v3, $0x20000;
	v3 =	vld [tilespmem:s6+$0xFFFFFF90]  }
0x485: {  	v11 =	vand.u32 $0x1FFFF, v4;
	vm6 =	vlt.u32 v4, $0x20000;
	v4 =	vld [tilespmem:s6+$0xFFFFFFA0]  }
0x486: {  	v12 =	vand.u32 $0x1FFFF, v5;
	vm9 =	vlt.u32 v5, $0x20000;
	v5 =	vld.idx.msk [tilespmem:v9+s1+$0x0], $0xffff  }
0x487: {  	v9 =	vand.u32 $0x1FFFF, v7;
	vm10 =	vlt.u32 v7, $0x20000;
	v7 =	vld [tilespmem:s6+$0xFFFFFFB0]  }
0x488: {  	v13 =	vand.u32 $0x1FFFF, v2;
	vm11 =	vlt.u32 v2, $0x20000;
	v2 =	vld [tilespmem:s6+$0xFFFFFFC0]  }
0x489: {  	v14 =	vand.u32 $0x1FFFF, v3;
	vm12 =	vlt.u32 v3, $0x20000;
	v3 =	vld [tilespmem:s6+$0xFFFFFFD0]  }
0x48a: {  	v15 =	vand.u32 $0x1FFFF, v4;
	vm13 =	vlt.u32 v4, $0x20000;
	v4 =	vld [tilespmem:s6+$0xFFFFFFE0]  }
0x48b: {  	vm1 =	vlt.u32 v8, $0x20000;
	v16 =	vld [tilespmem:s6+$0xFFFFFFF0]  }
0x48c: {  	s4 =	sadd.s32 $0x100, s4;
	v5 =	vsel vm1, v5, v0;
	v8 =	vld [tilespmem:s6+$0xFFFFFF10];
	v17 =	vand.u32 $0x1FFFF, v7;
	vm0 =	vlt.u32 v7, $0x20000  }
0x48d: {  	v6 =	vld.idx.msk [tilespmem:v6+s1+$0x0], $0xffff;
	v7 =	vand.u32 $0x1FFFF, v2;
	vm1 =	vlt.u32 v2, $0x20000;
	[tilespmem:s4+$0x70] =	vst v5  }
0x48e: {  	v1 =	vld.idx.msk [tilespmem:v1+s1+$0x0], $0xffff;
	v5 =	vand.u32 $0x1FFFF, v3;
	vm3 =	vlt.u32 v3, $0x20000  }
0x48f: {  	v2 =	vld.idx.msk [tilespmem:v10+s1+$0x0], $0xffff;
	v10 =	vand.u32 $0x1FFFF, v4;
	vm2 =	vlt.u32 v4, $0x20000  }
0x490: {  	v3 =	vld.idx.msk [tilespmem:v11+s1+$0x0], $0xffff;
	v11 =	vand.u32 $0x1FFFF, v16;
	vm4 =	vlt.u32 v16, $0x20000  }
0x491: {  	v4 =	vand.u32 $0x1FFFF, v8;
	vm14 =	vlt.u32 v8, $0x20000;
	v8 =	vld.idx.msk [tilespmem:v12+s1+$0x0], $0xffff  }
0x492: {  	v9 =	vld.idx.msk [tilespmem:v9+s1+$0x0], $0xffff  }
0x493: {  	v6 =	vsel vm5, v6, v0;
	v12 =	vld.idx.msk [tilespmem:v13+s1+$0x0], $0xffff  }
0x494: {  	v1 =	vsel vm7, v1, v0;
	[tilespmem:s4+$0xFFFFFF90] =	vst v6;
	v6 =	vld.idx.msk [tilespmem:v14+s1+$0x0], $0xffff  }
0x495: {  	v2 =	vsel vm8, v2, v0;
	[tilespmem:s4+$0xFFFFFFA0] =	vst v1;
	v13 =	vld.idx.msk [tilespmem:v15+s1+$0x0], $0xffff  }
0x496: {  	v1 =	vld.idx.msk [tilespmem:v4+s1+$0x0], $0xffff;
	[tilespmem:s4+$0xFFFFFFB0] =	vst v2;
	v2 =	vsel vm6, v3, v0  }
.Ltmp14:
0x497: {  	v3 =	vsel vm9, v8, v0;
	[tilespmem:s4+$0xFFFFFFC0] =	vst v2;
	v2 =	vld.idx.msk [tilespmem:v17+s1+$0x0], $0xffff;
	(pc) =	sbr.rel @p0 .LBB2_30-.Ltmp14, $4  }
0x498: {  	v4 =	vsel vm10, v9, v0;
	[tilespmem:s4+$0xFFFFFFD0] =	vst v3;
	v3 =	vld.idx.msk [tilespmem:v7+s1+$0x0], $0xffff  }
0x499: {  	v7 =	vsel vm11, v12, v0;
	[tilespmem:s4+$0xFFFFFFE0] =	vst v4;
	v4 =	vld.idx.msk [tilespmem:v5+s1+$0x0], $0xffff  }
0x49a: {  	v6 =	vsel vm12, v6, v0;
	[tilespmem:s4+$0xFFFFFFF0] =	vst v7;
	v5 =	vld.idx.msk [tilespmem:v10+s1+$0x0], $0xffff  }
0x49b: {  	s6 =	sadd.s32 $0x100, s6;
	v7 =	vsel vm13, v13, v0;
	[tilespmem:s4+$0x0] =	vst v6;
	v6 =	vld.idx.msk [tilespmem:v11+s1+$0x0], $0xffff  }
0x49c: {  	v1 =	vsel vm14, v1, v0;
	[tilespmem:s4+$0x10] =	vst v7  }
0x49d: {  	[tilespmem:s4+$0xFFFFFF80] =	vst v1;
	v1 =	vsel vm0, v2, v0  }
0x49e: {  	[tilespmem:s4+$0x20] =	vst v1;
	v1 =	vsel vm1, v3, v0  }
0x49f: {  	[tilespmem:s4+$0x30] =	vst v1;
	v1 =	vsel vm3, v4, v0  }
0x4a0: {  	[tilespmem:s4+$0x40] =	vst v1;
	v1 =	vsel vm2, v5, v0  }
0x4a1: {  	[tilespmem:s4+$0x50] =	vst v1;
	v1 =	vsel vm4, v6, v0  }
0x4a2: {  	[tilespmem:s4+$0x60] =	vst v1  }
0x4a3: {  	[hbm4b:s24+s29] =	stream.strided.scatter [tilespmem:s31], [sflag:$0x2], $0x1000, s30, s29, $0x38;
	[tilespmem:$0x1E800] =	vst v63  }
0x4a4: {  	_ =	swait.ge [sflag:s19], $0x1000  }
0x4a5: {  	[sflag:s19] =	ssyncset.done $0x0  }
0x4a6: {  	s6 =	simm.s32 $0x1B7F0;
	[sflag:s19] =	ssyncadd.s32 $0xFFFFF000  }
0x4a7: {  	v1 =	vld [tilespmem:s6+$0x0]  }
0x4a8: {  	v2 =	vld [tilespmem:s6+$0xFFFFFF20]  }
0x4a9: {  	v3 =	vld [tilespmem:s6+$0xFFFFFF30]  }
0x4aa: {  	v4 =	vld [tilespmem:s6+$0xFFFFFF40]  }
0x4ab: {  	v5 =	vld [tilespmem:s6+$0xFFFFFF50]  }
0x4ac: {  	v6 =	vld [tilespmem:s6+$0xFFFFFF60]  }
0x4ad: {  	v8 =	vld [tilespmem:s6+$0xFFFFFF70]  }
0x4ae: {  	v9 =	vld [tilespmem:s6+$0xFFFFFF80]  }
0x4af: {  	v10 =	vld [tilespmem:s6+$0xFFFFFF90]  }
0x4b0: {  	v11 =	vld [tilespmem:s6+$0xFFFFFFA0]  }
0x4b1: {  	v12 =	vld [tilespmem:s6+$0xFFFFFFB0]  }
0x4b2: {  	v14 =	vld [tilespmem:s6+$0xFFFFFFC0];
	v7 =	vand.u32 $0x1FFFF, v1  }
0x4b3: {  	v16 =	vld [tilespmem:s6+$0xFFFFFFD0];
	v13 =	vand.u32 $0x1FFFF, v2  }
0x4b4: {  	v18 =	vld [tilespmem:s6+$0xFFFFFFE0];
	v15 =	vand.u32 $0x1FFFF, v3  }
0x4b5: {  	v20 =	vld [tilespmem:s6+$0xFFFFFFF0];
	v17 =	vand.u32 $0x1FFFF, v4  }
0x4b6: {  	v22 =	vld [tilespmem:s6+$0xFFFFFF10];
	v19 =	vand.u32 $0x1FFFF, v5  }
0x4b7: {  	v21 =	vand.u32 $0x1FFFF, v6;
	v7 =	vld.idx.msk [tilespmem:v7+s1+$0x0], $0xffff  }
0x4b8: {  	v23 =	vand.u32 $0x1FFFF, v8;
	v13 =	vld.idx.msk [tilespmem:v13+s1+$0x0], $0xffff  }
0x4b9: {  	v24 =	vand.u32 $0x1FFFF, v9;
	v15 =	vld.idx.msk [tilespmem:v15+s1+$0x0], $0xffff  }
0x4ba: {  	v25 =	vand.u32 $0x1FFFF, v10;
	v17 =	vld.idx.msk [tilespmem:v17+s1+$0x0], $0xffff  }
0x4bb: {  	v26 =	vand.u32 $0x1FFFF, v11;
	v19 =	vld.idx.msk [tilespmem:v19+s1+$0x0], $0xffff  }
0x4bc: {  	vm0 =	vlt.u32 v1, $0x20000;
	v1 =	vand.u32 $0x1FFFF, v22;
	v21 =	vld.idx.msk [tilespmem:v21+s1+$0x0], $0xffff  }
0x4bd: {  	s4 =	simm.s32 $0x1D7F0;
	vm1 =	vlt.u32 v2, $0x20000;
	v2 =	vand.u32 $0x1FFFF, v12;
	v23 =	vld.idx.msk [tilespmem:v23+s1+$0x0], $0xffff;
	v7 =	vsel vm0, v7, v0  }
0x4be: {  	v61 =	vld.idx.msk [tilespmem:v24+s1+$0x0], $0xffff;
	vm0 =	vlt.u32 v3, $0x20000;
	v3 =	vand.u32 $0x1FFFF, v14;
	[tilespmem:s4+$0x0] =	vst v7;
	v7 =	vsel vm1, v13, v0  }
0x4bf: {  	v62 =	vld.idx.msk [tilespmem:v25+s1+$0x0], $0xffff;
	vm1 =	vlt.u32 v4, $0x20000;
	v4 =	vand.u32 $0x1FFFF, v16;
	[tilespmem:s4+$0xFFFFFF20] =	vst v7;
	v7 =	vsel vm0, v15, v0  }
0x4c0: {  	v63 =	vld.idx.msk [tilespmem:v26+s1+$0x0], $0xffff;
	vm0 =	vlt.u32 v5, $0x20000;
	v5 =	vand.u32 $0x1FFFF, v18;
	[tilespmem:s4+$0xFFFFFF30] =	vst v7;
	v7 =	vsel vm1, v17, v0  }
0x4c1: {  	v1 =	vld.idx.msk [tilespmem:v1+s1+$0x0], $0xffff;
	vm1 =	vlt.u32 v6, $0x20000;
	v6 =	vand.u32 $0x1FFFF, v20;
	[tilespmem:s4+$0xFFFFFF40] =	vst v7;
	v7 =	vsel vm0, v19, v0  }
0x4c2: {  	vm2 =	vlt.u32 v9, $0x20000;
	v2 =	vld.idx.msk [tilespmem:v2+s1+$0x0], $0xffff;
	vm0 =	vlt.u32 v8, $0x20000;
	[tilespmem:s4+$0xFFFFFF50] =	vst v7;
	v7 =	vsel vm1, v21, v0  }
0x4c3: {  	vm4 =	vlt.u32 v10, $0x20000;
	vm5 =	vlt.u32 v11, $0x20000;
	v3 =	vld.idx.msk [tilespmem:v3+s1+$0x0], $0xffff;
	[tilespmem:s4+$0xFFFFFF60] =	vst v7;
	v7 =	vsel vm0, v23, v0  }
0x4c4: {  	vm3 =	vlt.u32 v16, $0x20000;
	vm14 =	vlt.u32 v22, $0x20000;
	v4 =	vld.idx.msk [tilespmem:v4+s1+$0x0], $0xffff;
	[tilespmem:s4+$0xFFFFFF70] =	vst v7;
	v7 =	vsel vm2, v61, v0  }
0x4c5: {  	vm1 =	vlt.u32 v14, $0x20000;
	vm0 =	vlt.u32 v12, $0x20000;
	v5 =	vld.idx.msk [tilespmem:v5+s1+$0x0], $0xffff;
	[tilespmem:s4+$0xFFFFFF80] =	vst v7;
	v7 =	vsel vm4, v62, v0  }
0x4c6: {  	s5 =	simm.s32 $0x0;
	s6 =	simm.s32 $0x1B8F0;
	vm2 =	vlt.u32 v18, $0x20000;
	vm4 =	vlt.u32 v20, $0x20000;
	v6 =	vld.idx.msk [tilespmem:v6+s1+$0x0], $0xffff;
	[tilespmem:s4+$0xFFFFFF90] =	vst v7;
	v7 =	vsel vm5, v63, v0  }
.LBB2_32:
0x4c7: {  	v8 =	vld [tilespmem:s6+$0x0];
	s5 =	sadd.s32 $0x10, s5;
	v1 =	vsel vm14, v1, v0;
	[tilespmem:s4+$0xFFFFFFA0] =	vst v7  }
0x4c8: {  	v7 =	vld [tilespmem:s6+$0xFFFFFF20];
	p0 =	slt.u32 s5, $0xF0;
	[tilespmem:s4+$0xFFFFFF10] =	vst v1;
	v1 =	vsel vm0, v2, v0  }
0x4c9: {  	v2 =	vld [tilespmem:s6+$0xFFFFFF30];
	[tilespmem:s4+$0xFFFFFFB0] =	vst v1;
	v1 =	vsel vm1, v3, v0  }
0x4ca: {  	v3 =	vld [tilespmem:s6+$0xFFFFFF40];
	[tilespmem:s4+$0xFFFFFFC0] =	vst v1;
	v1 =	vsel vm3, v4, v0  }
0x4cb: {  	v4 =	vld [tilespmem:s6+$0xFFFFFF50];
	[tilespmem:s4+$0xFFFFFFD0] =	vst v1;
	v1 =	vsel vm2, v5, v0  }
0x4cc: {  	v5 =	vld [tilespmem:s6+$0xFFFFFF60];
	v9 =	vand.u32 $0x1FFFF, v8;
	[tilespmem:s4+$0xFFFFFFE0] =	vst v1;
	v1 =	vsel vm4, v6, v0  }
0x4cd: {  	v6 =	vand.u32 $0x1FFFF, v7;
	vm5 =	vlt.u32 v7, $0x20000;
	v7 =	vld [tilespmem:s6+$0xFFFFFF70];
	[tilespmem:s4+$0xFFFFFFF0] =	vst v1  }
0x4ce: {  	v1 =	vand.u32 $0x1FFFF, v2;
	vm7 =	vlt.u32 v2, $0x20000;
	v2 =	vld [tilespmem:s6+$0xFFFFFF80]  }
0x4cf: {  	v10 =	vand.u32 $0x1FFFF, v3;
	vm8 =	vlt.u32 v3, $0x20000;
	v3 =	vld [tilespmem:s6+$0xFFFFFF90]  }
0x4d0: {  	v11 =	vand.u32 $0x1FFFF, v4;
	vm6 =	vlt.u32 v4, $0x20000;
	v4 =	vld [tilespmem:s6+$0xFFFFFFA0]  }
0x4d1: {  	v12 =	vand.u32 $0x1FFFF, v5;
	vm9 =	vlt.u32 v5, $0x20000;
	v5 =	vld.idx.msk [tilespmem:v9+s1+$0x0], $0xffff  }
0x4d2: {  	v9 =	vand.u32 $0x1FFFF, v7;
	vm10 =	vlt.u32 v7, $0x20000;
	v7 =	vld [tilespmem:s6+$0xFFFFFFB0]  }
0x4d3: {  	v13 =	vand.u32 $0x1FFFF, v2;
	vm11 =	vlt.u32 v2, $0x20000;
	v2 =	vld [tilespmem:s6+$0xFFFFFFC0]  }
0x4d4: {  	v14 =	vand.u32 $0x1FFFF, v3;
	vm12 =	vlt.u32 v3, $0x20000;
	v3 =	vld [tilespmem:s6+$0xFFFFFFD0]  }
0x4d5: {  	v15 =	vand.u32 $0x1FFFF, v4;
	vm13 =	vlt.u32 v4, $0x20000;
	v4 =	vld [tilespmem:s6+$0xFFFFFFE0]  }
0x4d6: {  	vm1 =	vlt.u32 v8, $0x20000;
	v16 =	vld [tilespmem:s6+$0xFFFFFFF0]  }
0x4d7: {  	s4 =	sadd.s32 $0x100, s4;
	v5 =	vsel vm1, v5, v0;
	v8 =	vld [tilespmem:s6+$0xFFFFFF10];
	v17 =	vand.u32 $0x1FFFF, v7;
	vm0 =	vlt.u32 v7, $0x20000  }
0x4d8: {  	v6 =	vld.idx.msk [tilespmem:v6+s1+$0x0], $0xffff;
	v7 =	vand.u32 $0x1FFFF, v2;
	vm1 =	vlt.u32 v2, $0x20000;
	[tilespmem:s4+$0x0] =	vst v5  }
0x4d9: {  	v1 =	vld.idx.msk [tilespmem:v1+s1+$0x0], $0xffff;
	v5 =	vand.u32 $0x1FFFF, v3;
	vm3 =	vlt.u32 v3, $0x20000  }
0x4da: {  	v2 =	vld.idx.msk [tilespmem:v10+s1+$0x0], $0xffff;
	v10 =	vand.u32 $0x1FFFF, v4;
	vm2 =	vlt.u32 v4, $0x20000  }
0x4db: {  	v3 =	vld.idx.msk [tilespmem:v11+s1+$0x0], $0xffff;
	v11 =	vand.u32 $0x1FFFF, v16;
	vm4 =	vlt.u32 v16, $0x20000  }
0x4dc: {  	v4 =	vand.u32 $0x1FFFF, v8;
	vm14 =	vlt.u32 v8, $0x20000;
	v8 =	vld.idx.msk [tilespmem:v12+s1+$0x0], $0xffff  }
0x4dd: {  	v9 =	vld.idx.msk [tilespmem:v9+s1+$0x0], $0xffff  }
0x4de: {  	v6 =	vsel vm5, v6, v0;
	v12 =	vld.idx.msk [tilespmem:v13+s1+$0x0], $0xffff  }
0x4df: {  	v1 =	vsel vm7, v1, v0;
	[tilespmem:s4+$0xFFFFFF20] =	vst v6;
	v6 =	vld.idx.msk [tilespmem:v14+s1+$0x0], $0xffff  }
0x4e0: {  	v2 =	vsel vm8, v2, v0;
	[tilespmem:s4+$0xFFFFFF30] =	vst v1;
	v13 =	vld.idx.msk [tilespmem:v15+s1+$0x0], $0xffff  }
0x4e1: {  	v1 =	vld.idx.msk [tilespmem:v4+s1+$0x0], $0xffff;
	[tilespmem:s4+$0xFFFFFF40] =	vst v2;
	v2 =	vsel vm6, v3, v0  }
.Ltmp15:
0x4e2: {  	v3 =	vsel vm9, v8, v0;
	[tilespmem:s4+$0xFFFFFF50] =	vst v2;
	v2 =	vld.idx.msk [tilespmem:v17+s1+$0x0], $0xffff;
	(pc) =	sbr.rel @p0 .LBB2_32-.Ltmp15, $4  }
0x4e3: {  	v4 =	vsel vm10, v9, v0;
	[tilespmem:s4+$0xFFFFFF60] =	vst v3;
	v3 =	vld.idx.msk [tilespmem:v7+s1+$0x0], $0xffff  }
0x4e4: {  	v7 =	vsel vm11, v12, v0;
	[tilespmem:s4+$0xFFFFFF70] =	vst v4;
	v4 =	vld.idx.msk [tilespmem:v5+s1+$0x0], $0xffff  }
0x4e5: {  	v6 =	vsel vm12, v6, v0;
	[tilespmem:s4+$0xFFFFFF80] =	vst v7;
	v5 =	vld.idx.msk [tilespmem:v10+s1+$0x0], $0xffff  }
0x4e6: {  	s6 =	sadd.s32 $0x100, s6;
	v7 =	vsel vm13, v13, v0;
	[tilespmem:s4+$0xFFFFFF90] =	vst v6;
	v6 =	vld.idx.msk [tilespmem:v11+s1+$0x0], $0xffff  }
0x4e7: {  	v1 =	vsel vm14, v1, v0;
	[tilespmem:s4+$0xFFFFFFA0] =	vst v7  }
0x4e8: {  	v59 =	vsel vm0, v2, v0;
	[tilespmem:s4+$0xFFFFFF10] =	vst v1  }
0x4e9: {  	[tilespmem:s4+$0xFFFFFFB0] =	vst v59;
	v60 =	vsel vm1, v3, v0  }
0x4ea: {  	[tilespmem:s4+$0xFFFFFFC0] =	vst v60;
	v61 =	vsel vm3, v4, v0  }
0x4eb: {  	[tilespmem:s4+$0xFFFFFFD0] =	vst v61;
	v62 =	vsel vm2, v5, v0  }
0x4ec: {  	[tilespmem:s4+$0xFFFFFFE0] =	vst v62;
	v63 =	vsel vm4, v6, v0  }
0x4ed: {  	s3 =	sadd.s32 $0x1, s3;
	[tilespmem:s4+$0xFFFFFFF0] =	vst v63  }
0x4ee: {  	[hbm4b:s25+s29] =	stream.strided.scatter [tilespmem:s0], [sflag:$0x2], $0x1000, s30, s29, $0x38;
	[tilespmem:$0x1E800] =	vst v63  }
0x4ef: {  	p0 =	sne.s32 s3, s28;
	_ =	swait.ge [sflag:s19], $0x1000  }
.Ltmp16:
0x4f0: {  	[sflag:s19] =	ssyncset.done $0x0;
	(pc) =	sbr.rel @p0 .LBB2_1-.Ltmp16, $4  }
0x4f1: {  	[sflag:s19] =	ssyncadd.s32 $0xFFFFF000  }
0x4f2: {  	_ =	swait.ge [sflag:s19], $0x1000  }
0x4f3: {  	[sflag:s19] =	ssyncset.done $0x0  }
0x4f4: {  	[sflag:s19] =	ssyncadd.s32 $0xFFFFF000  }
0x4f5: {  	_ =	sfence.sel $0x180000  }
0x4f6: {  	[bflag:$0x0] =	sbarrier.arrive $0xFFFF  }
0x4f7: {  	_ =	strace $0x90000047  }
0x4f8: {  	s0 =	stileid.u32;
	[bflag:$0x2] =	sbarrier.arrive $0xFFFF  }
0x4f9: {  	p0 =	sne.s32 s0, $0x0;
	s0 =	rddreg [dreg:$0x7]  }
0x4fa: {  	s0 =	sadd.s32 @!p0 $0x100000, s0  }
0x4fb: {  	[sflag:s0] =	ssyncadd.tile.s32 @!p0 $0x1;
	_ =	shalt  }
.Lfunc_end2:
_tile_overlayer_lowered:
.L_overlay_start_2:
0x4fc: {  	(tag) =	ssettag $0x2  }
0x4fd: {  	s0 =	rddreg [dreg:$0x0];
	s2 =	stileid.u32  }
0x4fe: {  	s1 =	rddreg [dreg:$0x1];
	p0 =	sne.s32 s2, $0x0  }
0x4ff: {  	s3 =	rddreg [dreg:$0x2];
	[bflag:$0x3] =	sbarrier.arrive $0xFFFF;
	s2 =	simm.s32 @!p0 $0x1C03  }
0x500: {  	[timem:s3], [sflag:s2] =	dma.local @!p0 [hbm:s0], s1  }
0x501: {  	s0 =	simm.s32 @!p0 $0x3  }
0x502: {  	_ =	swait.ge @!p0 [sflag:s0], s1  }
0x503: {  	s1 =	ssub.s32 @!p0 $0x0, s1;
	[sflag:s0] =	ssyncset.done @!p0 $0x0  }
0x504: {  	[sflag:s0] =	ssyncadd.s32 @!p0 s1  }
0x505: {  	[bflag:$0x3] =	sbarrier.arrive $0xFFFF  }
0x506: {  	_ =	shalt  }

</sc_bundles>
